<compile_context>
chip_gen: v7x
topology: tpu7x:2x2x1
jax: 0.10.2.dev20260603
libtpu: 0.0.44.dev20260713+nightly
codegen_flags: <defaults>
</compile_context>

<pallas_src>
import jax
import jax.numpy as jnp
from jax import lax
from jax.experimental import pallas as pl
from jax.experimental.pallas import tpu as pltpu
from jax.experimental.pallas import tpu_sc as plsc

NG = 64
STOP = 20.0
E = 800000
C = 250
NCHUNK = E // C
NW = 32
KPW = NCHUNK // NW
NT = -(-C // 16)

_STEP = STOP / (NG - 1)
_COEFF = -0.5 / _STEP ** 2
_OFFS = [i * _STEP for i in range(NG)]


def _sc_body(el_hbm, et_hbm, emb_hbm, out_hbm,
             len_v, idx_v, rbf_v, bond_v, isem, osem, gsem):
    cid = lax.axis_index("c")
    sid = lax.axis_index("s")
    wid = sid * 2 + cid
    start = wid * KPW

    def issue_inputs(k, s):
        pltpu.async_copy(el_hbm.at[start + k], len_v[s].at[pl.ds(0, C)],
                         isem[s])
        pltpu.async_copy(et_hbm.at[start + k], idx_v[s], isem[s])

    def wait_inputs(k, s):
        pltpu.make_async_copy(el_hbm.at[start + k],
                              len_v[s].at[pl.ds(0, C)], isem[s]).wait()
        pltpu.make_async_copy(et_hbm.at[start + k], idx_v[s],
                              isem[s]).wait()

    def out_slices(k):
        rows = pl.ds((start + k) * C, C)
        return out_hbm.at[rows, pl.ds(0, NG)], out_hbm.at[rows, pl.ds(NG, NG)]

    def process(k, s):
        o_rbf, o_bond = out_slices(k)

        @pl.when(k >= 2)
        def _():
            pltpu.make_async_copy(rbf_v[s], o_rbf, osem[s]).wait()
            pltpu.make_async_copy(bond_v[s], o_bond, osem[s]).wait()

        wait_inputs(k, s)
        g0 = pltpu.async_copy(emb_hbm.at[idx_v[s].at[0]],
                              bond_v[s].at[pl.ds(0, 125)], gsem)
        g1 = pltpu.async_copy(emb_hbm.at[idx_v[s].at[1]],
                              bond_v[s].at[pl.ds(125, 125)], gsem)

        @pl.when(k + 1 < KPW)
        def _():
            issue_inputs(k + 1, 1 - s)

        def t_body(t, _):
            lv = len_v[s][pl.ds(t * 16, 16)]
            rows = t * 16 + lax.iota(jnp.int32, 16)
            mask = rows < C
            for j in range(NG):
                d = lv - _OFFS[j]
                v = jnp.exp((_COEFF * d) * d)
                plsc.store_scatter(
                    rbf_v[s], [rows, jnp.full((16,), j, jnp.int32)], v,
                    mask=mask)
            return 0

        lax.fori_loop(0, NT, t_body, 0)
        g0.wait()
        g1.wait()
        pltpu.async_copy(rbf_v[s], o_rbf, osem[s])
        pltpu.async_copy(bond_v[s], o_bond, osem[s])

    issue_inputs(0, 0)

    def pair_body(kk, carry):
        process(kk * 2, 0)
        process(kk * 2 + 1, 1)
        return carry

    lax.fori_loop(0, KPW // 2, pair_body, 0)

    for k, s in ((KPW - 2, 0), (KPW - 1, 1)):
        o_rbf, o_bond = out_slices(k)
        pltpu.make_async_copy(rbf_v[s], o_rbf, osem[s]).wait()
        pltpu.make_async_copy(bond_v[s], o_bond, osem[s]).wait()


def kernel(edge_length, edge_type, emb_table):
    el = edge_length.reshape(NCHUNK, C)
    et = edge_type.astype(jnp.int32).reshape(NCHUNK, 2, 125)

    f = pl.kernel(
        _sc_body,
        mesh=plsc.VectorSubcoreMesh(core_axis_name="c", subcore_axis_name="s"),
        out_type=jax.ShapeDtypeStruct((E, 2 * NG), jnp.float32),
        scratch_types=[
            [pltpu.VMEM((256,), jnp.float32) for _ in range(2)],
            [pltpu.VMEM((2, 125), jnp.int32) for _ in range(2)],
            [pltpu.VMEM((C, NG), jnp.float32) for _ in range(2)],
            [pltpu.VMEM((C, NG), jnp.float32) for _ in range(2)],
            [pltpu.SemaphoreType.DMA for _ in range(2)],
            [pltpu.SemaphoreType.DMA for _ in range(2)],
            pltpu.SemaphoreType.DMA,
        ],
        compiler_params=pltpu.CompilerParams(
            use_tc_tiling_on_sc=False, needs_layout_passes=False),
    )
    return f(el, et, emb_table)

# --- scband reference (transcript-rebuilt; emitter-appended) ---
"""Pipeline reference for scband-gaussian-smearing-edge-encoder-16776142258449 (READ-ONLY COPY).

The authoritative reference and input builder live on the scoring server;
editing this copy changes nothing except your own understanding.
"""

import jax, jax.numpy as jnp
import numpy as np

NUM_GAUSSIANS = 64
CUTOFF = 10.0
E = 800000


def setup_inputs(seed: int = 0) -> dict:
    key = jax.random.key(seed)
    k1, k2, k3 = jax.random.split(key, 3)
    edge_length = jax.random.uniform(k1, (E, 1), dtype=jnp.float32) * (CUTOFF * 2)
    edge_type = jax.random.randint(k2, (E,), 0, 100, dtype=jnp.int64 if jax.config.jax_enable_x64 else jnp.int32)
    # learned embedding table: Embedding(100, num_gaussians)
    emb_table = jax.random.normal(k3, (100, NUM_GAUSSIANS), dtype=jnp.float32)
    return {"edge_length": edge_length, "edge_type": edge_type, "emb_table": emb_table}


def _gaussian_smearing(dist, start=0.0, stop=CUTOFF * 2, num_gaussians=NUM_GAUSSIANS):
    offset = jnp.linspace(start, stop, num_gaussians, dtype=jnp.float32)
    coeff = -0.5 / (offset[1] - offset[0]) ** 2
    d = dist.reshape(-1, 1) - offset.reshape(1, -1)
    return jnp.exp(coeff * jnp.power(d, 2))


def reference(edge_length, edge_type, emb_table):
    rbf = _gaussian_smearing(edge_length)
    bond = jnp.take(emb_table, edge_type, axis=0)
    edge_attr = jnp.concatenate([rbf, bond], axis=1)
    return edge_attr

if __name__ == "__main__":
    import jax
    _d = setup_inputs()
    print(jax.jit(kernel)(*tuple(_d.values())))

</pallas_src>

<mosaic_0001>
#map = affine_map<(d0, d1) -> (0, 0)>
#map1 = affine_map<(d0, d1) -> (0, 0, 0)>
module attributes {stable_mosaic.version = 14 : i64} {
  func.func @_sc_body(%arg0: i32, %arg1: i32, %arg2: memref<3200x250xf32, #tpu.memory_space<hbm>>, %arg3: memref<3200x2x125xi32, #tpu.memory_space<hbm>>, %arg4: memref<100x64xf32, #tpu.memory_space<hbm>>, %arg5: memref<800000x128xf32, #tpu.memory_space<hbm>>, %arg6: memref<256xf32, #tpu.memory_space<vmem>>, %arg7: memref<256xf32, #tpu.memory_space<vmem>>, %arg8: memref<2x125xi32, #tpu.memory_space<vmem>>, %arg9: memref<2x125xi32, #tpu.memory_space<vmem>>, %arg10: memref<250x64xf32, #tpu.memory_space<vmem>>, %arg11: memref<250x64xf32, #tpu.memory_space<vmem>>, %arg12: memref<250x64xf32, #tpu.memory_space<vmem>>, %arg13: memref<250x64xf32, #tpu.memory_space<vmem>>, %arg14: memref<!tpu.dma_semaphore, #tpu.memory_space<semaphore_mem>>, %arg15: memref<!tpu.dma_semaphore, #tpu.memory_space<semaphore_mem>>, %arg16: memref<!tpu.dma_semaphore, #tpu.memory_space<semaphore_mem>>, %arg17: memref<!tpu.dma_semaphore, #tpu.memory_space<semaphore_mem>>, %arg18: memref<!tpu.dma_semaphore, #tpu.memory_space<semaphore_mem>>) attributes {dimension_semantics = [#tpu.dimension_semantics<core_parallel>, #tpu.dimension_semantics<subcore_parallel>], iteration_bounds = array<i64: 2, 16>, scalar_prefetch = 0 : i64, scratch_operands = 13 : i64, tpu.core_type = #tpu.core_type<sc_vector_subcore>, window_params = [{transform_indices = #map}, {transform_indices = #map1}, {transform_indices = #map}, {transform_indices = #map}]} {
    %mul3A = arith.constant 2 : i32
    %mul3A_0 = arith.muli %arg1, %mul3A : i32
    %add3A = arith.addi %mul3A_0, %arg0 : i32
    %mul3A_1 = arith.constant 100 : i32
    %mul3A_2 = arith.muli %add3A, %mul3A_1 : i32
    %add3A_3 = arith.constant 0 : i32
    %add3A_4 = arith.addi %mul3A_2, %add3A_3 : i32
    %dma_start3A = arith.constant 0 : i32
    %dma_start3A_5 = tpu.memref_slice %arg6[%dma_start3A] : memref<256xf32, #tpu.memory_space<vmem>> -> memref<250xf32, #tpu.memory_space<vmem>>
    %dma_start3A_6 = arith.constant 0 : i32
    %dma_start3A_7 = tpu.memref_slice %arg2[%add3A_4, %dma_start3A_6] : memref<3200x250xf32, #tpu.memory_space<hbm>> -> memref<1x250xf32, #tpu.memory_space<hbm>>
    %dma_start3A_8 = tpu.memref_squeeze %dma_start3A_7 : memref<1x250xf32, #tpu.memory_space<hbm>> -> memref<250xf32, #tpu.memory_space<hbm>>
    %dma_start3A_9 = arith.constant 0 : i32
    %dma_start3A_10 = tpu.memref_slice %arg6[%dma_start3A_9] : memref<256xf32, #tpu.memory_space<vmem>> -> memref<250xf32, #tpu.memory_space<vmem>>
    %dma_start3A_11 = arith.constant 0 : i32
    %dma_start3A_12 = tpu.memref_slice %arg2[%add3A_4, %dma_start3A_11] : memref<3200x250xf32, #tpu.memory_space<hbm>> -> memref<1x250xf32, #tpu.memory_space<hbm>>
    %dma_start3A_13 = tpu.memref_squeeze %dma_start3A_12 : memref<1x250xf32, #tpu.memory_space<hbm>> -> memref<250xf32, #tpu.memory_space<hbm>>
    tpu.enqueue_dma source(%dma_start3A_13 : memref<250xf32, #tpu.memory_space<hbm>>) target(%dma_start3A_10 : memref<250xf32, #tpu.memory_space<vmem>>) target_semaphore(%arg14 : memref<!tpu.dma_semaphore, #tpu.memory_space<semaphore_mem>>)
    %add3A_14 = arith.constant 0 : i32
    %add3A_15 = arith.addi %mul3A_2, %add3A_14 : i32
    %dma_start3A_16 = arith.constant 0 : i32
    %dma_start3A_17 = arith.constant 0 : i32
    %dma_start3A_18 = tpu.memref_slice %arg3[%add3A_15, %dma_start3A_16, %dma_start3A_17] : memref<3200x2x125xi32, #tpu.memory_space<hbm>> -> memref<1x2x125xi32, #tpu.memory_space<hbm>>
    %dma_start3A_19 = tpu.memref_squeeze %dma_start3A_18 : memref<1x2x125xi32, #tpu.memory_space<hbm>> -> memref<2x125xi32, #tpu.memory_space<hbm>>
    %dma_start3A_20 = arith.constant 0 : i32
    %dma_start3A_21 = arith.constant 0 : i32
    %dma_start3A_22 = tpu.memref_slice %arg3[%add3A_15, %dma_start3A_20, %dma_start3A_21] : memref<3200x2x125xi32, #tpu.memory_space<hbm>> -> memref<1x2x125xi32, #tpu.memory_space<hbm>>
    %dma_start3A_23 = tpu.memref_squeeze %dma_start3A_22 : memref<1x2x125xi32, #tpu.memory_space<hbm>> -> memref<2x125xi32, #tpu.memory_space<hbm>>
    tpu.enqueue_dma source(%dma_start3A_23 : memref<2x125xi32, #tpu.memory_space<hbm>>) target(%arg8 : memref<2x125xi32, #tpu.memory_space<vmem>>) target_semaphore(%arg14 : memref<!tpu.dma_semaphore, #tpu.memory_space<semaphore_mem>>)
    %scan3A = arith.constant 0 : i32
    %scan3A_24 = arith.constant 0 : i32
    %scan3A_25 = arith.constant 50 : i32
    %scan3A_26 = arith.addi %scan3A_24, %scan3A_25 : i32
    %scan3A_27 = arith.constant 1 : i32
    scf.for %scan3A_52 = %scan3A_24 to %scan3A_26 step %scan3A_27  : i32 {
      %mul3A_53 = arith.constant 2 : i32
      %mul3A_54 = arith.muli %scan3A_52, %mul3A_53 : i32
      %add3A_55 = arith.addi %mul3A_2, %mul3A_54 : i32
      %mul3A_56 = arith.constant 250 : i32
      %mul3A_57 = arith.muli %add3A_55, %mul3A_56 : i32
      %ge3A = arith.constant 2 : i32
      %ge3A_58 = arith.cmpi sge, %mul3A_54, %ge3A : i32
      %convert_element_type3A = arith.extui %ge3A_58 : i1 to i32
      %cond3A = arith.constant 0 : i32
      %cond3A_59 = arith.cmpi ne, %convert_element_type3A, %cond3A : i32
      scf.if %cond3A_59 {
        %dma_wait3A_235 = arith.constant 0 : i32
        %dma_wait3A_236 = tpu.memref_slice %arg5[%mul3A_57, %dma_wait3A_235] : memref<800000x128xf32, #tpu.memory_space<hbm>> -> memref<250x64xf32, #tpu.memory_space<hbm>>
        %dma_wait3A_237 = arith.constant 0 : i32
        %dma_wait3A_238 = tpu.memref_slice %arg5[%mul3A_57, %dma_wait3A_237] : memref<800000x128xf32, #tpu.memory_space<hbm>> -> memref<250x64xf32, #tpu.memory_space<hbm>>
        tpu.wait_dma2 semaphore(%arg16 : memref<!tpu.dma_semaphore, #tpu.memory_space<semaphore_mem>>) src(%arg10 : memref<250x64xf32, #tpu.memory_space<vmem>>) dst(%dma_wait3A_238 : memref<250x64xf32, #tpu.memory_space<hbm>>)
        %dma_wait3A_239 = arith.constant 64 : i32
        %dma_wait3A_240 = tpu.memref_slice %arg5[%mul3A_57, %dma_wait3A_239] : memref<800000x128xf32, #tpu.memory_space<hbm>> -> memref<250x64xf32, #tpu.memory_space<hbm>>
        %dma_wait3A_241 = arith.constant 64 : i32
        %dma_wait3A_242 = tpu.memref_slice %arg5[%mul3A_57, %dma_wait3A_241] : memref<800000x128xf32, #tpu.memory_space<hbm>> -> memref<250x64xf32, #tpu.memory_space<hbm>>
        tpu.wait_dma2 semaphore(%arg16 : memref<!tpu.dma_semaphore, #tpu.memory_space<semaphore_mem>>) src(%arg12 : memref<250x64xf32, #tpu.memory_space<vmem>>) dst(%dma_wait3A_242 : memref<250x64xf32, #tpu.memory_space<hbm>>)
      } else {
      }
      %add3A_60 = arith.addi %mul3A_2, %mul3A_54 : i32
      %dma_wait3A_61 = arith.constant 0 : i32
      %dma_wait3A_62 = tpu.memref_slice %arg6[%dma_wait3A_61] : memref<256xf32, #tpu.memory_space<vmem>> -> memref<250xf32, #tpu.memory_space<vmem>>
      %dma_wait3A_63 = arith.constant 0 : i32
      %dma_wait3A_64 = tpu.memref_slice %arg2[%add3A_60, %dma_wait3A_63] : memref<3200x250xf32, #tpu.memory_space<hbm>> -> memref<1x250xf32, #tpu.memory_space<hbm>>
      %dma_wait3A_65 = tpu.memref_squeeze %dma_wait3A_64 : memref<1x250xf32, #tpu.memory_space<hbm>> -> memref<250xf32, #tpu.memory_space<hbm>>
      %dma_wait3A_66 = arith.constant 0 : i32
      %dma_wait3A_67 = tpu.memref_slice %arg6[%dma_wait3A_66] : memref<256xf32, #tpu.memory_space<vmem>> -> memref<250xf32, #tpu.memory_space<vmem>>
      %dma_wait3A_68 = arith.constant 0 : i32
      %dma_wait3A_69 = tpu.memref_slice %arg2[%add3A_60, %dma_wait3A_68] : memref<3200x250xf32, #tpu.memory_space<hbm>> -> memref<1x250xf32, #tpu.memory_space<hbm>>
      %dma_wait3A_70 = tpu.memref_squeeze %dma_wait3A_69 : memref<1x250xf32, #tpu.memory_space<hbm>> -> memref<250xf32, #tpu.memory_space<hbm>>
      tpu.wait_dma2 semaphore(%arg14 : memref<!tpu.dma_semaphore, #tpu.memory_space<semaphore_mem>>) src(%dma_wait3A_70 : memref<250xf32, #tpu.memory_space<hbm>>) dst(%dma_wait3A_67 : memref<250xf32, #tpu.memory_space<vmem>>)
      %add3A_71 = arith.addi %mul3A_2, %mul3A_54 : i32
      %dma_wait3A_72 = arith.constant 0 : i32
      %dma_wait3A_73 = arith.constant 0 : i32
      %dma_wait3A_74 = tpu.memref_slice %arg3[%add3A_71, %dma_wait3A_72, %dma_wait3A_73] : memref<3200x2x125xi32, #tpu.memory_space<hbm>> -> memref<1x2x125xi32, #tpu.memory_space<hbm>>
      %dma_wait3A_75 = tpu.memref_squeeze %dma_wait3A_74 : memref<1x2x125xi32, #tpu.memory_space<hbm>> -> memref<2x125xi32, #tpu.memory_space<hbm>>
      %dma_wait3A_76 = arith.constant 0 : i32
      %dma_wait3A_77 = arith.constant 0 : i32
      %dma_wait3A_78 = tpu.memref_slice %arg3[%add3A_71, %dma_wait3A_76, %dma_wait3A_77] : memref<3200x2x125xi32, #tpu.memory_space<hbm>> -> memref<1x2x125xi32, #tpu.memory_space<hbm>>
      %dma_wait3A_79 = tpu.memref_squeeze %dma_wait3A_78 : memref<1x2x125xi32, #tpu.memory_space<hbm>> -> memref<2x125xi32, #tpu.memory_space<hbm>>
      tpu.wait_dma2 semaphore(%arg14 : memref<!tpu.dma_semaphore, #tpu.memory_space<semaphore_mem>>) src(%dma_wait3A_79 : memref<2x125xi32, #tpu.memory_space<hbm>>) dst(%arg8 : memref<2x125xi32, #tpu.memory_space<vmem>>)
      %dma_start3A_80 = arith.constant 0 : i32
      %dma_start3A_81 = arith.constant 0 : i32
      %dma_start3A_82 = arith.constant 0 : i32
      %dma_start3A_83 = tpu.memref_slice %arg12[%dma_start3A_81, %dma_start3A_82] : memref<250x64xf32, #tpu.memory_space<vmem>> -> memref<125x64xf32, #tpu.memory_space<vmem>>
      %dma_start3A_84 = arith.constant 0 : i32
      %dma_start3A_85 = tpu.memref_slice %arg8[%dma_start3A_80, %dma_start3A_84] : memref<2x125xi32, #tpu.memory_space<vmem>> -> memref<1x125xi32, #tpu.memory_space<vmem>>
      %dma_start3A_86 = tpu.memref_squeeze %dma_start3A_85 : memref<1x125xi32, #tpu.memory_space<vmem>> -> memref<125xi32, #tpu.memory_space<vmem>>
      %dma_start3A_87 = arith.constant 0 : i32
      %dma_start3A_88 = arith.constant 0 : i32
      %dma_start3A_89 = tpu.memref_slice %arg4[%dma_start3A_87, %dma_start3A_88] : memref<100x64xf32, #tpu.memory_space<hbm>> -> memref<100x64xf32, #tpu.memory_space<hbm>>
      tpu.enqueue_indirect_dma source(%dma_start3A_89 : memref<100x64xf32, #tpu.memory_space<hbm>>) target(%dma_start3A_83 : memref<125x64xf32, #tpu.memory_space<vmem>>) offsets(%dma_start3A_86 : memref<125xi32, #tpu.memory_space<vmem>>) semaphore(%arg18 : memref<!tpu.dma_semaphore, #tpu.memory_space<semaphore_mem>>)
      %dma_start3A_90 = arith.constant 1 : i32
      %dma_start3A_91 = arith.constant 125 : i32
      %dma_start3A_92 = arith.constant 0 : i32
      %dma_start3A_93 = tpu.memref_slice %arg12[%dma_start3A_91, %dma_start3A_92] : memref<250x64xf32, #tpu.memory_space<vmem>> -> memref<125x64xf32, #tpu.memory_space<vmem>>
      %dma_start3A_94 = arith.constant 0 : i32
      %dma_start3A_95 = tpu.memref_slice %arg8[%dma_start3A_90, %dma_start3A_94] : memref<2x125xi32, #tpu.memory_space<vmem>> -> memref<1x125xi32, #tpu.memory_space<vmem>>
      %dma_start3A_96 = tpu.memref_squeeze %dma_start3A_95 : memref<1x125xi32, #tpu.memory_space<vmem>> -> memref<125xi32, #tpu.memory_space<vmem>>
      %dma_start3A_97 = arith.constant 0 : i32
      %dma_start3A_98 = arith.constant 0 : i32
      %dma_start3A_99 = tpu.memref_slice %arg4[%dma_start3A_97, %dma_start3A_98] : memref<100x64xf32, #tpu.memory_space<hbm>> -> memref<100x64xf32, #tpu.memory_space<hbm>>
      tpu.enqueue_indirect_dma source(%dma_start3A_99 : memref<100x64xf32, #tpu.memory_space<hbm>>) target(%dma_start3A_93 : memref<125x64xf32, #tpu.memory_space<vmem>>) offsets(%dma_start3A_96 : memref<125xi32, #tpu.memory_space<vmem>>) semaphore(%arg18 : memref<!tpu.dma_semaphore, #tpu.memory_space<semaphore_mem>>)
      %add3A_100 = arith.constant 1 : i32
      %add3A_101 = arith.addi %mul3A_54, %add3A_100 : i32
      %lt3A = arith.constant 100 : i32
      %lt3A_102 = arith.cmpi slt, %add3A_101, %lt3A : i32
      %convert_element_type3A_103 = arith.extui %lt3A_102 : i1 to i32
      %cond3A_104 = arith.constant 0 : i32
      %cond3A_105 = arith.cmpi ne, %convert_element_type3A_103, %cond3A_104 : i32
      scf.if %cond3A_105 {
        %add3A_235 = arith.constant 1 : i32
        %add3A_236 = arith.addi %mul3A_54, %add3A_235 : i32
        %add3A_237 = arith.addi %mul3A_2, %add3A_236 : i32
        %dma_start3A_238 = arith.constant 0 : i32
        %dma_start3A_239 = tpu.memref_slice %arg7[%dma_start3A_238] : memref<256xf32, #tpu.memory_space<vmem>> -> memref<250xf32, #tpu.memory_space<vmem>>
        %dma_start3A_240 = arith.constant 0 : i32
        %dma_start3A_241 = tpu.memref_slice %arg2[%add3A_237, %dma_start3A_240] : memref<3200x250xf32, #tpu.memory_space<hbm>> -> memref<1x250xf32, #tpu.memory_space<hbm>>
        %dma_start3A_242 = tpu.memref_squeeze %dma_start3A_241 : memref<1x250xf32, #tpu.memory_space<hbm>> -> memref<250xf32, #tpu.memory_space<hbm>>
        %dma_start3A_243 = arith.constant 0 : i32
        %dma_start3A_244 = tpu.memref_slice %arg7[%dma_start3A_243] : memref<256xf32, #tpu.memory_space<vmem>> -> memref<250xf32, #tpu.memory_space<vmem>>
        %dma_start3A_245 = arith.constant 0 : i32
        %dma_start3A_246 = tpu.memref_slice %arg2[%add3A_237, %dma_start3A_245] : memref<3200x250xf32, #tpu.memory_space<hbm>> -> memref<1x250xf32, #tpu.memory_space<hbm>>
        %dma_start3A_247 = tpu.memref_squeeze %dma_start3A_246 : memref<1x250xf32, #tpu.memory_space<hbm>> -> memref<250xf32, #tpu.memory_space<hbm>>
        tpu.enqueue_dma source(%dma_start3A_247 : memref<250xf32, #tpu.memory_space<hbm>>) target(%dma_start3A_244 : memref<250xf32, #tpu.memory_space<vmem>>) target_semaphore(%arg15 : memref<!tpu.dma_semaphore, #tpu.memory_space<semaphore_mem>>)
        %add3A_248 = arith.addi %mul3A_2, %add3A_236 : i32
        %dma_start3A_249 = arith.constant 0 : i32
        %dma_start3A_250 = arith.constant 0 : i32
        %dma_start3A_251 = tpu.memref_slice %arg3[%add3A_248, %dma_start3A_249, %dma_start3A_250] : memref<3200x2x125xi32, #tpu.memory_space<hbm>> -> memref<1x2x125xi32, #tpu.memory_space<hbm>>
        %dma_start3A_252 = tpu.memref_squeeze %dma_start3A_251 : memref<1x2x125xi32, #tpu.memory_space<hbm>> -> memref<2x125xi32, #tpu.memory_space<hbm>>
        %dma_start3A_253 = arith.constant 0 : i32
        %dma_start3A_254 = arith.constant 0 : i32
        %dma_start3A_255 = tpu.memref_slice %arg3[%add3A_248, %dma_start3A_253, %dma_start3A_254] : memref<3200x2x125xi32, #tpu.memory_space<hbm>> -> memref<1x2x125xi32, #tpu.memory_space<hbm>>
        %dma_start3A_256 = tpu.memref_squeeze %dma_start3A_255 : memref<1x2x125xi32, #tpu.memory_space<hbm>> -> memref<2x125xi32, #tpu.memory_space<hbm>>
        tpu.enqueue_dma source(%dma_start3A_256 : memref<2x125xi32, #tpu.memory_space<hbm>>) target(%arg9 : memref<2x125xi32, #tpu.memory_space<vmem>>) target_semaphore(%arg15 : memref<!tpu.dma_semaphore, #tpu.memory_space<semaphore_mem>>)
      } else {
      }
      %scan3A_106 = arith.constant 0 : i32
      %scan3A_107 = arith.constant 0 : i32
      %scan3A_108 = arith.constant 16 : i32
      %scan3A_109 = arith.addi %scan3A_107, %scan3A_108 : i32
      %scan3A_110 = arith.constant 1 : i32
      %scan3A_111 = scf.for %scan3A_235 = %scan3A_107 to %scan3A_109 step %scan3A_110 iter_args(%scan3A_236 = %scan3A_106) -> (i32)  : i32 {
        %mul3A_237 = arith.constant 16 : i32
        %mul3A_238 = arith.muli %scan3A_235, %mul3A_237 : i32
        %get3A = arith.index_cast %mul3A_238 : i32 to index
        %get3A_239 = tpu.vector_load %arg6[%get3A] {strides = array<i32>} : memref<256xf32, #tpu.memory_space<vmem>>, vector<16xf32>,
        %mul3A_240 = arith.constant 16 : i32
        %mul3A_241 = arith.muli %scan3A_235, %mul3A_240 : i32
        %iota3A = tpu.iota {dimensions = array<i32: 0>} : vector<16xi32>
        %add3A_242 = vector.broadcast %mul3A_241 : i32 to vector<16xi32>
        %add3A_243 = arith.addi %add3A_242, %iota3A : vector<16xi32>
        %lt3A_244 = arith.constant 250 : i32
        %lt3A_245 = vector.broadcast %lt3A_244 : i32 to vector<16xi32>
        %lt3A_246 = arith.cmpi slt, %add3A_243, %lt3A_245 : vector<16xi32>
        %sub3A = arith.constant 0.000000e+00 : f32
        %sub3A_247 = vector.broadcast %sub3A : f32 to vector<16xf32>
        %sub3A_248 = arith.subf %get3A_239, %sub3A_247 : vector<16xf32>
        %mul3A_249 = arith.constant -4.961250e+00 : f32
        %mul3A_250 = vector.broadcast %mul3A_249 : f32 to vector<16xf32>
        %mul3A_251 = arith.mulf %mul3A_250, %sub3A_248 : vector<16xf32>
        %mul3A_252 = arith.mulf %mul3A_251, %sub3A_248 : vector<16xf32>
        %exp3A = math.exp %mul3A_252 : vector<16xf32>
        %broadcast_in_dim3A = arith.constant 0 : i32
        %broadcast_in_dim3A_253 = vector.broadcast %broadcast_in_dim3A : i32 to vector<16xi32>
        tpu.vector_store_idx %arg10[%add3A_243, %broadcast_in_dim3A_253], %exp3A masked %lt3A_246 : memref<250x64xf32, #tpu.memory_space<vmem>>[vector<16xi32>, vector<16xi32>], vector<16xf32>, vector<16xi1>
        %sub3A_254 = arith.constant 0.317460328 : f32
        %sub3A_255 = vector.broadcast %sub3A_254 : f32 to vector<16xf32>
        %sub3A_256 = arith.subf %get3A_239, %sub3A_255 : vector<16xf32>
        %mul3A_257 = arith.constant -4.961250e+00 : f32
        %mul3A_258 = vector.broadcast %mul3A_257 : f32 to vector<16xf32>
        %mul3A_259 = arith.mulf %mul3A_258, %sub3A_256 : vector<16xf32>
        %mul3A_260 = arith.mulf %mul3A_259, %sub3A_256 : vector<16xf32>
        %exp3A_261 = math.exp %mul3A_260 : vector<16xf32>
        %broadcast_in_dim3A_262 = arith.constant 1 : i32
        %broadcast_in_dim3A_263 = vector.broadcast %broadcast_in_dim3A_262 : i32 to vector<16xi32>
        tpu.vector_store_idx %arg10[%add3A_243, %broadcast_in_dim3A_263], %exp3A_261 masked %lt3A_246 : memref<250x64xf32, #tpu.memory_space<vmem>>[vector<16xi32>, vector<16xi32>], vector<16xf32>, vector<16xi1>
        %sub3A_264 = arith.constant 0.634920656 : f32
        %sub3A_265 = vector.broadcast %sub3A_264 : f32 to vector<16xf32>
        %sub3A_266 = arith.subf %get3A_239, %sub3A_265 : vector<16xf32>
        %mul3A_267 = arith.constant -4.961250e+00 : f32
        %mul3A_268 = vector.broadcast %mul3A_267 : f32 to vector<16xf32>
        %mul3A_269 = arith.mulf %mul3A_268, %sub3A_266 : vector<16xf32>
        %mul3A_270 = arith.mulf %mul3A_269, %sub3A_266 : vector<16xf32>
        %exp3A_271 = math.exp %mul3A_270 : vector<16xf32>
        %broadcast_in_dim3A_272 = arith.constant 2 : i32
        %broadcast_in_dim3A_273 = vector.broadcast %broadcast_in_dim3A_272 : i32 to vector<16xi32>
        tpu.vector_store_idx %arg10[%add3A_243, %broadcast_in_dim3A_273], %exp3A_271 masked %lt3A_246 : memref<250x64xf32, #tpu.memory_space<vmem>>[vector<16xi32>, vector<16xi32>], vector<16xf32>, vector<16xi1>
        %sub3A_274 = arith.constant 0.952380955 : f32
        %sub3A_275 = vector.broadcast %sub3A_274 : f32 to vector<16xf32>
        %sub3A_276 = arith.subf %get3A_239, %sub3A_275 : vector<16xf32>
        %mul3A_277 = arith.constant -4.961250e+00 : f32
        %mul3A_278 = vector.broadcast %mul3A_277 : f32 to vector<16xf32>
        %mul3A_279 = arith.mulf %mul3A_278, %sub3A_276 : vector<16xf32>
        %mul3A_280 = arith.mulf %mul3A_279, %sub3A_276 : vector<16xf32>
        %exp3A_281 = math.exp %mul3A_280 : vector<16xf32>
        %broadcast_in_dim3A_282 = arith.constant 3 : i32
        %broadcast_in_dim3A_283 = vector.broadcast %broadcast_in_dim3A_282 : i32 to vector<16xi32>
        tpu.vector_store_idx %arg10[%add3A_243, %broadcast_in_dim3A_283], %exp3A_281 masked %lt3A_246 : memref<250x64xf32, #tpu.memory_space<vmem>>[vector<16xi32>, vector<16xi32>], vector<16xf32>, vector<16xi1>
        %sub3A_284 = arith.constant 1.26984131 : f32
        %sub3A_285 = vector.broadcast %sub3A_284 : f32 to vector<16xf32>
        %sub3A_286 = arith.subf %get3A_239, %sub3A_285 : vector<16xf32>
        %mul3A_287 = arith.constant -4.961250e+00 : f32
        %mul3A_288 = vector.broadcast %mul3A_287 : f32 to vector<16xf32>
        %mul3A_289 = arith.mulf %mul3A_288, %sub3A_286 : vector<16xf32>
        %mul3A_290 = arith.mulf %mul3A_289, %sub3A_286 : vector<16xf32>
        %exp3A_291 = math.exp %mul3A_290 : vector<16xf32>
        %broadcast_in_dim3A_292 = arith.constant 4 : i32
        %broadcast_in_dim3A_293 = vector.broadcast %broadcast_in_dim3A_292 : i32 to vector<16xi32>
        tpu.vector_store_idx %arg10[%add3A_243, %broadcast_in_dim3A_293], %exp3A_291 masked %lt3A_246 : memref<250x64xf32, #tpu.memory_space<vmem>>[vector<16xi32>, vector<16xi32>], vector<16xf32>, vector<16xi1>
        %sub3A_294 = arith.constant 1.58730161 : f32
        %sub3A_295 = vector.broadcast %sub3A_294 : f32 to vector<16xf32>
        %sub3A_296 = arith.subf %get3A_239, %sub3A_295 : vector<16xf32>
        %mul3A_297 = arith.constant -4.961250e+00 : f32
        %mul3A_298 = vector.broadcast %mul3A_297 : f32 to vector<16xf32>
        %mul3A_299 = arith.mulf %mul3A_298, %sub3A_296 : vector<16xf32>
        %mul3A_300 = arith.mulf %mul3A_299, %sub3A_296 : vector<16xf32>
        %exp3A_301 = math.exp %mul3A_300 : vector<16xf32>
        %broadcast_in_dim3A_302 = arith.constant 5 : i32
        %broadcast_in_dim3A_303 = vector.broadcast %broadcast_in_dim3A_302 : i32 to vector<16xi32>
        tpu.vector_store_idx %arg10[%add3A_243, %broadcast_in_dim3A_303], %exp3A_301 masked %lt3A_246 : memref<250x64xf32, #tpu.memory_space<vmem>>[vector<16xi32>, vector<16xi32>], vector<16xf32>, vector<16xi1>
        %sub3A_304 = arith.constant 1.90476191 : f32
        %sub3A_305 = vector.broadcast %sub3A_304 : f32 to vector<16xf32>
        %sub3A_306 = arith.subf %get3A_239, %sub3A_305 : vector<16xf32>
        %mul3A_307 = arith.constant -4.961250e+00 : f32
        %mul3A_308 = vector.broadcast %mul3A_307 : f32 to vector<16xf32>
        %mul3A_309 = arith.mulf %mul3A_308, %sub3A_306 : vector<16xf32>
        %mul3A_310 = arith.mulf %mul3A_309, %sub3A_306 : vector<16xf32>
        %exp3A_311 = math.exp %mul3A_310 : vector<16xf32>
        %broadcast_in_dim3A_312 = arith.constant 6 : i32
        %broadcast_in_dim3A_313 = vector.broadcast %broadcast_in_dim3A_312 : i32 to vector<16xi32>
        tpu.vector_store_idx %arg10[%add3A_243, %broadcast_in_dim3A_313], %exp3A_311 masked %lt3A_246 : memref<250x64xf32, #tpu.memory_space<vmem>>[vector<16xi32>, vector<16xi32>], vector<16xf32>, vector<16xi1>
        %sub3A_314 = arith.constant 2.22222233 : f32
        %sub3A_315 = vector.broadcast %sub3A_314 : f32 to vector<16xf32>
        %sub3A_316 = arith.subf %get3A_239, %sub3A_315 : vector<16xf32>
        %mul3A_317 = arith.constant -4.961250e+00 : f32
        %mul3A_318 = vector.broadcast %mul3A_317 : f32 to vector<16xf32>
        %mul3A_319 = arith.mulf %mul3A_318, %sub3A_316 : vector<16xf32>
        %mul3A_320 = arith.mulf %mul3A_319, %sub3A_316 : vector<16xf32>
        %exp3A_321 = math.exp %mul3A_320 : vector<16xf32>
        %broadcast_in_dim3A_322 = arith.constant 7 : i32
        %broadcast_in_dim3A_323 = vector.broadcast %broadcast_in_dim3A_322 : i32 to vector<16xi32>
        tpu.vector_store_idx %arg10[%add3A_243, %broadcast_in_dim3A_323], %exp3A_321 masked %lt3A_246 : memref<250x64xf32, #tpu.memory_space<vmem>>[vector<16xi32>, vector<16xi32>], vector<16xf32>, vector<16xi1>
        %sub3A_324 = arith.constant 2.53968263 : f32
        %sub3A_325 = vector.broadcast %sub3A_324 : f32 to vector<16xf32>
        %sub3A_326 = arith.subf %get3A_239, %sub3A_325 : vector<16xf32>
        %mul3A_327 = arith.constant -4.961250e+00 : f32
        %mul3A_328 = vector.broadcast %mul3A_327 : f32 to vector<16xf32>
        %mul3A_329 = arith.mulf %mul3A_328, %sub3A_326 : vector<16xf32>
        %mul3A_330 = arith.mulf %mul3A_329, %sub3A_326 : vector<16xf32>
        %exp3A_331 = math.exp %mul3A_330 : vector<16xf32>
        %broadcast_in_dim3A_332 = arith.constant 8 : i32
        %broadcast_in_dim3A_333 = vector.broadcast %broadcast_in_dim3A_332 : i32 to vector<16xi32>
        tpu.vector_store_idx %arg10[%add3A_243, %broadcast_in_dim3A_333], %exp3A_331 masked %lt3A_246 : memref<250x64xf32, #tpu.memory_space<vmem>>[vector<16xi32>, vector<16xi32>], vector<16xf32>, vector<16xi1>
        %sub3A_334 = arith.constant 2.85714293 : f32
        %sub3A_335 = vector.broadcast %sub3A_334 : f32 to vector<16xf32>
        %sub3A_336 = arith.subf %get3A_239, %sub3A_335 : vector<16xf32>
        %mul3A_337 = arith.constant -4.961250e+00 : f32
        %mul3A_338 = vector.broadcast %mul3A_337 : f32 to vector<16xf32>
        %mul3A_339 = arith.mulf %mul3A_338, %sub3A_336 : vector<16xf32>
        %mul3A_340 = arith.mulf %mul3A_339, %sub3A_336 : vector<16xf32>
        %exp3A_341 = math.exp %mul3A_340 : vector<16xf32>
        %broadcast_in_dim3A_342 = arith.constant 9 : i32
        %broadcast_in_dim3A_343 = vector.broadcast %broadcast_in_dim3A_342 : i32 to vector<16xi32>
        tpu.vector_store_idx %arg10[%add3A_243, %broadcast_in_dim3A_343], %exp3A_341 masked %lt3A_246 : memref<250x64xf32, #tpu.memory_space<vmem>>[vector<16xi32>, vector<16xi32>], vector<16xf32>, vector<16xi1>
        %sub3A_344 = arith.constant 3.17460322 : f32
        %sub3A_345 = vector.broadcast %sub3A_344 : f32 to vector<16xf32>
        %sub3A_346 = arith.subf %get3A_239, %sub3A_345 : vector<16xf32>
        %mul3A_347 = arith.constant -4.961250e+00 : f32
        %mul3A_348 = vector.broadcast %mul3A_347 : f32 to vector<16xf32>
        %mul3A_349 = arith.mulf %mul3A_348, %sub3A_346 : vector<16xf32>
        %mul3A_350 = arith.mulf %mul3A_349, %sub3A_346 : vector<16xf32>
        %exp3A_351 = math.exp %mul3A_350 : vector<16xf32>
        %broadcast_in_dim3A_352 = arith.constant 10 : i32
        %broadcast_in_dim3A_353 = vector.broadcast %broadcast_in_dim3A_352 : i32 to vector<16xi32>
        tpu.vector_store_idx %arg10[%add3A_243, %broadcast_in_dim3A_353], %exp3A_351 masked %lt3A_246 : memref<250x64xf32, #tpu.memory_space<vmem>>[vector<16xi32>, vector<16xi32>], vector<16xf32>, vector<16xi1>
        %sub3A_354 = arith.constant 3.49206352 : f32
        %sub3A_355 = vector.broadcast %sub3A_354 : f32 to vector<16xf32>
        %sub3A_356 = arith.subf %get3A_239, %sub3A_355 : vector<16xf32>
        %mul3A_357 = arith.constant -4.961250e+00 : f32
        %mul3A_358 = vector.broadcast %mul3A_357 : f32 to vector<16xf32>
        %mul3A_359 = arith.mulf %mul3A_358, %sub3A_356 : vector<16xf32>
        %mul3A_360 = arith.mulf %mul3A_359, %sub3A_356 : vector<16xf32>
        %exp3A_361 = math.exp %mul3A_360 : vector<16xf32>
        %broadcast_in_dim3A_362 = arith.constant 11 : i32
        %broadcast_in_dim3A_363 = vector.broadcast %broadcast_in_dim3A_362 : i32 to vector<16xi32>
        tpu.vector_store_idx %arg10[%add3A_243, %broadcast_in_dim3A_363], %exp3A_361 masked %lt3A_246 : memref<250x64xf32, #tpu.memory_space<vmem>>[vector<16xi32>, vector<16xi32>], vector<16xf32>, vector<16xi1>
        %sub3A_364 = arith.constant 3.80952382 : f32
        %sub3A_365 = vector.broadcast %sub3A_364 : f32 to vector<16xf32>
        %sub3A_366 = arith.subf %get3A_239, %sub3A_365 : vector<16xf32>
        %mul3A_367 = arith.constant -4.961250e+00 : f32
        %mul3A_368 = vector.broadcast %mul3A_367 : f32 to vector<16xf32>
        %mul3A_369 = arith.mulf %mul3A_368, %sub3A_366 : vector<16xf32>
        %mul3A_370 = arith.mulf %mul3A_369, %sub3A_366 : vector<16xf32>
        %exp3A_371 = math.exp %mul3A_370 : vector<16xf32>
        %broadcast_in_dim3A_372 = arith.constant 12 : i32
        %broadcast_in_dim3A_373 = vector.broadcast %broadcast_in_dim3A_372 : i32 to vector<16xi32>
        tpu.vector_store_idx %arg10[%add3A_243, %broadcast_in_dim3A_373], %exp3A_371 masked %lt3A_246 : memref<250x64xf32, #tpu.memory_space<vmem>>[vector<16xi32>, vector<16xi32>], vector<16xf32>, vector<16xi1>
        %sub3A_374 = arith.constant 4.12698412 : f32
        %sub3A_375 = vector.broadcast %sub3A_374 : f32 to vector<16xf32>
        %sub3A_376 = arith.subf %get3A_239, %sub3A_375 : vector<16xf32>
        %mul3A_377 = arith.constant -4.961250e+00 : f32
        %mul3A_378 = vector.broadcast %mul3A_377 : f32 to vector<16xf32>
        %mul3A_379 = arith.mulf %mul3A_378, %sub3A_376 : vector<16xf32>
        %mul3A_380 = arith.mulf %mul3A_379, %sub3A_376 : vector<16xf32>
        %exp3A_381 = math.exp %mul3A_380 : vector<16xf32>
        %broadcast_in_dim3A_382 = arith.constant 13 : i32
        %broadcast_in_dim3A_383 = vector.broadcast %broadcast_in_dim3A_382 : i32 to vector<16xi32>
        tpu.vector_store_idx %arg10[%add3A_243, %broadcast_in_dim3A_383], %exp3A_381 masked %lt3A_246 : memref<250x64xf32, #tpu.memory_space<vmem>>[vector<16xi32>, vector<16xi32>], vector<16xf32>, vector<16xi1>
        %sub3A_384 = arith.constant 4.44444466 : f32
        %sub3A_385 = vector.broadcast %sub3A_384 : f32 to vector<16xf32>
        %sub3A_386 = arith.subf %get3A_239, %sub3A_385 : vector<16xf32>
        %mul3A_387 = arith.constant -4.961250e+00 : f32
        %mul3A_388 = vector.broadcast %mul3A_387 : f32 to vector<16xf32>
        %mul3A_389 = arith.mulf %mul3A_388, %sub3A_386 : vector<16xf32>
        %mul3A_390 = arith.mulf %mul3A_389, %sub3A_386 : vector<16xf32>
        %exp3A_391 = math.exp %mul3A_390 : vector<16xf32>
        %broadcast_in_dim3A_392 = arith.constant 14 : i32
        %broadcast_in_dim3A_393 = vector.broadcast %broadcast_in_dim3A_392 : i32 to vector<16xi32>
        tpu.vector_store_idx %arg10[%add3A_243, %broadcast_in_dim3A_393], %exp3A_391 masked %lt3A_246 : memref<250x64xf32, #tpu.memory_space<vmem>>[vector<16xi32>, vector<16xi32>], vector<16xf32>, vector<16xi1>
        %sub3A_394 = arith.constant 4.76190472 : f32
        %sub3A_395 = vector.broadcast %sub3A_394 : f32 to vector<16xf32>
        %sub3A_396 = arith.subf %get3A_239, %sub3A_395 : vector<16xf32>
        %mul3A_397 = arith.constant -4.961250e+00 : f32
        %mul3A_398 = vector.broadcast %mul3A_397 : f32 to vector<16xf32>
        %mul3A_399 = arith.mulf %mul3A_398, %sub3A_396 : vector<16xf32>
        %mul3A_400 = arith.mulf %mul3A_399, %sub3A_396 : vector<16xf32>
        %exp3A_401 = math.exp %mul3A_400 : vector<16xf32>
        %broadcast_in_dim3A_402 = arith.constant 15 : i32
        %broadcast_in_dim3A_403 = vector.broadcast %broadcast_in_dim3A_402 : i32 to vector<16xi32>
        tpu.vector_store_idx %arg10[%add3A_243, %broadcast_in_dim3A_403], %exp3A_401 masked %lt3A_246 : memref<250x64xf32, #tpu.memory_space<vmem>>[vector<16xi32>, vector<16xi32>], vector<16xf32>, vector<16xi1>
        %sub3A_404 = arith.constant 5.07936525 : f32
        %sub3A_405 = vector.broadcast %sub3A_404 : f32 to vector<16xf32>
        %sub3A_406 = arith.subf %get3A_239, %sub3A_405 : vector<16xf32>
        %mul3A_407 = arith.constant -4.961250e+00 : f32
        %mul3A_408 = vector.broadcast %mul3A_407 : f32 to vector<16xf32>
        %mul3A_409 = arith.mulf %mul3A_408, %sub3A_406 : vector<16xf32>
        %mul3A_410 = arith.mulf %mul3A_409, %sub3A_406 : vector<16xf32>
        %exp3A_411 = math.exp %mul3A_410 : vector<16xf32>
        %broadcast_in_dim3A_412 = arith.constant 16 : i32
        %broadcast_in_dim3A_413 = vector.broadcast %broadcast_in_dim3A_412 : i32 to vector<16xi32>
        tpu.vector_store_idx %arg10[%add3A_243, %broadcast_in_dim3A_413], %exp3A_411 masked %lt3A_246 : memref<250x64xf32, #tpu.memory_space<vmem>>[vector<16xi32>, vector<16xi32>], vector<16xf32>, vector<16xi1>
        %sub3A_414 = arith.constant 5.39682531 : f32
        %sub3A_415 = vector.broadcast %sub3A_414 : f32 to vector<16xf32>
        %sub3A_416 = arith.subf %get3A_239, %sub3A_415 : vector<16xf32>
        %mul3A_417 = arith.constant -4.961250e+00 : f32
        %mul3A_418 = vector.broadcast %mul3A_417 : f32 to vector<16xf32>
        %mul3A_419 = arith.mulf %mul3A_418, %sub3A_416 : vector<16xf32>
        %mul3A_420 = arith.mulf %mul3A_419, %sub3A_416 : vector<16xf32>
        %exp3A_421 = math.exp %mul3A_420 : vector<16xf32>
        %broadcast_in_dim3A_422 = arith.constant 17 : i32
        %broadcast_in_dim3A_423 = vector.broadcast %broadcast_in_dim3A_422 : i32 to vector<16xi32>
        tpu.vector_store_idx %arg10[%add3A_243, %broadcast_in_dim3A_423], %exp3A_421 masked %lt3A_246 : memref<250x64xf32, #tpu.memory_space<vmem>>[vector<16xi32>, vector<16xi32>], vector<16xf32>, vector<16xi1>
        %sub3A_424 = arith.constant 5.71428585 : f32
        %sub3A_425 = vector.broadcast %sub3A_424 : f32 to vector<16xf32>
        %sub3A_426 = arith.subf %get3A_239, %sub3A_425 : vector<16xf32>
        %mul3A_427 = arith.constant -4.961250e+00 : f32
        %mul3A_428 = vector.broadcast %mul3A_427 : f32 to vector<16xf32>
        %mul3A_429 = arith.mulf %mul3A_428, %sub3A_426 : vector<16xf32>
        %mul3A_430 = arith.mulf %mul3A_429, %sub3A_426 : vector<16xf32>
        %exp3A_431 = math.exp %mul3A_430 : vector<16xf32>
        %broadcast_in_dim3A_432 = arith.constant 18 : i32
        %broadcast_in_dim3A_433 = vector.broadcast %broadcast_in_dim3A_432 : i32 to vector<16xi32>
        tpu.vector_store_idx %arg10[%add3A_243, %broadcast_in_dim3A_433], %exp3A_431 masked %lt3A_246 : memref<250x64xf32, #tpu.memory_space<vmem>>[vector<16xi32>, vector<16xi32>], vector<16xf32>, vector<16xi1>
        %sub3A_434 = arith.constant 6.03174591 : f32
        %sub3A_435 = vector.broadcast %sub3A_434 : f32 to vector<16xf32>
        %sub3A_436 = arith.subf %get3A_239, %sub3A_435 : vector<16xf32>
        %mul3A_437 = arith.constant -4.961250e+00 : f32
        %mul3A_438 = vector.broadcast %mul3A_437 : f32 to vector<16xf32>
        %mul3A_439 = arith.mulf %mul3A_438, %sub3A_436 : vector<16xf32>
        %mul3A_440 = arith.mulf %mul3A_439, %sub3A_436 : vector<16xf32>
        %exp3A_441 = math.exp %mul3A_440 : vector<16xf32>
        %broadcast_in_dim3A_442 = arith.constant 19 : i32
        %broadcast_in_dim3A_443 = vector.broadcast %broadcast_in_dim3A_442 : i32 to vector<16xi32>
        tpu.vector_store_idx %arg10[%add3A_243, %broadcast_in_dim3A_443], %exp3A_441 masked %lt3A_246 : memref<250x64xf32, #tpu.memory_space<vmem>>[vector<16xi32>, vector<16xi32>], vector<16xf32>, vector<16xi1>
        %sub3A_444 = arith.constant 6.34920645 : f32
        %sub3A_445 = vector.broadcast %sub3A_444 : f32 to vector<16xf32>
        %sub3A_446 = arith.subf %get3A_239, %sub3A_445 : vector<16xf32>
        %mul3A_447 = arith.constant -4.961250e+00 : f32
        %mul3A_448 = vector.broadcast %mul3A_447 : f32 to vector<16xf32>
        %mul3A_449 = arith.mulf %mul3A_448, %sub3A_446 : vector<16xf32>
        %mul3A_450 = arith.mulf %mul3A_449, %sub3A_446 : vector<16xf32>
        %exp3A_451 = math.exp %mul3A_450 : vector<16xf32>
        %broadcast_in_dim3A_452 = arith.constant 20 : i32
        %broadcast_in_dim3A_453 = vector.broadcast %broadcast_in_dim3A_452 : i32 to vector<16xi32>
        tpu.vector_store_idx %arg10[%add3A_243, %broadcast_in_dim3A_453], %exp3A_451 masked %lt3A_246 : memref<250x64xf32, #tpu.memory_space<vmem>>[vector<16xi32>, vector<16xi32>], vector<16xf32>, vector<16xi1>
        %sub3A_454 = arith.constant 6.66666651 : f32
        %sub3A_455 = vector.broadcast %sub3A_454 : f32 to vector<16xf32>
        %sub3A_456 = arith.subf %get3A_239, %sub3A_455 : vector<16xf32>
        %mul3A_457 = arith.constant -4.961250e+00 : f32
        %mul3A_458 = vector.broadcast %mul3A_457 : f32 to vector<16xf32>
        %mul3A_459 = arith.mulf %mul3A_458, %sub3A_456 : vector<16xf32>
        %mul3A_460 = arith.mulf %mul3A_459, %sub3A_456 : vector<16xf32>
        %exp3A_461 = math.exp %mul3A_460 : vector<16xf32>
        %broadcast_in_dim3A_462 = arith.constant 21 : i32
        %broadcast_in_dim3A_463 = vector.broadcast %broadcast_in_dim3A_462 : i32 to vector<16xi32>
        tpu.vector_store_idx %arg10[%add3A_243, %broadcast_in_dim3A_463], %exp3A_461 masked %lt3A_246 : memref<250x64xf32, #tpu.memory_space<vmem>>[vector<16xi32>, vector<16xi32>], vector<16xf32>, vector<16xi1>
        %sub3A_464 = arith.constant 6.98412704 : f32
        %sub3A_465 = vector.broadcast %sub3A_464 : f32 to vector<16xf32>
        %sub3A_466 = arith.subf %get3A_239, %sub3A_465 : vector<16xf32>
        %mul3A_467 = arith.constant -4.961250e+00 : f32
        %mul3A_468 = vector.broadcast %mul3A_467 : f32 to vector<16xf32>
        %mul3A_469 = arith.mulf %mul3A_468, %sub3A_466 : vector<16xf32>
        %mul3A_470 = arith.mulf %mul3A_469, %sub3A_466 : vector<16xf32>
        %exp3A_471 = math.exp %mul3A_470 : vector<16xf32>
        %broadcast_in_dim3A_472 = arith.constant 22 : i32
        %broadcast_in_dim3A_473 = vector.broadcast %broadcast_in_dim3A_472 : i32 to vector<16xi32>
        tpu.vector_store_idx %arg10[%add3A_243, %broadcast_in_dim3A_473], %exp3A_471 masked %lt3A_246 : memref<250x64xf32, #tpu.memory_space<vmem>>[vector<16xi32>, vector<16xi32>], vector<16xf32>, vector<16xi1>
        %sub3A_474 = arith.constant 7.3015871 : f32
        %sub3A_475 = vector.broadcast %sub3A_474 : f32 to vector<16xf32>
        %sub3A_476 = arith.subf %get3A_239, %sub3A_475 : vector<16xf32>
        %mul3A_477 = arith.constant -4.961250e+00 : f32
        %mul3A_478 = vector.broadcast %mul3A_477 : f32 to vector<16xf32>
        %mul3A_479 = arith.mulf %mul3A_478, %sub3A_476 : vector<16xf32>
        %mul3A_480 = arith.mulf %mul3A_479, %sub3A_476 : vector<16xf32>
        %exp3A_481 = math.exp %mul3A_480 : vector<16xf32>
        %broadcast_in_dim3A_482 = arith.constant 23 : i32
        %broadcast_in_dim3A_483 = vector.broadcast %broadcast_in_dim3A_482 : i32 to vector<16xi32>
        tpu.vector_store_idx %arg10[%add3A_243, %broadcast_in_dim3A_483], %exp3A_481 masked %lt3A_246 : memref<250x64xf32, #tpu.memory_space<vmem>>[vector<16xi32>, vector<16xi32>], vector<16xf32>, vector<16xi1>
        %sub3A_484 = arith.constant 7.61904764 : f32
        %sub3A_485 = vector.broadcast %sub3A_484 : f32 to vector<16xf32>
        %sub3A_486 = arith.subf %get3A_239, %sub3A_485 : vector<16xf32>
        %mul3A_487 = arith.constant -4.961250e+00 : f32
        %mul3A_488 = vector.broadcast %mul3A_487 : f32 to vector<16xf32>
        %mul3A_489 = arith.mulf %mul3A_488, %sub3A_486 : vector<16xf32>
        %mul3A_490 = arith.mulf %mul3A_489, %sub3A_486 : vector<16xf32>
        %exp3A_491 = math.exp %mul3A_490 : vector<16xf32>
        %broadcast_in_dim3A_492 = arith.constant 24 : i32
        %broadcast_in_dim3A_493 = vector.broadcast %broadcast_in_dim3A_492 : i32 to vector<16xi32>
        tpu.vector_store_idx %arg10[%add3A_243, %broadcast_in_dim3A_493], %exp3A_491 masked %lt3A_246 : memref<250x64xf32, #tpu.memory_space<vmem>>[vector<16xi32>, vector<16xi32>], vector<16xf32>, vector<16xi1>
        %sub3A_494 = arith.constant 7.9365077 : f32
        %sub3A_495 = vector.broadcast %sub3A_494 : f32 to vector<16xf32>
        %sub3A_496 = arith.subf %get3A_239, %sub3A_495 : vector<16xf32>
        %mul3A_497 = arith.constant -4.961250e+00 : f32
        %mul3A_498 = vector.broadcast %mul3A_497 : f32 to vector<16xf32>
        %mul3A_499 = arith.mulf %mul3A_498, %sub3A_496 : vector<16xf32>
        %mul3A_500 = arith.mulf %mul3A_499, %sub3A_496 : vector<16xf32>
        %exp3A_501 = math.exp %mul3A_500 : vector<16xf32>
        %broadcast_in_dim3A_502 = arith.constant 25 : i32
        %broadcast_in_dim3A_503 = vector.broadcast %broadcast_in_dim3A_502 : i32 to vector<16xi32>
        tpu.vector_store_idx %arg10[%add3A_243, %broadcast_in_dim3A_503], %exp3A_501 masked %lt3A_246 : memref<250x64xf32, #tpu.memory_space<vmem>>[vector<16xi32>, vector<16xi32>], vector<16xf32>, vector<16xi1>
        %sub3A_504 = arith.constant 8.25396823 : f32
        %sub3A_505 = vector.broadcast %sub3A_504 : f32 to vector<16xf32>
        %sub3A_506 = arith.subf %get3A_239, %sub3A_505 : vector<16xf32>
        %mul3A_507 = arith.constant -4.961250e+00 : f32
        %mul3A_508 = vector.broadcast %mul3A_507 : f32 to vector<16xf32>
        %mul3A_509 = arith.mulf %mul3A_508, %sub3A_506 : vector<16xf32>
        %mul3A_510 = arith.mulf %mul3A_509, %sub3A_506 : vector<16xf32>
        %exp3A_511 = math.exp %mul3A_510 : vector<16xf32>
        %broadcast_in_dim3A_512 = arith.constant 26 : i32
        %broadcast_in_dim3A_513 = vector.broadcast %broadcast_in_dim3A_512 : i32 to vector<16xi32>
        tpu.vector_store_idx %arg10[%add3A_243, %broadcast_in_dim3A_513], %exp3A_511 masked %lt3A_246 : memref<250x64xf32, #tpu.memory_space<vmem>>[vector<16xi32>, vector<16xi32>], vector<16xf32>, vector<16xi1>
        %sub3A_514 = arith.constant 8.57142829 : f32
        %sub3A_515 = vector.broadcast %sub3A_514 : f32 to vector<16xf32>
        %sub3A_516 = arith.subf %get3A_239, %sub3A_515 : vector<16xf32>
        %mul3A_517 = arith.constant -4.961250e+00 : f32
        %mul3A_518 = vector.broadcast %mul3A_517 : f32 to vector<16xf32>
        %mul3A_519 = arith.mulf %mul3A_518, %sub3A_516 : vector<16xf32>
        %mul3A_520 = arith.mulf %mul3A_519, %sub3A_516 : vector<16xf32>
        %exp3A_521 = math.exp %mul3A_520 : vector<16xf32>
        %broadcast_in_dim3A_522 = arith.constant 27 : i32
        %broadcast_in_dim3A_523 = vector.broadcast %broadcast_in_dim3A_522 : i32 to vector<16xi32>
        tpu.vector_store_idx %arg10[%add3A_243, %broadcast_in_dim3A_523], %exp3A_521 masked %lt3A_246 : memref<250x64xf32, #tpu.memory_space<vmem>>[vector<16xi32>, vector<16xi32>], vector<16xf32>, vector<16xi1>
        %sub3A_524 = arith.constant 8.88888931 : f32
        %sub3A_525 = vector.broadcast %sub3A_524 : f32 to vector<16xf32>
        %sub3A_526 = arith.subf %get3A_239, %sub3A_525 : vector<16xf32>
        %mul3A_527 = arith.constant -4.961250e+00 : f32
        %mul3A_528 = vector.broadcast %mul3A_527 : f32 to vector<16xf32>
        %mul3A_529 = arith.mulf %mul3A_528, %sub3A_526 : vector<16xf32>
        %mul3A_530 = arith.mulf %mul3A_529, %sub3A_526 : vector<16xf32>
        %exp3A_531 = math.exp %mul3A_530 : vector<16xf32>
        %broadcast_in_dim3A_532 = arith.constant 28 : i32
        %broadcast_in_dim3A_533 = vector.broadcast %broadcast_in_dim3A_532 : i32 to vector<16xi32>
        tpu.vector_store_idx %arg10[%add3A_243, %broadcast_in_dim3A_533], %exp3A_531 masked %lt3A_246 : memref<250x64xf32, #tpu.memory_space<vmem>>[vector<16xi32>, vector<16xi32>], vector<16xf32>, vector<16xi1>
        %sub3A_534 = arith.constant 9.20634937 : f32
        %sub3A_535 = vector.broadcast %sub3A_534 : f32 to vector<16xf32>
        %sub3A_536 = arith.subf %get3A_239, %sub3A_535 : vector<16xf32>
        %mul3A_537 = arith.constant -4.961250e+00 : f32
        %mul3A_538 = vector.broadcast %mul3A_537 : f32 to vector<16xf32>
        %mul3A_539 = arith.mulf %mul3A_538, %sub3A_536 : vector<16xf32>
        %mul3A_540 = arith.mulf %mul3A_539, %sub3A_536 : vector<16xf32>
        %exp3A_541 = math.exp %mul3A_540 : vector<16xf32>
        %broadcast_in_dim3A_542 = arith.constant 29 : i32
        %broadcast_in_dim3A_543 = vector.broadcast %broadcast_in_dim3A_542 : i32 to vector<16xi32>
        tpu.vector_store_idx %arg10[%add3A_243, %broadcast_in_dim3A_543], %exp3A_541 masked %lt3A_246 : memref<250x64xf32, #tpu.memory_space<vmem>>[vector<16xi32>, vector<16xi32>], vector<16xf32>, vector<16xi1>
        %sub3A_544 = arith.constant 9.52380943 : f32
        %sub3A_545 = vector.broadcast %sub3A_544 : f32 to vector<16xf32>
        %sub3A_546 = arith.subf %get3A_239, %sub3A_545 : vector<16xf32>
        %mul3A_547 = arith.constant -4.961250e+00 : f32
        %mul3A_548 = vector.broadcast %mul3A_547 : f32 to vector<16xf32>
        %mul3A_549 = arith.mulf %mul3A_548, %sub3A_546 : vector<16xf32>
        %mul3A_550 = arith.mulf %mul3A_549, %sub3A_546 : vector<16xf32>
        %exp3A_551 = math.exp %mul3A_550 : vector<16xf32>
        %broadcast_in_dim3A_552 = arith.constant 30 : i32
        %broadcast_in_dim3A_553 = vector.broadcast %broadcast_in_dim3A_552 : i32 to vector<16xi32>
        tpu.vector_store_idx %arg10[%add3A_243, %broadcast_in_dim3A_553], %exp3A_551 masked %lt3A_246 : memref<250x64xf32, #tpu.memory_space<vmem>>[vector<16xi32>, vector<16xi32>], vector<16xf32>, vector<16xi1>
        %sub3A_554 = arith.constant 9.84126949 : f32
        %sub3A_555 = vector.broadcast %sub3A_554 : f32 to vector<16xf32>
        %sub3A_556 = arith.subf %get3A_239, %sub3A_555 : vector<16xf32>
        %mul3A_557 = arith.constant -4.961250e+00 : f32
        %mul3A_558 = vector.broadcast %mul3A_557 : f32 to vector<16xf32>
        %mul3A_559 = arith.mulf %mul3A_558, %sub3A_556 : vector<16xf32>
        %mul3A_560 = arith.mulf %mul3A_559, %sub3A_556 : vector<16xf32>
        %exp3A_561 = math.exp %mul3A_560 : vector<16xf32>
        %broadcast_in_dim3A_562 = arith.constant 31 : i32
        %broadcast_in_dim3A_563 = vector.broadcast %broadcast_in_dim3A_562 : i32 to vector<16xi32>
        tpu.vector_store_idx %arg10[%add3A_243, %broadcast_in_dim3A_563], %exp3A_561 masked %lt3A_246 : memref<250x64xf32, #tpu.memory_space<vmem>>[vector<16xi32>, vector<16xi32>], vector<16xf32>, vector<16xi1>
        %sub3A_564 = arith.constant 10.1587305 : f32
        %sub3A_565 = vector.broadcast %sub3A_564 : f32 to vector<16xf32>
        %sub3A_566 = arith.subf %get3A_239, %sub3A_565 : vector<16xf32>
        %mul3A_567 = arith.constant -4.961250e+00 : f32
        %mul3A_568 = vector.broadcast %mul3A_567 : f32 to vector<16xf32>
        %mul3A_569 = arith.mulf %mul3A_568, %sub3A_566 : vector<16xf32>
        %mul3A_570 = arith.mulf %mul3A_569, %sub3A_566 : vector<16xf32>
        %exp3A_571 = math.exp %mul3A_570 : vector<16xf32>
        %broadcast_in_dim3A_572 = arith.constant 32 : i32
        %broadcast_in_dim3A_573 = vector.broadcast %broadcast_in_dim3A_572 : i32 to vector<16xi32>
        tpu.vector_store_idx %arg10[%add3A_243, %broadcast_in_dim3A_573], %exp3A_571 masked %lt3A_246 : memref<250x64xf32, #tpu.memory_space<vmem>>[vector<16xi32>, vector<16xi32>], vector<16xf32>, vector<16xi1>
        %sub3A_574 = arith.constant 10.4761906 : f32
        %sub3A_575 = vector.broadcast %sub3A_574 : f32 to vector<16xf32>
        %sub3A_576 = arith.subf %get3A_239, %sub3A_575 : vector<16xf32>
        %mul3A_577 = arith.constant -4.961250e+00 : f32
        %mul3A_578 = vector.broadcast %mul3A_577 : f32 to vector<16xf32>
        %mul3A_579 = arith.mulf %mul3A_578, %sub3A_576 : vector<16xf32>
        %mul3A_580 = arith.mulf %mul3A_579, %sub3A_576 : vector<16xf32>
        %exp3A_581 = math.exp %mul3A_580 : vector<16xf32>
        %broadcast_in_dim3A_582 = arith.constant 33 : i32
        %broadcast_in_dim3A_583 = vector.broadcast %broadcast_in_dim3A_582 : i32 to vector<16xi32>
        tpu.vector_store_idx %arg10[%add3A_243, %broadcast_in_dim3A_583], %exp3A_581 masked %lt3A_246 : memref<250x64xf32, #tpu.memory_space<vmem>>[vector<16xi32>, vector<16xi32>], vector<16xf32>, vector<16xi1>
        %sub3A_584 = arith.constant 10.7936506 : f32
        %sub3A_585 = vector.broadcast %sub3A_584 : f32 to vector<16xf32>
        %sub3A_586 = arith.subf %get3A_239, %sub3A_585 : vector<16xf32>
        %mul3A_587 = arith.constant -4.961250e+00 : f32
        %mul3A_588 = vector.broadcast %mul3A_587 : f32 to vector<16xf32>
        %mul3A_589 = arith.mulf %mul3A_588, %sub3A_586 : vector<16xf32>
        %mul3A_590 = arith.mulf %mul3A_589, %sub3A_586 : vector<16xf32>
        %exp3A_591 = math.exp %mul3A_590 : vector<16xf32>
        %broadcast_in_dim3A_592 = arith.constant 34 : i32
        %broadcast_in_dim3A_593 = vector.broadcast %broadcast_in_dim3A_592 : i32 to vector<16xi32>
        tpu.vector_store_idx %arg10[%add3A_243, %broadcast_in_dim3A_593], %exp3A_591 masked %lt3A_246 : memref<250x64xf32, #tpu.memory_space<vmem>>[vector<16xi32>, vector<16xi32>], vector<16xf32>, vector<16xi1>
        %sub3A_594 = arith.constant 11.1111107 : f32
        %sub3A_595 = vector.broadcast %sub3A_594 : f32 to vector<16xf32>
        %sub3A_596 = arith.subf %get3A_239, %sub3A_595 : vector<16xf32>
        %mul3A_597 = arith.constant -4.961250e+00 : f32
        %mul3A_598 = vector.broadcast %mul3A_597 : f32 to vector<16xf32>
        %mul3A_599 = arith.mulf %mul3A_598, %sub3A_596 : vector<16xf32>
        %mul3A_600 = arith.mulf %mul3A_599, %sub3A_596 : vector<16xf32>
        %exp3A_601 = math.exp %mul3A_600 : vector<16xf32>
        %broadcast_in_dim3A_602 = arith.constant 35 : i32
        %broadcast_in_dim3A_603 = vector.broadcast %broadcast_in_dim3A_602 : i32 to vector<16xi32>
        tpu.vector_store_idx %arg10[%add3A_243, %broadcast_in_dim3A_603], %exp3A_601 masked %lt3A_246 : memref<250x64xf32, #tpu.memory_space<vmem>>[vector<16xi32>, vector<16xi32>], vector<16xf32>, vector<16xi1>
        %sub3A_604 = arith.constant 11.4285717 : f32
        %sub3A_605 = vector.broadcast %sub3A_604 : f32 to vector<16xf32>
        %sub3A_606 = arith.subf %get3A_239, %sub3A_605 : vector<16xf32>
        %mul3A_607 = arith.constant -4.961250e+00 : f32
        %mul3A_608 = vector.broadcast %mul3A_607 : f32 to vector<16xf32>
        %mul3A_609 = arith.mulf %mul3A_608, %sub3A_606 : vector<16xf32>
        %mul3A_610 = arith.mulf %mul3A_609, %sub3A_606 : vector<16xf32>
        %exp3A_611 = math.exp %mul3A_610 : vector<16xf32>
        %broadcast_in_dim3A_612 = arith.constant 36 : i32
        %broadcast_in_dim3A_613 = vector.broadcast %broadcast_in_dim3A_612 : i32 to vector<16xi32>
        tpu.vector_store_idx %arg10[%add3A_243, %broadcast_in_dim3A_613], %exp3A_611 masked %lt3A_246 : memref<250x64xf32, #tpu.memory_space<vmem>>[vector<16xi32>, vector<16xi32>], vector<16xf32>, vector<16xi1>
        %sub3A_614 = arith.constant 11.7460318 : f32
        %sub3A_615 = vector.broadcast %sub3A_614 : f32 to vector<16xf32>
        %sub3A_616 = arith.subf %get3A_239, %sub3A_615 : vector<16xf32>
        %mul3A_617 = arith.constant -4.961250e+00 : f32
        %mul3A_618 = vector.broadcast %mul3A_617 : f32 to vector<16xf32>
        %mul3A_619 = arith.mulf %mul3A_618, %sub3A_616 : vector<16xf32>
        %mul3A_620 = arith.mulf %mul3A_619, %sub3A_616 : vector<16xf32>
        %exp3A_621 = math.exp %mul3A_620 : vector<16xf32>
        %broadcast_in_dim3A_622 = arith.constant 37 : i32
        %broadcast_in_dim3A_623 = vector.broadcast %broadcast_in_dim3A_622 : i32 to vector<16xi32>
        tpu.vector_store_idx %arg10[%add3A_243, %broadcast_in_dim3A_623], %exp3A_621 masked %lt3A_246 : memref<250x64xf32, #tpu.memory_space<vmem>>[vector<16xi32>, vector<16xi32>], vector<16xf32>, vector<16xi1>
        %sub3A_624 = arith.constant 12.0634918 : f32
        %sub3A_625 = vector.broadcast %sub3A_624 : f32 to vector<16xf32>
        %sub3A_626 = arith.subf %get3A_239, %sub3A_625 : vector<16xf32>
        %mul3A_627 = arith.constant -4.961250e+00 : f32
        %mul3A_628 = vector.broadcast %mul3A_627 : f32 to vector<16xf32>
        %mul3A_629 = arith.mulf %mul3A_628, %sub3A_626 : vector<16xf32>
        %mul3A_630 = arith.mulf %mul3A_629, %sub3A_626 : vector<16xf32>
        %exp3A_631 = math.exp %mul3A_630 : vector<16xf32>
        %broadcast_in_dim3A_632 = arith.constant 38 : i32
        %broadcast_in_dim3A_633 = vector.broadcast %broadcast_in_dim3A_632 : i32 to vector<16xi32>
        tpu.vector_store_idx %arg10[%add3A_243, %broadcast_in_dim3A_633], %exp3A_631 masked %lt3A_246 : memref<250x64xf32, #tpu.memory_space<vmem>>[vector<16xi32>, vector<16xi32>], vector<16xf32>, vector<16xi1>
        %sub3A_634 = arith.constant 12.3809528 : f32
        %sub3A_635 = vector.broadcast %sub3A_634 : f32 to vector<16xf32>
        %sub3A_636 = arith.subf %get3A_239, %sub3A_635 : vector<16xf32>
        %mul3A_637 = arith.constant -4.961250e+00 : f32
        %mul3A_638 = vector.broadcast %mul3A_637 : f32 to vector<16xf32>
        %mul3A_639 = arith.mulf %mul3A_638, %sub3A_636 : vector<16xf32>
        %mul3A_640 = arith.mulf %mul3A_639, %sub3A_636 : vector<16xf32>
        %exp3A_641 = math.exp %mul3A_640 : vector<16xf32>
        %broadcast_in_dim3A_642 = arith.constant 39 : i32
        %broadcast_in_dim3A_643 = vector.broadcast %broadcast_in_dim3A_642 : i32 to vector<16xi32>
        tpu.vector_store_idx %arg10[%add3A_243, %broadcast_in_dim3A_643], %exp3A_641 masked %lt3A_246 : memref<250x64xf32, #tpu.memory_space<vmem>>[vector<16xi32>, vector<16xi32>], vector<16xf32>, vector<16xi1>
        %sub3A_644 = arith.constant 12.6984129 : f32
        %sub3A_645 = vector.broadcast %sub3A_644 : f32 to vector<16xf32>
        %sub3A_646 = arith.subf %get3A_239, %sub3A_645 : vector<16xf32>
        %mul3A_647 = arith.constant -4.961250e+00 : f32
        %mul3A_648 = vector.broadcast %mul3A_647 : f32 to vector<16xf32>
        %mul3A_649 = arith.mulf %mul3A_648, %sub3A_646 : vector<16xf32>
        %mul3A_650 = arith.mulf %mul3A_649, %sub3A_646 : vector<16xf32>
        %exp3A_651 = math.exp %mul3A_650 : vector<16xf32>
        %broadcast_in_dim3A_652 = arith.constant 40 : i32
        %broadcast_in_dim3A_653 = vector.broadcast %broadcast_in_dim3A_652 : i32 to vector<16xi32>
        tpu.vector_store_idx %arg10[%add3A_243, %broadcast_in_dim3A_653], %exp3A_651 masked %lt3A_246 : memref<250x64xf32, #tpu.memory_space<vmem>>[vector<16xi32>, vector<16xi32>], vector<16xf32>, vector<16xi1>
        %sub3A_654 = arith.constant 13.015873 : f32
        %sub3A_655 = vector.broadcast %sub3A_654 : f32 to vector<16xf32>
        %sub3A_656 = arith.subf %get3A_239, %sub3A_655 : vector<16xf32>
        %mul3A_657 = arith.constant -4.961250e+00 : f32
        %mul3A_658 = vector.broadcast %mul3A_657 : f32 to vector<16xf32>
        %mul3A_659 = arith.mulf %mul3A_658, %sub3A_656 : vector<16xf32>
        %mul3A_660 = arith.mulf %mul3A_659, %sub3A_656 : vector<16xf32>
        %exp3A_661 = math.exp %mul3A_660 : vector<16xf32>
        %broadcast_in_dim3A_662 = arith.constant 41 : i32
        %broadcast_in_dim3A_663 = vector.broadcast %broadcast_in_dim3A_662 : i32 to vector<16xi32>
        tpu.vector_store_idx %arg10[%add3A_243, %broadcast_in_dim3A_663], %exp3A_661 masked %lt3A_246 : memref<250x64xf32, #tpu.memory_space<vmem>>[vector<16xi32>, vector<16xi32>], vector<16xf32>, vector<16xi1>
        %sub3A_664 = arith.constant 13.333333 : f32
        %sub3A_665 = vector.broadcast %sub3A_664 : f32 to vector<16xf32>
        %sub3A_666 = arith.subf %get3A_239, %sub3A_665 : vector<16xf32>
        %mul3A_667 = arith.constant -4.961250e+00 : f32
        %mul3A_668 = vector.broadcast %mul3A_667 : f32 to vector<16xf32>
        %mul3A_669 = arith.mulf %mul3A_668, %sub3A_666 : vector<16xf32>
        %mul3A_670 = arith.mulf %mul3A_669, %sub3A_666 : vector<16xf32>
        %exp3A_671 = math.exp %mul3A_670 : vector<16xf32>
        %broadcast_in_dim3A_672 = arith.constant 42 : i32
        %broadcast_in_dim3A_673 = vector.broadcast %broadcast_in_dim3A_672 : i32 to vector<16xi32>
        tpu.vector_store_idx %arg10[%add3A_243, %broadcast_in_dim3A_673], %exp3A_671 masked %lt3A_246 : memref<250x64xf32, #tpu.memory_space<vmem>>[vector<16xi32>, vector<16xi32>], vector<16xf32>, vector<16xi1>
        %sub3A_674 = arith.constant 13.650794 : f32
        %sub3A_675 = vector.broadcast %sub3A_674 : f32 to vector<16xf32>
        %sub3A_676 = arith.subf %get3A_239, %sub3A_675 : vector<16xf32>
        %mul3A_677 = arith.constant -4.961250e+00 : f32
        %mul3A_678 = vector.broadcast %mul3A_677 : f32 to vector<16xf32>
        %mul3A_679 = arith.mulf %mul3A_678, %sub3A_676 : vector<16xf32>
        %mul3A_680 = arith.mulf %mul3A_679, %sub3A_676 : vector<16xf32>
        %exp3A_681 = math.exp %mul3A_680 : vector<16xf32>
        %broadcast_in_dim3A_682 = arith.constant 43 : i32
        %broadcast_in_dim3A_683 = vector.broadcast %broadcast_in_dim3A_682 : i32 to vector<16xi32>
        tpu.vector_store_idx %arg10[%add3A_243, %broadcast_in_dim3A_683], %exp3A_681 masked %lt3A_246 : memref<250x64xf32, #tpu.memory_space<vmem>>[vector<16xi32>, vector<16xi32>], vector<16xf32>, vector<16xi1>
        %sub3A_684 = arith.constant 13.9682541 : f32
        %sub3A_685 = vector.broadcast %sub3A_684 : f32 to vector<16xf32>
        %sub3A_686 = arith.subf %get3A_239, %sub3A_685 : vector<16xf32>
        %mul3A_687 = arith.constant -4.961250e+00 : f32
        %mul3A_688 = vector.broadcast %mul3A_687 : f32 to vector<16xf32>
        %mul3A_689 = arith.mulf %mul3A_688, %sub3A_686 : vector<16xf32>
        %mul3A_690 = arith.mulf %mul3A_689, %sub3A_686 : vector<16xf32>
        %exp3A_691 = math.exp %mul3A_690 : vector<16xf32>
        %broadcast_in_dim3A_692 = arith.constant 44 : i32
        %broadcast_in_dim3A_693 = vector.broadcast %broadcast_in_dim3A_692 : i32 to vector<16xi32>
        tpu.vector_store_idx %arg10[%add3A_243, %broadcast_in_dim3A_693], %exp3A_691 masked %lt3A_246 : memref<250x64xf32, #tpu.memory_space<vmem>>[vector<16xi32>, vector<16xi32>], vector<16xf32>, vector<16xi1>
        %sub3A_694 = arith.constant 14.2857141 : f32
        %sub3A_695 = vector.broadcast %sub3A_694 : f32 to vector<16xf32>
        %sub3A_696 = arith.subf %get3A_239, %sub3A_695 : vector<16xf32>
        %mul3A_697 = arith.constant -4.961250e+00 : f32
        %mul3A_698 = vector.broadcast %mul3A_697 : f32 to vector<16xf32>
        %mul3A_699 = arith.mulf %mul3A_698, %sub3A_696 : vector<16xf32>
        %mul3A_700 = arith.mulf %mul3A_699, %sub3A_696 : vector<16xf32>
        %exp3A_701 = math.exp %mul3A_700 : vector<16xf32>
        %broadcast_in_dim3A_702 = arith.constant 45 : i32
        %broadcast_in_dim3A_703 = vector.broadcast %broadcast_in_dim3A_702 : i32 to vector<16xi32>
        tpu.vector_store_idx %arg10[%add3A_243, %broadcast_in_dim3A_703], %exp3A_701 masked %lt3A_246 : memref<250x64xf32, #tpu.memory_space<vmem>>[vector<16xi32>, vector<16xi32>], vector<16xf32>, vector<16xi1>
        %sub3A_704 = arith.constant 14.6031742 : f32
        %sub3A_705 = vector.broadcast %sub3A_704 : f32 to vector<16xf32>
        %sub3A_706 = arith.subf %get3A_239, %sub3A_705 : vector<16xf32>
        %mul3A_707 = arith.constant -4.961250e+00 : f32
        %mul3A_708 = vector.broadcast %mul3A_707 : f32 to vector<16xf32>
        %mul3A_709 = arith.mulf %mul3A_708, %sub3A_706 : vector<16xf32>
        %mul3A_710 = arith.mulf %mul3A_709, %sub3A_706 : vector<16xf32>
        %exp3A_711 = math.exp %mul3A_710 : vector<16xf32>
        %broadcast_in_dim3A_712 = arith.constant 46 : i32
        %broadcast_in_dim3A_713 = vector.broadcast %broadcast_in_dim3A_712 : i32 to vector<16xi32>
        tpu.vector_store_idx %arg10[%add3A_243, %broadcast_in_dim3A_713], %exp3A_711 masked %lt3A_246 : memref<250x64xf32, #tpu.memory_space<vmem>>[vector<16xi32>, vector<16xi32>], vector<16xf32>, vector<16xi1>
        %sub3A_714 = arith.constant 14.9206352 : f32
        %sub3A_715 = vector.broadcast %sub3A_714 : f32 to vector<16xf32>
        %sub3A_716 = arith.subf %get3A_239, %sub3A_715 : vector<16xf32>
        %mul3A_717 = arith.constant -4.961250e+00 : f32
        %mul3A_718 = vector.broadcast %mul3A_717 : f32 to vector<16xf32>
        %mul3A_719 = arith.mulf %mul3A_718, %sub3A_716 : vector<16xf32>
        %mul3A_720 = arith.mulf %mul3A_719, %sub3A_716 : vector<16xf32>
        %exp3A_721 = math.exp %mul3A_720 : vector<16xf32>
        %broadcast_in_dim3A_722 = arith.constant 47 : i32
        %broadcast_in_dim3A_723 = vector.broadcast %broadcast_in_dim3A_722 : i32 to vector<16xi32>
        tpu.vector_store_idx %arg10[%add3A_243, %broadcast_in_dim3A_723], %exp3A_721 masked %lt3A_246 : memref<250x64xf32, #tpu.memory_space<vmem>>[vector<16xi32>, vector<16xi32>], vector<16xf32>, vector<16xi1>
        %sub3A_724 = arith.constant 15.2380953 : f32
        %sub3A_725 = vector.broadcast %sub3A_724 : f32 to vector<16xf32>
        %sub3A_726 = arith.subf %get3A_239, %sub3A_725 : vector<16xf32>
        %mul3A_727 = arith.constant -4.961250e+00 : f32
        %mul3A_728 = vector.broadcast %mul3A_727 : f32 to vector<16xf32>
        %mul3A_729 = arith.mulf %mul3A_728, %sub3A_726 : vector<16xf32>
        %mul3A_730 = arith.mulf %mul3A_729, %sub3A_726 : vector<16xf32>
        %exp3A_731 = math.exp %mul3A_730 : vector<16xf32>
        %broadcast_in_dim3A_732 = arith.constant 48 : i32
        %broadcast_in_dim3A_733 = vector.broadcast %broadcast_in_dim3A_732 : i32 to vector<16xi32>
        tpu.vector_store_idx %arg10[%add3A_243, %broadcast_in_dim3A_733], %exp3A_731 masked %lt3A_246 : memref<250x64xf32, #tpu.memory_space<vmem>>[vector<16xi32>, vector<16xi32>], vector<16xf32>, vector<16xi1>
        %sub3A_734 = arith.constant 15.5555553 : f32
        %sub3A_735 = vector.broadcast %sub3A_734 : f32 to vector<16xf32>
        %sub3A_736 = arith.subf %get3A_239, %sub3A_735 : vector<16xf32>
        %mul3A_737 = arith.constant -4.961250e+00 : f32
        %mul3A_738 = vector.broadcast %mul3A_737 : f32 to vector<16xf32>
        %mul3A_739 = arith.mulf %mul3A_738, %sub3A_736 : vector<16xf32>
        %mul3A_740 = arith.mulf %mul3A_739, %sub3A_736 : vector<16xf32>
        %exp3A_741 = math.exp %mul3A_740 : vector<16xf32>
        %broadcast_in_dim3A_742 = arith.constant 49 : i32
        %broadcast_in_dim3A_743 = vector.broadcast %broadcast_in_dim3A_742 : i32 to vector<16xi32>
        tpu.vector_store_idx %arg10[%add3A_243, %broadcast_in_dim3A_743], %exp3A_741 masked %lt3A_246 : memref<250x64xf32, #tpu.memory_space<vmem>>[vector<16xi32>, vector<16xi32>], vector<16xf32>, vector<16xi1>
        %sub3A_744 = arith.constant 15.8730154 : f32
        %sub3A_745 = vector.broadcast %sub3A_744 : f32 to vector<16xf32>
        %sub3A_746 = arith.subf %get3A_239, %sub3A_745 : vector<16xf32>
        %mul3A_747 = arith.constant -4.961250e+00 : f32
        %mul3A_748 = vector.broadcast %mul3A_747 : f32 to vector<16xf32>
        %mul3A_749 = arith.mulf %mul3A_748, %sub3A_746 : vector<16xf32>
        %mul3A_750 = arith.mulf %mul3A_749, %sub3A_746 : vector<16xf32>
        %exp3A_751 = math.exp %mul3A_750 : vector<16xf32>
        %broadcast_in_dim3A_752 = arith.constant 50 : i32
        %broadcast_in_dim3A_753 = vector.broadcast %broadcast_in_dim3A_752 : i32 to vector<16xi32>
        tpu.vector_store_idx %arg10[%add3A_243, %broadcast_in_dim3A_753], %exp3A_751 masked %lt3A_246 : memref<250x64xf32, #tpu.memory_space<vmem>>[vector<16xi32>, vector<16xi32>], vector<16xf32>, vector<16xi1>
        %sub3A_754 = arith.constant 16.1904755 : f32
        %sub3A_755 = vector.broadcast %sub3A_754 : f32 to vector<16xf32>
        %sub3A_756 = arith.subf %get3A_239, %sub3A_755 : vector<16xf32>
        %mul3A_757 = arith.constant -4.961250e+00 : f32
        %mul3A_758 = vector.broadcast %mul3A_757 : f32 to vector<16xf32>
        %mul3A_759 = arith.mulf %mul3A_758, %sub3A_756 : vector<16xf32>
        %mul3A_760 = arith.mulf %mul3A_759, %sub3A_756 : vector<16xf32>
        %exp3A_761 = math.exp %mul3A_760 : vector<16xf32>
        %broadcast_in_dim3A_762 = arith.constant 51 : i32
        %broadcast_in_dim3A_763 = vector.broadcast %broadcast_in_dim3A_762 : i32 to vector<16xi32>
        tpu.vector_store_idx %arg10[%add3A_243, %broadcast_in_dim3A_763], %exp3A_761 masked %lt3A_246 : memref<250x64xf32, #tpu.memory_space<vmem>>[vector<16xi32>, vector<16xi32>], vector<16xf32>, vector<16xi1>
        %sub3A_764 = arith.constant 16.5079365 : f32
        %sub3A_765 = vector.broadcast %sub3A_764 : f32 to vector<16xf32>
        %sub3A_766 = arith.subf %get3A_239, %sub3A_765 : vector<16xf32>
        %mul3A_767 = arith.constant -4.961250e+00 : f32
        %mul3A_768 = vector.broadcast %mul3A_767 : f32 to vector<16xf32>
        %mul3A_769 = arith.mulf %mul3A_768, %sub3A_766 : vector<16xf32>
        %mul3A_770 = arith.mulf %mul3A_769, %sub3A_766 : vector<16xf32>
        %exp3A_771 = math.exp %mul3A_770 : vector<16xf32>
        %broadcast_in_dim3A_772 = arith.constant 52 : i32
        %broadcast_in_dim3A_773 = vector.broadcast %broadcast_in_dim3A_772 : i32 to vector<16xi32>
        tpu.vector_store_idx %arg10[%add3A_243, %broadcast_in_dim3A_773], %exp3A_771 masked %lt3A_246 : memref<250x64xf32, #tpu.memory_space<vmem>>[vector<16xi32>, vector<16xi32>], vector<16xf32>, vector<16xi1>
        %sub3A_774 = arith.constant 16.8253975 : f32
        %sub3A_775 = vector.broadcast %sub3A_774 : f32 to vector<16xf32>
        %sub3A_776 = arith.subf %get3A_239, %sub3A_775 : vector<16xf32>
        %mul3A_777 = arith.constant -4.961250e+00 : f32
        %mul3A_778 = vector.broadcast %mul3A_777 : f32 to vector<16xf32>
        %mul3A_779 = arith.mulf %mul3A_778, %sub3A_776 : vector<16xf32>
        %mul3A_780 = arith.mulf %mul3A_779, %sub3A_776 : vector<16xf32>
        %exp3A_781 = math.exp %mul3A_780 : vector<16xf32>
        %broadcast_in_dim3A_782 = arith.constant 53 : i32
        %broadcast_in_dim3A_783 = vector.broadcast %broadcast_in_dim3A_782 : i32 to vector<16xi32>
        tpu.vector_store_idx %arg10[%add3A_243, %broadcast_in_dim3A_783], %exp3A_781 masked %lt3A_246 : memref<250x64xf32, #tpu.memory_space<vmem>>[vector<16xi32>, vector<16xi32>], vector<16xf32>, vector<16xi1>
        %sub3A_784 = arith.constant 17.1428566 : f32
        %sub3A_785 = vector.broadcast %sub3A_784 : f32 to vector<16xf32>
        %sub3A_786 = arith.subf %get3A_239, %sub3A_785 : vector<16xf32>
        %mul3A_787 = arith.constant -4.961250e+00 : f32
        %mul3A_788 = vector.broadcast %mul3A_787 : f32 to vector<16xf32>
        %mul3A_789 = arith.mulf %mul3A_788, %sub3A_786 : vector<16xf32>
        %mul3A_790 = arith.mulf %mul3A_789, %sub3A_786 : vector<16xf32>
        %exp3A_791 = math.exp %mul3A_790 : vector<16xf32>
        %broadcast_in_dim3A_792 = arith.constant 54 : i32
        %broadcast_in_dim3A_793 = vector.broadcast %broadcast_in_dim3A_792 : i32 to vector<16xi32>
        tpu.vector_store_idx %arg10[%add3A_243, %broadcast_in_dim3A_793], %exp3A_791 masked %lt3A_246 : memref<250x64xf32, #tpu.memory_space<vmem>>[vector<16xi32>, vector<16xi32>], vector<16xf32>, vector<16xi1>
        %sub3A_794 = arith.constant 17.4603176 : f32
        %sub3A_795 = vector.broadcast %sub3A_794 : f32 to vector<16xf32>
        %sub3A_796 = arith.subf %get3A_239, %sub3A_795 : vector<16xf32>
        %mul3A_797 = arith.constant -4.961250e+00 : f32
        %mul3A_798 = vector.broadcast %mul3A_797 : f32 to vector<16xf32>
        %mul3A_799 = arith.mulf %mul3A_798, %sub3A_796 : vector<16xf32>
        %mul3A_800 = arith.mulf %mul3A_799, %sub3A_796 : vector<16xf32>
        %exp3A_801 = math.exp %mul3A_800 : vector<16xf32>
        %broadcast_in_dim3A_802 = arith.constant 55 : i32
        %broadcast_in_dim3A_803 = vector.broadcast %broadcast_in_dim3A_802 : i32 to vector<16xi32>
        tpu.vector_store_idx %arg10[%add3A_243, %broadcast_in_dim3A_803], %exp3A_801 masked %lt3A_246 : memref<250x64xf32, #tpu.memory_space<vmem>>[vector<16xi32>, vector<16xi32>], vector<16xf32>, vector<16xi1>
        %sub3A_804 = arith.constant 17.7777786 : f32
        %sub3A_805 = vector.broadcast %sub3A_804 : f32 to vector<16xf32>
        %sub3A_806 = arith.subf %get3A_239, %sub3A_805 : vector<16xf32>
        %mul3A_807 = arith.constant -4.961250e+00 : f32
        %mul3A_808 = vector.broadcast %mul3A_807 : f32 to vector<16xf32>
        %mul3A_809 = arith.mulf %mul3A_808, %sub3A_806 : vector<16xf32>
        %mul3A_810 = arith.mulf %mul3A_809, %sub3A_806 : vector<16xf32>
        %exp3A_811 = math.exp %mul3A_810 : vector<16xf32>
        %broadcast_in_dim3A_812 = arith.constant 56 : i32
        %broadcast_in_dim3A_813 = vector.broadcast %broadcast_in_dim3A_812 : i32 to vector<16xi32>
        tpu.vector_store_idx %arg10[%add3A_243, %broadcast_in_dim3A_813], %exp3A_811 masked %lt3A_246 : memref<250x64xf32, #tpu.memory_space<vmem>>[vector<16xi32>, vector<16xi32>], vector<16xf32>, vector<16xi1>
        %sub3A_814 = arith.constant 18.0952377 : f32
        %sub3A_815 = vector.broadcast %sub3A_814 : f32 to vector<16xf32>
        %sub3A_816 = arith.subf %get3A_239, %sub3A_815 : vector<16xf32>
        %mul3A_817 = arith.constant -4.961250e+00 : f32
        %mul3A_818 = vector.broadcast %mul3A_817 : f32 to vector<16xf32>
        %mul3A_819 = arith.mulf %mul3A_818, %sub3A_816 : vector<16xf32>
        %mul3A_820 = arith.mulf %mul3A_819, %sub3A_816 : vector<16xf32>
        %exp3A_821 = math.exp %mul3A_820 : vector<16xf32>
        %broadcast_in_dim3A_822 = arith.constant 57 : i32
        %broadcast_in_dim3A_823 = vector.broadcast %broadcast_in_dim3A_822 : i32 to vector<16xi32>
        tpu.vector_store_idx %arg10[%add3A_243, %broadcast_in_dim3A_823], %exp3A_821 masked %lt3A_246 : memref<250x64xf32, #tpu.memory_space<vmem>>[vector<16xi32>, vector<16xi32>], vector<16xf32>, vector<16xi1>
        %sub3A_824 = arith.constant 18.4126987 : f32
        %sub3A_825 = vector.broadcast %sub3A_824 : f32 to vector<16xf32>
        %sub3A_826 = arith.subf %get3A_239, %sub3A_825 : vector<16xf32>
        %mul3A_827 = arith.constant -4.961250e+00 : f32
        %mul3A_828 = vector.broadcast %mul3A_827 : f32 to vector<16xf32>
        %mul3A_829 = arith.mulf %mul3A_828, %sub3A_826 : vector<16xf32>
        %mul3A_830 = arith.mulf %mul3A_829, %sub3A_826 : vector<16xf32>
        %exp3A_831 = math.exp %mul3A_830 : vector<16xf32>
        %broadcast_in_dim3A_832 = arith.constant 58 : i32
        %broadcast_in_dim3A_833 = vector.broadcast %broadcast_in_dim3A_832 : i32 to vector<16xi32>
        tpu.vector_store_idx %arg10[%add3A_243, %broadcast_in_dim3A_833], %exp3A_831 masked %lt3A_246 : memref<250x64xf32, #tpu.memory_space<vmem>>[vector<16xi32>, vector<16xi32>], vector<16xf32>, vector<16xi1>
        %sub3A_834 = arith.constant 18.7301579 : f32
        %sub3A_835 = vector.broadcast %sub3A_834 : f32 to vector<16xf32>
        %sub3A_836 = arith.subf %get3A_239, %sub3A_835 : vector<16xf32>
        %mul3A_837 = arith.constant -4.961250e+00 : f32
        %mul3A_838 = vector.broadcast %mul3A_837 : f32 to vector<16xf32>
        %mul3A_839 = arith.mulf %mul3A_838, %sub3A_836 : vector<16xf32>
        %mul3A_840 = arith.mulf %mul3A_839, %sub3A_836 : vector<16xf32>
        %exp3A_841 = math.exp %mul3A_840 : vector<16xf32>
        %broadcast_in_dim3A_842 = arith.constant 59 : i32
        %broadcast_in_dim3A_843 = vector.broadcast %broadcast_in_dim3A_842 : i32 to vector<16xi32>
        tpu.vector_store_idx %arg10[%add3A_243, %broadcast_in_dim3A_843], %exp3A_841 masked %lt3A_246 : memref<250x64xf32, #tpu.memory_space<vmem>>[vector<16xi32>, vector<16xi32>], vector<16xf32>, vector<16xi1>
        %sub3A_844 = arith.constant 19.0476189 : f32
        %sub3A_845 = vector.broadcast %sub3A_844 : f32 to vector<16xf32>
        %sub3A_846 = arith.subf %get3A_239, %sub3A_845 : vector<16xf32>
        %mul3A_847 = arith.constant -4.961250e+00 : f32
        %mul3A_848 = vector.broadcast %mul3A_847 : f32 to vector<16xf32>
        %mul3A_849 = arith.mulf %mul3A_848, %sub3A_846 : vector<16xf32>
        %mul3A_850 = arith.mulf %mul3A_849, %sub3A_846 : vector<16xf32>
        %exp3A_851 = math.exp %mul3A_850 : vector<16xf32>
        %broadcast_in_dim3A_852 = arith.constant 60 : i32
        %broadcast_in_dim3A_853 = vector.broadcast %broadcast_in_dim3A_852 : i32 to vector<16xi32>
        tpu.vector_store_idx %arg10[%add3A_243, %broadcast_in_dim3A_853], %exp3A_851 masked %lt3A_246 : memref<250x64xf32, #tpu.memory_space<vmem>>[vector<16xi32>, vector<16xi32>], vector<16xf32>, vector<16xi1>
        %sub3A_854 = arith.constant 19.3650799 : f32
        %sub3A_855 = vector.broadcast %sub3A_854 : f32 to vector<16xf32>
        %sub3A_856 = arith.subf %get3A_239, %sub3A_855 : vector<16xf32>
        %mul3A_857 = arith.constant -4.961250e+00 : f32
        %mul3A_858 = vector.broadcast %mul3A_857 : f32 to vector<16xf32>
        %mul3A_859 = arith.mulf %mul3A_858, %sub3A_856 : vector<16xf32>
        %mul3A_860 = arith.mulf %mul3A_859, %sub3A_856 : vector<16xf32>
        %exp3A_861 = math.exp %mul3A_860 : vector<16xf32>
        %broadcast_in_dim3A_862 = arith.constant 61 : i32
        %broadcast_in_dim3A_863 = vector.broadcast %broadcast_in_dim3A_862 : i32 to vector<16xi32>
        tpu.vector_store_idx %arg10[%add3A_243, %broadcast_in_dim3A_863], %exp3A_861 masked %lt3A_246 : memref<250x64xf32, #tpu.memory_space<vmem>>[vector<16xi32>, vector<16xi32>], vector<16xf32>, vector<16xi1>
        %sub3A_864 = arith.constant 19.682539 : f32
        %sub3A_865 = vector.broadcast %sub3A_864 : f32 to vector<16xf32>
        %sub3A_866 = arith.subf %get3A_239, %sub3A_865 : vector<16xf32>
        %mul3A_867 = arith.constant -4.961250e+00 : f32
        %mul3A_868 = vector.broadcast %mul3A_867 : f32 to vector<16xf32>
        %mul3A_869 = arith.mulf %mul3A_868, %sub3A_866 : vector<16xf32>
        %mul3A_870 = arith.mulf %mul3A_869, %sub3A_866 : vector<16xf32>
        %exp3A_871 = math.exp %mul3A_870 : vector<16xf32>
        %broadcast_in_dim3A_872 = arith.constant 62 : i32
        %broadcast_in_dim3A_873 = vector.broadcast %broadcast_in_dim3A_872 : i32 to vector<16xi32>
        tpu.vector_store_idx %arg10[%add3A_243, %broadcast_in_dim3A_873], %exp3A_871 masked %lt3A_246 : memref<250x64xf32, #tpu.memory_space<vmem>>[vector<16xi32>, vector<16xi32>], vector<16xf32>, vector<16xi1>
        %sub3A_874 = arith.constant 2.000000e+01 : f32
        %sub3A_875 = vector.broadcast %sub3A_874 : f32 to vector<16xf32>
        %sub3A_876 = arith.subf %get3A_239, %sub3A_875 : vector<16xf32>
        %mul3A_877 = arith.constant -4.961250e+00 : f32
        %mul3A_878 = vector.broadcast %mul3A_877 : f32 to vector<16xf32>
        %mul3A_879 = arith.mulf %mul3A_878, %sub3A_876 : vector<16xf32>
        %mul3A_880 = arith.mulf %mul3A_879, %sub3A_876 : vector<16xf32>
        %exp3A_881 = math.exp %mul3A_880 : vector<16xf32>
        %broadcast_in_dim3A_882 = arith.constant 63 : i32
        %broadcast_in_dim3A_883 = vector.broadcast %broadcast_in_dim3A_882 : i32 to vector<16xi32>
        tpu.vector_store_idx %arg10[%add3A_243, %broadcast_in_dim3A_883], %exp3A_881 masked %lt3A_246 : memref<250x64xf32, #tpu.memory_space<vmem>>[vector<16xi32>, vector<16xi32>], vector<16xf32>, vector<16xi1>
        %scan3A_884 = arith.constant 0 : i32
        scf.yield %scan3A_884 : i32
      }
      %scan3A_112 = arith.constant 16 : i32
      %dma_wait3A_113 = arith.constant 0 : i32
      %dma_wait3A_114 = arith.constant 0 : i32
      %dma_wait3A_115 = arith.constant 0 : i32
      %dma_wait3A_116 = tpu.memref_slice %arg12[%dma_wait3A_114, %dma_wait3A_115] : memref<250x64xf32, #tpu.memory_space<vmem>> -> memref<125x64xf32, #tpu.memory_space<vmem>>
      %dma_wait3A_117 = arith.constant 0 : i32
      %dma_wait3A_118 = tpu.memref_slice %arg8[%dma_wait3A_113, %dma_wait3A_117] : memref<2x125xi32, #tpu.memory_space<vmem>> -> memref<1x125xi32, #tpu.memory_space<vmem>>
      %dma_wait3A_119 = tpu.memref_squeeze %dma_wait3A_118 : memref<1x125xi32, #tpu.memory_space<vmem>> -> memref<125xi32, #tpu.memory_space<vmem>>
      %dma_wait3A_120 = arith.constant 0 : i32
      %dma_wait3A_121 = arith.constant 0 : i32
      %dma_wait3A_122 = tpu.memref_slice %arg4[%dma_wait3A_120, %dma_wait3A_121] : memref<100x64xf32, #tpu.memory_space<hbm>> -> memref<100x64xf32, #tpu.memory_space<hbm>>
      tpu.wait_indirect_dma semaphore(%arg18 : memref<!tpu.dma_semaphore, #tpu.memory_space<semaphore_mem>>) src(%dma_wait3A_122 : memref<100x64xf32, #tpu.memory_space<hbm>>) dst(%dma_wait3A_116 : memref<125x64xf32, #tpu.memory_space<vmem>>)
      %dma_wait3A_123 = arith.constant 1 : i32
      %dma_wait3A_124 = arith.constant 125 : i32
      %dma_wait3A_125 = arith.constant 0 : i32
      %dma_wait3A_126 = tpu.memref_slice %arg12[%dma_wait3A_124, %dma_wait3A_125] : memref<250x64xf32, #tpu.memory_space<vmem>> -> memref<125x64xf32, #tpu.memory_space<vmem>>
      %dma_wait3A_127 = arith.constant 0 : i32
      %dma_wait3A_128 = tpu.memref_slice %arg8[%dma_wait3A_123, %dma_wait3A_127] : memref<2x125xi32, #tpu.memory_space<vmem>> -> memref<1x125xi32, #tpu.memory_space<vmem>>
      %dma_wait3A_129 = tpu.memref_squeeze %dma_wait3A_128 : memref<1x125xi32, #tpu.memory_space<vmem>> -> memref<125xi32, #tpu.memory_space<vmem>>
      %dma_wait3A_130 = arith.constant 0 : i32
      %dma_wait3A_131 = arith.constant 0 : i32
      %dma_wait3A_132 = tpu.memref_slice %arg4[%dma_wait3A_130, %dma_wait3A_131] : memref<100x64xf32, #tpu.memory_space<hbm>> -> memref<100x64xf32, #tpu.memory_space<hbm>>
      tpu.wait_indirect_dma semaphore(%arg18 : memref<!tpu.dma_semaphore, #tpu.memory_space<semaphore_mem>>) src(%dma_wait3A_132 : memref<100x64xf32, #tpu.memory_space<hbm>>) dst(%dma_wait3A_126 : memref<125x64xf32, #tpu.memory_space<vmem>>)
      %dma_start3A_133 = arith.constant 0 : i32
      %dma_start3A_134 = tpu.memref_slice %arg5[%mul3A_57, %dma_start3A_133] : memref<800000x128xf32, #tpu.memory_space<hbm>> -> memref<250x64xf32, #tpu.memory_space<hbm>>
      %dma_start3A_135 = arith.constant 0 : i32
      %dma_start3A_136 = tpu.memref_slice %arg5[%mul3A_57, %dma_start3A_135] : memref<800000x128xf32, #tpu.memory_space<hbm>> -> memref<250x64xf32, #tpu.memory_space<hbm>>
      tpu.enqueue_dma source(%arg10 : memref<250x64xf32, #tpu.memory_space<vmem>>) target(%dma_start3A_136 : memref<250x64xf32, #tpu.memory_space<hbm>>) target_semaphore(%arg16 : memref<!tpu.dma_semaphore, #tpu.memory_space<semaphore_mem>>)
      %dma_start3A_137 = arith.constant 64 : i32
      %dma_start3A_138 = tpu.memref_slice %arg5[%mul3A_57, %dma_start3A_137] : memref<800000x128xf32, #tpu.memory_space<hbm>> -> memref<250x64xf32, #tpu.memory_space<hbm>>
      %dma_start3A_139 = arith.constant 64 : i32
      %dma_start3A_140 = tpu.memref_slice %arg5[%mul3A_57, %dma_start3A_139] : memref<800000x128xf32, #tpu.memory_space<hbm>> -> memref<250x64xf32, #tpu.memory_space<hbm>>
      tpu.enqueue_dma source(%arg12 : memref<250x64xf32, #tpu.memory_space<vmem>>) target(%dma_start3A_140 : memref<250x64xf32, #tpu.memory_space<hbm>>) target_semaphore(%arg16 : memref<!tpu.dma_semaphore, #tpu.memory_space<semaphore_mem>>)
      %mul3A_141 = arith.constant 2 : i32
      %mul3A_142 = arith.muli %scan3A_52, %mul3A_141 : i32
      %add3A_143 = arith.constant 1 : i32
      %add3A_144 = arith.addi %mul3A_142, %add3A_143 : i32
      %add3A_145 = arith.addi %mul3A_2, %add3A_144 : i32
      %mul3A_146 = arith.constant 250 : i32
      %mul3A_147 = arith.muli %add3A_145, %mul3A_146 : i32
      %ge3A_148 = arith.constant 2 : i32
      %ge3A_149 = arith.cmpi sge, %add3A_144, %ge3A_148 : i32
      %convert_element_type3A_150 = arith.extui %ge3A_149 : i1 to i32
      %cond3A_151 = arith.constant 0 : i32
      %cond3A_152 = arith.cmpi ne, %convert_element_type3A_150, %cond3A_151 : i32
      scf.if %cond3A_152 {
        %dma_wait3A_235 = arith.constant 0 : i32
        %dma_wait3A_236 = tpu.memref_slice %arg5[%mul3A_147, %dma_wait3A_235] : memref<800000x128xf32, #tpu.memory_space<hbm>> -> memref<250x64xf32, #tpu.memory_space<hbm>>
        %dma_wait3A_237 = arith.constant 0 : i32
        %dma_wait3A_238 = tpu.memref_slice %arg5[%mul3A_147, %dma_wait3A_237] : memref<800000x128xf32, #tpu.memory_space<hbm>> -> memref<250x64xf32, #tpu.memory_space<hbm>>
        tpu.wait_dma2 semaphore(%arg17 : memref<!tpu.dma_semaphore, #tpu.memory_space<semaphore_mem>>) src(%arg11 : memref<250x64xf32, #tpu.memory_space<vmem>>) dst(%dma_wait3A_238 : memref<250x64xf32, #tpu.memory_space<hbm>>)
        %dma_wait3A_239 = arith.constant 64 : i32
        %dma_wait3A_240 = tpu.memref_slice %arg5[%mul3A_147, %dma_wait3A_239] : memref<800000x128xf32, #tpu.memory_space<hbm>> -> memref<250x64xf32, #tpu.memory_space<hbm>>
        %dma_wait3A_241 = arith.constant 64 : i32
        %dma_wait3A_242 = tpu.memref_slice %arg5[%mul3A_147, %dma_wait3A_241] : memref<800000x128xf32, #tpu.memory_space<hbm>> -> memref<250x64xf32, #tpu.memory_space<hbm>>
        tpu.wait_dma2 semaphore(%arg17 : memref<!tpu.dma_semaphore, #tpu.memory_space<semaphore_mem>>) src(%arg13 : memref<250x64xf32, #tpu.memory_space<vmem>>) dst(%dma_wait3A_242 : memref<250x64xf32, #tpu.memory_space<hbm>>)
      } else {
      }
      %add3A_153 = arith.addi %mul3A_2, %add3A_144 : i32
      %dma_wait3A_154 = arith.constant 0 : i32
      %dma_wait3A_155 = tpu.memref_slice %arg7[%dma_wait3A_154] : memref<256xf32, #tpu.memory_space<vmem>> -> memref<250xf32, #tpu.memory_space<vmem>>
      %dma_wait3A_156 = arith.constant 0 : i32
      %dma_wait3A_157 = tpu.memref_slice %arg2[%add3A_153, %dma_wait3A_156] : memref<3200x250xf32, #tpu.memory_space<hbm>> -> memref<1x250xf32, #tpu.memory_space<hbm>>
      %dma_wait3A_158 = tpu.memref_squeeze %dma_wait3A_157 : memref<1x250xf32, #tpu.memory_space<hbm>> -> memref<250xf32, #tpu.memory_space<hbm>>
      %dma_wait3A_159 = arith.constant 0 : i32
      %dma_wait3A_160 = tpu.memref_slice %arg7[%dma_wait3A_159] : memref<256xf32, #tpu.memory_space<vmem>> -> memref<250xf32, #tpu.memory_space<vmem>>
      %dma_wait3A_161 = arith.constant 0 : i32
      %dma_wait3A_162 = tpu.memref_slice %arg2[%add3A_153, %dma_wait3A_161] : memref<3200x250xf32, #tpu.memory_space<hbm>> -> memref<1x250xf32, #tpu.memory_space<hbm>>
      %dma_wait3A_163 = tpu.memref_squeeze %dma_wait3A_162 : memref<1x250xf32, #tpu.memory_space<hbm>> -> memref<250xf32, #tpu.memory_space<hbm>>
      tpu.wait_dma2 semaphore(%arg15 : memref<!tpu.dma_semaphore, #tpu.memory_space<semaphore_mem>>) src(%dma_wait3A_163 : memref<250xf32, #tpu.memory_space<hbm>>) dst(%dma_wait3A_160 : memref<250xf32, #tpu.memory_space<vmem>>)
      %add3A_164 = arith.addi %mul3A_2, %add3A_144 : i32
      %dma_wait3A_165 = arith.constant 0 : i32
      %dma_wait3A_166 = arith.constant 0 : i32
      %dma_wait3A_167 = tpu.memref_slice %arg3[%add3A_164, %dma_wait3A_165, %dma_wait3A_166] : memref<3200x2x125xi32, #tpu.memory_space<hbm>> -> memref<1x2x125xi32, #tpu.memory_space<hbm>>
      %dma_wait3A_168 = tpu.memref_squeeze %dma_wait3A_167 : memref<1x2x125xi32, #tpu.memory_space<hbm>> -> memref<2x125xi32, #tpu.memory_space<hbm>>
      %dma_wait3A_169 = arith.constant 0 : i32
      %dma_wait3A_170 = arith.constant 0 : i32
      %dma_wait3A_171 = tpu.memref_slice %arg3[%add3A_164, %dma_wait3A_169, %dma_wait3A_170] : memref<3200x2x125xi32, #tpu.memory_space<hbm>> -> memref<1x2x125xi32, #tpu.memory_space<hbm>>
      %dma_wait3A_172 = tpu.memref_squeeze %dma_wait3A_171 : memref<1x2x125xi32, #tpu.memory_space<hbm>> -> memref<2x125xi32, #tpu.memory_space<hbm>>
      tpu.wait_dma2 semaphore(%arg15 : memref<!tpu.dma_semaphore, #tpu.memory_space<semaphore_mem>>) src(%dma_wait3A_172 : memref<2x125xi32, #tpu.memory_space<hbm>>) dst(%arg9 : memref<2x125xi32, #tpu.memory_space<vmem>>)
      %dma_start3A_173 = arith.constant 0 : i32
      %dma_start3A_174 = arith.constant 0 : i32
      %dma_start3A_175 = arith.constant 0 : i32
      %dma_start3A_176 = tpu.memref_slice %arg13[%dma_start3A_174, %dma_start3A_175] : memref<250x64xf32, #tpu.memory_space<vmem>> -> memref<125x64xf32, #tpu.memory_space<vmem>>
      %dma_start3A_177 = arith.constant 0 : i32
      %dma_start3A_178 = tpu.memref_slice %arg9[%dma_start3A_173, %dma_start3A_177] : memref<2x125xi32, #tpu.memory_space<vmem>> -> memref<1x125xi32, #tpu.memory_space<vmem>>
      %dma_start3A_179 = tpu.memref_squeeze %dma_start3A_178 : memref<1x125xi32, #tpu.memory_space<vmem>> -> memref<125xi32, #tpu.memory_space<vmem>>
      %dma_start3A_180 = arith.constant 0 : i32
      %dma_start3A_181 = arith.constant 0 : i32
      %dma_start3A_182 = tpu.memref_slice %arg4[%dma_start3A_180, %dma_start3A_181] : memref<100x64xf32, #tpu.memory_space<hbm>> -> memref<100x64xf32, #tpu.memory_space<hbm>>
      tpu.enqueue_indirect_dma source(%dma_start3A_182 : memref<100x64xf32, #tpu.memory_space<hbm>>) target(%dma_start3A_176 : memref<125x64xf32, #tpu.memory_space<vmem>>) offsets(%dma_start3A_179 : memref<125xi32, #tpu.memory_space<vmem>>) semaphore(%arg18 : memref<!tpu.dma_semaphore, #tpu.memory_space<semaphore_mem>>)
      %dma_start3A_183 = arith.constant 1 : i32
      %dma_start3A_184 = arith.constant 125 : i32
      %dma_start3A_185 = arith.constant 0 : i32
      %dma_start3A_186 = tpu.memref_slice %arg13[%dma_start3A_184, %dma_start3A_185] : memref<250x64xf32, #tpu.memory_space<vmem>> -> memref<125x64xf32, #tpu.memory_space<vmem>>
      %dma_start3A_187 = arith.constant 0 : i32
      %dma_start3A_188 = tpu.memref_slice %arg9[%dma_start3A_183, %dma_start3A_187] : memref<2x125xi32, #tpu.memory_space<vmem>> -> memref<1x125xi32, #tpu.memory_space<vmem>>
      %dma_start3A_189 = tpu.memref_squeeze %dma_start3A_188 : memref<1x125xi32, #tpu.memory_space<vmem>> -> memref<125xi32, #tpu.memory_space<vmem>>
      %dma_start3A_190 = arith.constant 0 : i32
      %dma_start3A_191 = arith.constant 0 : i32
      %dma_start3A_192 = tpu.memref_slice %arg4[%dma_start3A_190, %dma_start3A_191] : memref<100x64xf32, #tpu.memory_space<hbm>> -> memref<100x64xf32, #tpu.memory_space<hbm>>
      tpu.enqueue_indirect_dma source(%dma_start3A_192 : memref<100x64xf32, #tpu.memory_space<hbm>>) target(%dma_start3A_186 : memref<125x64xf32, #tpu.memory_space<vmem>>) offsets(%dma_start3A_189 : memref<125xi32, #tpu.memory_space<vmem>>) semaphore(%arg18 : memref<!tpu.dma_semaphore, #tpu.memory_space<semaphore_mem>>)
      %add3A_193 = arith.constant 1 : i32
      %add3A_194 = arith.addi %add3A_144, %add3A_193 : i32
      %lt3A_195 = arith.constant 100 : i32
      %lt3A_196 = arith.cmpi slt, %add3A_194, %lt3A_195 : i32
      %convert_element_type3A_197 = arith.extui %lt3A_196 : i1 to i32
      %cond3A_198 = arith.constant 0 : i32
      %cond3A_199 = arith.cmpi ne, %convert_element_type3A_197, %cond3A_198 : i32
      scf.if %cond3A_199 {
        %add3A_235 = arith.constant 1 : i32
        %add3A_236 = arith.addi %add3A_144, %add3A_235 : i32
        %add3A_237 = arith.addi %mul3A_2, %add3A_236 : i32
        %dma_start3A_238 = arith.constant 0 : i32
        %dma_start3A_239 = tpu.memref_slice %arg6[%dma_start3A_238] : memref<256xf32, #tpu.memory_space<vmem>> -> memref<250xf32, #tpu.memory_space<vmem>>
        %dma_start3A_240 = arith.constant 0 : i32
        %dma_start3A_241 = tpu.memref_slice %arg2[%add3A_237, %dma_start3A_240] : memref<3200x250xf32, #tpu.memory_space<hbm>> -> memref<1x250xf32, #tpu.memory_space<hbm>>
        %dma_start3A_242 = tpu.memref_squeeze %dma_start3A_241 : memref<1x250xf32, #tpu.memory_space<hbm>> -> memref<250xf32, #tpu.memory_space<hbm>>
        %dma_start3A_243 = arith.constant 0 : i32
        %dma_start3A_244 = tpu.memref_slice %arg6[%dma_start3A_243] : memref<256xf32, #tpu.memory_space<vmem>> -> memref<250xf32, #tpu.memory_space<vmem>>
        %dma_start3A_245 = arith.constant 0 : i32
        %dma_start3A_246 = tpu.memref_slice %arg2[%add3A_237, %dma_start3A_245] : memref<3200x250xf32, #tpu.memory_space<hbm>> -> memref<1x250xf32, #tpu.memory_space<hbm>>
        %dma_start3A_247 = tpu.memref_squeeze %dma_start3A_246 : memref<1x250xf32, #tpu.memory_space<hbm>> -> memref<250xf32, #tpu.memory_space<hbm>>
        tpu.enqueue_dma source(%dma_start3A_247 : memref<250xf32, #tpu.memory_space<hbm>>) target(%dma_start3A_244 : memref<250xf32, #tpu.memory_space<vmem>>) target_semaphore(%arg14 : memref<!tpu.dma_semaphore, #tpu.memory_space<semaphore_mem>>)
        %add3A_248 = arith.addi %mul3A_2, %add3A_236 : i32
        %dma_start3A_249 = arith.constant 0 : i32
        %dma_start3A_250 = arith.constant 0 : i32
        %dma_start3A_251 = tpu.memref_slice %arg3[%add3A_248, %dma_start3A_249, %dma_start3A_250] : memref<3200x2x125xi32, #tpu.memory_space<hbm>> -> memref<1x2x125xi32, #tpu.memory_space<hbm>>
        %dma_start3A_252 = tpu.memref_squeeze %dma_start3A_251 : memref<1x2x125xi32, #tpu.memory_space<hbm>> -> memref<2x125xi32, #tpu.memory_space<hbm>>
        %dma_start3A_253 = arith.constant 0 : i32
        %dma_start3A_254 = arith.constant 0 : i32
        %dma_start3A_255 = tpu.memref_slice %arg3[%add3A_248, %dma_start3A_253, %dma_start3A_254] : memref<3200x2x125xi32, #tpu.memory_space<hbm>> -> memref<1x2x125xi32, #tpu.memory_space<hbm>>
        %dma_start3A_256 = tpu.memref_squeeze %dma_start3A_255 : memref<1x2x125xi32, #tpu.memory_space<hbm>> -> memref<2x125xi32, #tpu.memory_space<hbm>>
        tpu.enqueue_dma source(%dma_start3A_256 : memref<2x125xi32, #tpu.memory_space<hbm>>) target(%arg8 : memref<2x125xi32, #tpu.memory_space<vmem>>) target_semaphore(%arg14 : memref<!tpu.dma_semaphore, #tpu.memory_space<semaphore_mem>>)
      } else {
      }
      %scan3A_200 = arith.constant 0 : i32
      %scan3A_201 = arith.constant 0 : i32
      %scan3A_202 = arith.constant 16 : i32
      %scan3A_203 = arith.addi %scan3A_201, %scan3A_202 : i32
      %scan3A_204 = arith.constant 1 : i32
      %scan3A_205 = scf.for %scan3A_235 = %scan3A_201 to %scan3A_203 step %scan3A_204 iter_args(%scan3A_236 = %scan3A_200) -> (i32)  : i32 {
        %mul3A_237 = arith.constant 16 : i32
        %mul3A_238 = arith.muli %scan3A_235, %mul3A_237 : i32
        %get3A = arith.index_cast %mul3A_238 : i32 to index
        %get3A_239 = tpu.vector_load %arg7[%get3A] {strides = array<i32>} : memref<256xf32, #tpu.memory_space<vmem>>, vector<16xf32>,
        %mul3A_240 = arith.constant 16 : i32
        %mul3A_241 = arith.muli %scan3A_235, %mul3A_240 : i32
        %iota3A = tpu.iota {dimensions = array<i32: 0>} : vector<16xi32>
        %add3A_242 = vector.broadcast %mul3A_241 : i32 to vector<16xi32>
        %add3A_243 = arith.addi %add3A_242, %iota3A : vector<16xi32>
        %lt3A_244 = arith.constant 250 : i32
        %lt3A_245 = vector.broadcast %lt3A_244 : i32 to vector<16xi32>
        %lt3A_246 = arith.cmpi slt, %add3A_243, %lt3A_245 : vector<16xi32>
        %sub3A = arith.constant 0.000000e+00 : f32
        %sub3A_247 = vector.broadcast %sub3A : f32 to vector<16xf32>
        %sub3A_248 = arith.subf %get3A_239, %sub3A_247 : vector<16xf32>
        %mul3A_249 = arith.constant -4.961250e+00 : f32
        %mul3A_250 = vector.broadcast %mul3A_249 : f32 to vector<16xf32>
        %mul3A_251 = arith.mulf %mul3A_250, %sub3A_248 : vector<16xf32>
        %mul3A_252 = arith.mulf %mul3A_251, %sub3A_248 : vector<16xf32>
        %exp3A = math.exp %mul3A_252 : vector<16xf32>
        %broadcast_in_dim3A = arith.constant 0 : i32
        %broadcast_in_dim3A_253 = vector.broadcast %broadcast_in_dim3A : i32 to vector<16xi32>
        tpu.vector_store_idx %arg11[%add3A_243, %broadcast_in_dim3A_253], %exp3A masked %lt3A_246 : memref<250x64xf32, #tpu.memory_space<vmem>>[vector<16xi32>, vector<16xi32>], vector<16xf32>, vector<16xi1>
        %sub3A_254 = arith.constant 0.317460328 : f32
        %sub3A_255 = vector.broadcast %sub3A_254 : f32 to vector<16xf32>
        %sub3A_256 = arith.subf %get3A_239, %sub3A_255 : vector<16xf32>
        %mul3A_257 = arith.constant -4.961250e+00 : f32
        %mul3A_258 = vector.broadcast %mul3A_257 : f32 to vector<16xf32>
        %mul3A_259 = arith.mulf %mul3A_258, %sub3A_256 : vector<16xf32>
        %mul3A_260 = arith.mulf %mul3A_259, %sub3A_256 : vector<16xf32>
        %exp3A_261 = math.exp %mul3A_260 : vector<16xf32>
        %broadcast_in_dim3A_262 = arith.constant 1 : i32
        %broadcast_in_dim3A_263 = vector.broadcast %broadcast_in_dim3A_262 : i32 to vector<16xi32>
        tpu.vector_store_idx %arg11[%add3A_243, %broadcast_in_dim3A_263], %exp3A_261 masked %lt3A_246 : memref<250x64xf32, #tpu.memory_space<vmem>>[vector<16xi32>, vector<16xi32>], vector<16xf32>, vector<16xi1>
        %sub3A_264 = arith.constant 0.634920656 : f32
        %sub3A_265 = vector.broadcast %sub3A_264 : f32 to vector<16xf32>
        %sub3A_266 = arith.subf %get3A_239, %sub3A_265 : vector<16xf32>
        %mul3A_267 = arith.constant -4.961250e+00 : f32
        %mul3A_268 = vector.broadcast %mul3A_267 : f32 to vector<16xf32>
        %mul3A_269 = arith.mulf %mul3A_268, %sub3A_266 : vector<16xf32>
        %mul3A_270 = arith.mulf %mul3A_269, %sub3A_266 : vector<16xf32>
        %exp3A_271 = math.exp %mul3A_270 : vector<16xf32>
        %broadcast_in_dim3A_272 = arith.constant 2 : i32
        %broadcast_in_dim3A_273 = vector.broadcast %broadcast_in_dim3A_272 : i32 to vector<16xi32>
        tpu.vector_store_idx %arg11[%add3A_243, %broadcast_in_dim3A_273], %exp3A_271 masked %lt3A_246 : memref<250x64xf32, #tpu.memory_space<vmem>>[vector<16xi32>, vector<16xi32>], vector<16xf32>, vector<16xi1>
        %sub3A_274 = arith.constant 0.952380955 : f32
        %sub3A_275 = vector.broadcast %sub3A_274 : f32 to vector<16xf32>
        %sub3A_276 = arith.subf %get3A_239, %sub3A_275 : vector<16xf32>
        %mul3A_277 = arith.constant -4.961250e+00 : f32
        %mul3A_278 = vector.broadcast %mul3A_277 : f32 to vector<16xf32>
        %mul3A_279 = arith.mulf %mul3A_278, %sub3A_276 : vector<16xf32>
        %mul3A_280 = arith.mulf %mul3A_279, %sub3A_276 : vector<16xf32>
        %exp3A_281 = math.exp %mul3A_280 : vector<16xf32>
        %broadcast_in_dim3A_282 = arith.constant 3 : i32
        %broadcast_in_dim3A_283 = vector.broadcast %broadcast_in_dim3A_282 : i32 to vector<16xi32>
        tpu.vector_store_idx %arg11[%add3A_243, %broadcast_in_dim3A_283], %exp3A_281 masked %lt3A_246 : memref<250x64xf32, #tpu.memory_space<vmem>>[vector<16xi32>, vector<16xi32>], vector<16xf32>, vector<16xi1>
        %sub3A_284 = arith.constant 1.26984131 : f32
        %sub3A_285 = vector.broadcast %sub3A_284 : f32 to vector<16xf32>
        %sub3A_286 = arith.subf %get3A_239, %sub3A_285 : vector<16xf32>
        %mul3A_287 = arith.constant -4.961250e+00 : f32
        %mul3A_288 = vector.broadcast %mul3A_287 : f32 to vector<16xf32>
        %mul3A_289 = arith.mulf %mul3A_288, %sub3A_286 : vector<16xf32>
        %mul3A_290 = arith.mulf %mul3A_289, %sub3A_286 : vector<16xf32>
        %exp3A_291 = math.exp %mul3A_290 : vector<16xf32>
        %broadcast_in_dim3A_292 = arith.constant 4 : i32
        %broadcast_in_dim3A_293 = vector.broadcast %broadcast_in_dim3A_292 : i32 to vector<16xi32>
        tpu.vector_store_idx %arg11[%add3A_243, %broadcast_in_dim3A_293], %exp3A_291 masked %lt3A_246 : memref<250x64xf32, #tpu.memory_space<vmem>>[vector<16xi32>, vector<16xi32>], vector<16xf32>, vector<16xi1>
        %sub3A_294 = arith.constant 1.58730161 : f32
        %sub3A_295 = vector.broadcast %sub3A_294 : f32 to vector<16xf32>
        %sub3A_296 = arith.subf %get3A_239, %sub3A_295 : vector<16xf32>
        %mul3A_297 = arith.constant -4.961250e+00 : f32
        %mul3A_298 = vector.broadcast %mul3A_297 : f32 to vector<16xf32>
        %mul3A_299 = arith.mulf %mul3A_298, %sub3A_296 : vector<16xf32>
        %mul3A_300 = arith.mulf %mul3A_299, %sub3A_296 : vector<16xf32>
        %exp3A_301 = math.exp %mul3A_300 : vector<16xf32>
        %broadcast_in_dim3A_302 = arith.constant 5 : i32
        %broadcast_in_dim3A_303 = vector.broadcast %broadcast_in_dim3A_302 : i32 to vector<16xi32>
        tpu.vector_store_idx %arg11[%add3A_243, %broadcast_in_dim3A_303], %exp3A_301 masked %lt3A_246 : memref<250x64xf32, #tpu.memory_space<vmem>>[vector<16xi32>, vector<16xi32>], vector<16xf32>, vector<16xi1>
        %sub3A_304 = arith.constant 1.90476191 : f32
        %sub3A_305 = vector.broadcast %sub3A_304 : f32 to vector<16xf32>
        %sub3A_306 = arith.subf %get3A_239, %sub3A_305 : vector<16xf32>
        %mul3A_307 = arith.constant -4.961250e+00 : f32
        %mul3A_308 = vector.broadcast %mul3A_307 : f32 to vector<16xf32>
        %mul3A_309 = arith.mulf %mul3A_308, %sub3A_306 : vector<16xf32>
        %mul3A_310 = arith.mulf %mul3A_309, %sub3A_306 : vector<16xf32>
        %exp3A_311 = math.exp %mul3A_310 : vector<16xf32>
        %broadcast_in_dim3A_312 = arith.constant 6 : i32
        %broadcast_in_dim3A_313 = vector.broadcast %broadcast_in_dim3A_312 : i32 to vector<16xi32>
        tpu.vector_store_idx %arg11[%add3A_243, %broadcast_in_dim3A_313], %exp3A_311 masked %lt3A_246 : memref<250x64xf32, #tpu.memory_space<vmem>>[vector<16xi32>, vector<16xi32>], vector<16xf32>, vector<16xi1>
        %sub3A_314 = arith.constant 2.22222233 : f32
        %sub3A_315 = vector.broadcast %sub3A_314 : f32 to vector<16xf32>
        %sub3A_316 = arith.subf %get3A_239, %sub3A_315 : vector<16xf32>
        %mul3A_317 = arith.constant -4.961250e+00 : f32
        %mul3A_318 = vector.broadcast %mul3A_317 : f32 to vector<16xf32>
        %mul3A_319 = arith.mulf %mul3A_318, %sub3A_316 : vector<16xf32>
        %mul3A_320 = arith.mulf %mul3A_319, %sub3A_316 : vector<16xf32>
        %exp3A_321 = math.exp %mul3A_320 : vector<16xf32>
        %broadcast_in_dim3A_322 = arith.constant 7 : i32
        %broadcast_in_dim3A_323 = vector.broadcast %broadcast_in_dim3A_322 : i32 to vector<16xi32>
        tpu.vector_store_idx %arg11[%add3A_243, %broadcast_in_dim3A_323], %exp3A_321 masked %lt3A_246 : memref<250x64xf32, #tpu.memory_space<vmem>>[vector<16xi32>, vector<16xi32>], vector<16xf32>, vector<16xi1>
        %sub3A_324 = arith.constant 2.53968263 : f32
        %sub3A_325 = vector.broadcast %sub3A_324 : f32 to vector<16xf32>
        %sub3A_326 = arith.subf %get3A_239, %sub3A_325 : vector<16xf32>
        %mul3A_327 = arith.constant -4.961250e+00 : f32
        %mul3A_328 = vector.broadcast %mul3A_327 : f32 to vector<16xf32>
        %mul3A_329 = arith.mulf %mul3A_328, %sub3A_326 : vector<16xf32>
        %mul3A_330 = arith.mulf %mul3A_329, %sub3A_326 : vector<16xf32>
        %exp3A_331 = math.exp %mul3A_330 : vector<16xf32>
        %broadcast_in_dim3A_332 = arith.constant 8 : i32
        %broadcast_in_dim3A_333 = vector.broadcast %broadcast_in_dim3A_332 : i32 to vector<16xi32>
        tpu.vector_store_idx %arg11[%add3A_243, %broadcast_in_dim3A_333], %exp3A_331 masked %lt3A_246 : memref<250x64xf32, #tpu.memory_space<vmem>>[vector<16xi32>, vector<16xi32>], vector<16xf32>, vector<16xi1>
        %sub3A_334 = arith.constant 2.85714293 : f32
        %sub3A_335 = vector.broadcast %sub3A_334 : f32 to vector<16xf32>
        %sub3A_336 = arith.subf %get3A_239, %sub3A_335 : vector<16xf32>
        %mul3A_337 = arith.constant -4.961250e+00 : f32
        %mul3A_338 = vector.broadcast %mul3A_337 : f32 to vector<16xf32>
        %mul3A_339 = arith.mulf %mul3A_338, %sub3A_336 : vector<16xf32>
        %mul3A_340 = arith.mulf %mul3A_339, %sub3A_336 : vector<16xf32>
        %exp3A_341 = math.exp %mul3A_340 : vector<16xf32>
        %broadcast_in_dim3A_342 = arith.constant 9 : i32
        %broadcast_in_dim3A_343 = vector.broadcast %broadcast_in_dim3A_342 : i32 to vector<16xi32>
        tpu.vector_store_idx %arg11[%add3A_243, %broadcast_in_dim3A_343], %exp3A_341 masked %lt3A_246 : memref<250x64xf32, #tpu.memory_space<vmem>>[vector<16xi32>, vector<16xi32>], vector<16xf32>, vector<16xi1>
        %sub3A_344 = arith.constant 3.17460322 : f32
        %sub3A_345 = vector.broadcast %sub3A_344 : f32 to vector<16xf32>
        %sub3A_346 = arith.subf %get3A_239, %sub3A_345 : vector<16xf32>
        %mul3A_347 = arith.constant -4.961250e+00 : f32
        %mul3A_348 = vector.broadcast %mul3A_347 : f32 to vector<16xf32>
        %mul3A_349 = arith.mulf %mul3A_348, %sub3A_346 : vector<16xf32>
        %mul3A_350 = arith.mulf %mul3A_349, %sub3A_346 : vector<16xf32>
        %exp3A_351 = math.exp %mul3A_350 : vector<16xf32>
        %broadcast_in_dim3A_352 = arith.constant 10 : i32
        %broadcast_in_dim3A_353 = vector.broadcast %broadcast_in_dim3A_352 : i32 to vector<16xi32>
        tpu.vector_store_idx %arg11[%add3A_243, %broadcast_in_dim3A_353], %exp3A_351 masked %lt3A_246 : memref<250x64xf32, #tpu.memory_space<vmem>>[vector<16xi32>, vector<16xi32>], vector<16xf32>, vector<16xi1>
        %sub3A_354 = arith.constant 3.49206352 : f32
        %sub3A_355 = vector.broadcast %sub3A_354 : f32 to vector<16xf32>
        %sub3A_356 = arith.subf %get3A_239, %sub3A_355 : vector<16xf32>
        %mul3A_357 = arith.constant -4.961250e+00 : f32
        %mul3A_358 = vector.broadcast %mul3A_357 : f32 to vector<16xf32>
        %mul3A_359 = arith.mulf %mul3A_358, %sub3A_356 : vector<16xf32>
        %mul3A_360 = arith.mulf %mul3A_359, %sub3A_356 : vector<16xf32>
        %exp3A_361 = math.exp %mul3A_360 : vector<16xf32>
        %broadcast_in_dim3A_362 = arith.constant 11 : i32
        %broadcast_in_dim3A_363 = vector.broadcast %broadcast_in_dim3A_362 : i32 to vector<16xi32>
        tpu.vector_store_idx %arg11[%add3A_243, %broadcast_in_dim3A_363], %exp3A_361 masked %lt3A_246 : memref<250x64xf32, #tpu.memory_space<vmem>>[vector<16xi32>, vector<16xi32>], vector<16xf32>, vector<16xi1>
        %sub3A_364 = arith.constant 3.80952382 : f32
        %sub3A_365 = vector.broadcast %sub3A_364 : f32 to vector<16xf32>
        %sub3A_366 = arith.subf %get3A_239, %sub3A_365 : vector<16xf32>
        %mul3A_367 = arith.constant -4.961250e+00 : f32
        %mul3A_368 = vector.broadcast %mul3A_367 : f32 to vector<16xf32>
        %mul3A_369 = arith.mulf %mul3A_368, %sub3A_366 : vector<16xf32>
        %mul3A_370 = arith.mulf %mul3A_369, %sub3A_366 : vector<16xf32>
        %exp3A_371 = math.exp %mul3A_370 : vector<16xf32>
        %broadcast_in_dim3A_372 = arith.constant 12 : i32
        %broadcast_in_dim3A_373 = vector.broadcast %broadcast_in_dim3A_372 : i32 to vector<16xi32>
        tpu.vector_store_idx %arg11[%add3A_243, %broadcast_in_dim3A_373], %exp3A_371 masked %lt3A_246 : memref<250x64xf32, #tpu.memory_space<vmem>>[vector<16xi32>, vector<16xi32>], vector<16xf32>, vector<16xi1>
        %sub3A_374 = arith.constant 4.12698412 : f32
        %sub3A_375 = vector.broadcast %sub3A_374 : f32 to vector<16xf32>
        %sub3A_376 = arith.subf %get3A_239, %sub3A_375 : vector<16xf32>
        %mul3A_377 = arith.constant -4.961250e+00 : f32
        %mul3A_378 = vector.broadcast %mul3A_377 : f32 to vector<16xf32>
        %mul3A_379 = arith.mulf %mul3A_378, %sub3A_376 : vector<16xf32>
        %mul3A_380 = arith.mulf %mul3A_379, %sub3A_376 : vector<16xf32>
        %exp3A_381 = math.exp %mul3A_380 : vector<16xf32>
        %broadcast_in_dim3A_382 = arith.constant 13 : i32
        %broadcast_in_dim3A_383 = vector.broadcast %broadcast_in_dim3A_382 : i32 to vector<16xi32>
        tpu.vector_store_idx %arg11[%add3A_243, %broadcast_in_dim3A_383], %exp3A_381 masked %lt3A_246 : memref<250x64xf32, #tpu.memory_space<vmem>>[vector<16xi32>, vector<16xi32>], vector<16xf32>, vector<16xi1>
        %sub3A_384 = arith.constant 4.44444466 : f32
        %sub3A_385 = vector.broadcast %sub3A_384 : f32 to vector<16xf32>
        %sub3A_386 = arith.subf %get3A_239, %sub3A_385 : vector<16xf32>
        %mul3A_387 = arith.constant -4.961250e+00 : f32
        %mul3A_388 = vector.broadcast %mul3A_387 : f32 to vector<16xf32>
        %mul3A_389 = arith.mulf %mul3A_388, %sub3A_386 : vector<16xf32>
        %mul3A_390 = arith.mulf %mul3A_389, %sub3A_386 : vector<16xf32>
        %exp3A_391 = math.exp %mul3A_390 : vector<16xf32>
        %broadcast_in_dim3A_392 = arith.constant 14 : i32
        %broadcast_in_dim3A_393 = vector.broadcast %broadcast_in_dim3A_392 : i32 to vector<16xi32>
        tpu.vector_store_idx %arg11[%add3A_243, %broadcast_in_dim3A_393], %exp3A_391 masked %lt3A_246 : memref<250x64xf32, #tpu.memory_space<vmem>>[vector<16xi32>, vector<16xi32>], vector<16xf32>, vector<16xi1>
        %sub3A_394 = arith.constant 4.76190472 : f32
        %sub3A_395 = vector.broadcast %sub3A_394 : f32 to vector<16xf32>
        %sub3A_396 = arith.subf %get3A_239, %sub3A_395 : vector<16xf32>
        %mul3A_397 = arith.constant -4.961250e+00 : f32
        %mul3A_398 = vector.broadcast %mul3A_397 : f32 to vector<16xf32>
        %mul3A_399 = arith.mulf %mul3A_398, %sub3A_396 : vector<16xf32>
        %mul3A_400 = arith.mulf %mul3A_399, %sub3A_396 : vector<16xf32>
        %exp3A_401 = math.exp %mul3A_400 : vector<16xf32>
        %broadcast_in_dim3A_402 = arith.constant 15 : i32
        %broadcast_in_dim3A_403 = vector.broadcast %broadcast_in_dim3A_402 : i32 to vector<16xi32>
        tpu.vector_store_idx %arg11[%add3A_243, %broadcast_in_dim3A_403], %exp3A_401 masked %lt3A_246 : memref<250x64xf32, #tpu.memory_space<vmem>>[vector<16xi32>, vector<16xi32>], vector<16xf32>, vector<16xi1>
        %sub3A_404 = arith.constant 5.07936525 : f32
        %sub3A_405 = vector.broadcast %sub3A_404 : f32 to vector<16xf32>
        %sub3A_406 = arith.subf %get3A_239, %sub3A_405 : vector<16xf32>
        %mul3A_407 = arith.constant -4.961250e+00 : f32
        %mul3A_408 = vector.broadcast %mul3A_407 : f32 to vector<16xf32>
        %mul3A_409 = arith.mulf %mul3A_408, %sub3A_406 : vector<16xf32>
        %mul3A_410 = arith.mulf %mul3A_409, %sub3A_406 : vector<16xf32>
        %exp3A_411 = math.exp %mul3A_410 : vector<16xf32>
        %broadcast_in_dim3A_412 = arith.constant 16 : i32
        %broadcast_in_dim3A_413 = vector.broadcast %broadcast_in_dim3A_412 : i32 to vector<16xi32>
        tpu.vector_store_idx %arg11[%add3A_243, %broadcast_in_dim3A_413], %exp3A_411 masked %lt3A_246 : memref<250x64xf32, #tpu.memory_space<vmem>>[vector<16xi32>, vector<16xi32>], vector<16xf32>, vector<16xi1>
        %sub3A_414 = arith.constant 5.39682531 : f32
        %sub3A_415 = vector.broadcast %sub3A_414 : f32 to vector<16xf32>
        %sub3A_416 = arith.subf %get3A_239, %sub3A_415 : vector<16xf32>
        %mul3A_417 = arith.constant -4.961250e+00 : f32
        %mul3A_418 = vector.broadcast %mul3A_417 : f32 to vector<16xf32>
        %mul3A_419 = arith.mulf %mul3A_418, %sub3A_416 : vector<16xf32>
        %mul3A_420 = arith.mulf %mul3A_419, %sub3A_416 : vector<16xf32>
        %exp3A_421 = math.exp %mul3A_420 : vector<16xf32>
        %broadcast_in_dim3A_422 = arith.constant 17 : i32
        %broadcast_in_dim3A_423 = vector.broadcast %broadcast_in_dim3A_422 : i32 to vector<16xi32>
        tpu.vector_store_idx %arg11[%add3A_243, %broadcast_in_dim3A_423], %exp3A_421 masked %lt3A_246 : memref<250x64xf32, #tpu.memory_space<vmem>>[vector<16xi32>, vector<16xi32>], vector<16xf32>, vector<16xi1>
        %sub3A_424 = arith.constant 5.71428585 : f32
        %sub3A_425 = vector.broadcast %sub3A_424 : f32 to vector<16xf32>
        %sub3A_426 = arith.subf %get3A_239, %sub3A_425 : vector<16xf32>
        %mul3A_427 = arith.constant -4.961250e+00 : f32
        %mul3A_428 = vector.broadcast %mul3A_427 : f32 to vector<16xf32>
        %mul3A_429 = arith.mulf %mul3A_428, %sub3A_426 : vector<16xf32>
        %mul3A_430 = arith.mulf %mul3A_429, %sub3A_426 : vector<16xf32>
        %exp3A_431 = math.exp %mul3A_430 : vector<16xf32>
        %broadcast_in_dim3A_432 = arith.constant 18 : i32
        %broadcast_in_dim3A_433 = vector.broadcast %broadcast_in_dim3A_432 : i32 to vector<16xi32>
        tpu.vector_store_idx %arg11[%add3A_243, %broadcast_in_dim3A_433], %exp3A_431 masked %lt3A_246 : memref<250x64xf32, #tpu.memory_space<vmem>>[vector<16xi32>, vector<16xi32>], vector<16xf32>, vector<16xi1>
        %sub3A_434 = arith.constant 6.03174591 : f32
        %sub3A_435 = vector.broadcast %sub3A_434 : f32 to vector<16xf32>
        %sub3A_436 = arith.subf %get3A_239, %sub3A_435 : vector<16xf32>
        %mul3A_437 = arith.constant -4.961250e+00 : f32
        %mul3A_438 = vector.broadcast %mul3A_437 : f32 to vector<16xf32>
        %mul3A_439 = arith.mulf %mul3A_438, %sub3A_436 : vector<16xf32>
        %mul3A_440 = arith.mulf %mul3A_439, %sub3A_436 : vector<16xf32>
        %exp3A_441 = math.exp %mul3A_440 : vector<16xf32>
        %broadcast_in_dim3A_442 = arith.constant 19 : i32
        %broadcast_in_dim3A_443 = vector.broadcast %broadcast_in_dim3A_442 : i32 to vector<16xi32>
        tpu.vector_store_idx %arg11[%add3A_243, %broadcast_in_dim3A_443], %exp3A_441 masked %lt3A_246 : memref<250x64xf32, #tpu.memory_space<vmem>>[vector<16xi32>, vector<16xi32>], vector<16xf32>, vector<16xi1>
        %sub3A_444 = arith.constant 6.34920645 : f32
        %sub3A_445 = vector.broadcast %sub3A_444 : f32 to vector<16xf32>
        %sub3A_446 = arith.subf %get3A_239, %sub3A_445 : vector<16xf32>
        %mul3A_447 = arith.constant -4.961250e+00 : f32
        %mul3A_448 = vector.broadcast %mul3A_447 : f32 to vector<16xf32>
        %mul3A_449 = arith.mulf %mul3A_448, %sub3A_446 : vector<16xf32>
        %mul3A_450 = arith.mulf %mul3A_449, %sub3A_446 : vector<16xf32>
        %exp3A_451 = math.exp %mul3A_450 : vector<16xf32>
        %broadcast_in_dim3A_452 = arith.constant 20 : i32
        %broadcast_in_dim3A_453 = vector.broadcast %broadcast_in_dim3A_452 : i32 to vector<16xi32>
        tpu.vector_store_idx %arg11[%add3A_243, %broadcast_in_dim3A_453], %exp3A_451 masked %lt3A_246 : memref<250x64xf32, #tpu.memory_space<vmem>>[vector<16xi32>, vector<16xi32>], vector<16xf32>, vector<16xi1>
        %sub3A_454 = arith.constant 6.66666651 : f32
        %sub3A_455 = vector.broadcast %sub3A_454 : f32 to vector<16xf32>
        %sub3A_456 = arith.subf %get3A_239, %sub3A_455 : vector<16xf32>
        %mul3A_457 = arith.constant -4.961250e+00 : f32
        %mul3A_458 = vector.broadcast %mul3A_457 : f32 to vector<16xf32>
        %mul3A_459 = arith.mulf %mul3A_458, %sub3A_456 : vector<16xf32>
        %mul3A_460 = arith.mulf %mul3A_459, %sub3A_456 : vector<16xf32>
        %exp3A_461 = math.exp %mul3A_460 : vector<16xf32>
        %broadcast_in_dim3A_462 = arith.constant 21 : i32
        %broadcast_in_dim3A_463 = vector.broadcast %broadcast_in_dim3A_462 : i32 to vector<16xi32>
        tpu.vector_store_idx %arg11[%add3A_243, %broadcast_in_dim3A_463], %exp3A_461 masked %lt3A_246 : memref<250x64xf32, #tpu.memory_space<vmem>>[vector<16xi32>, vector<16xi32>], vector<16xf32>, vector<16xi1>
        %sub3A_464 = arith.constant 6.98412704 : f32
        %sub3A_465 = vector.broadcast %sub3A_464 : f32 to vector<16xf32>
        %sub3A_466 = arith.subf %get3A_239, %sub3A_465 : vector<16xf32>
        %mul3A_467 = arith.constant -4.961250e+00 : f32
        %mul3A_468 = vector.broadcast %mul3A_467 : f32 to vector<16xf32>
        %mul3A_469 = arith.mulf %mul3A_468, %sub3A_466 : vector<16xf32>
        %mul3A_470 = arith.mulf %mul3A_469, %sub3A_466 : vector<16xf32>
        %exp3A_471 = math.exp %mul3A_470 : vector<16xf32>
        %broadcast_in_dim3A_472 = arith.constant 22 : i32
        %broadcast_in_dim3A_473 = vector.broadcast %broadcast_in_dim3A_472 : i32 to vector<16xi32>
        tpu.vector_store_idx %arg11[%add3A_243, %broadcast_in_dim3A_473], %exp3A_471 masked %lt3A_246 : memref<250x64xf32, #tpu.memory_space<vmem>>[vector<16xi32>, vector<16xi32>], vector<16xf32>, vector<16xi1>
        %sub3A_474 = arith.constant 7.3015871 : f32
        %sub3A_475 = vector.broadcast %sub3A_474 : f32 to vector<16xf32>
        %sub3A_476 = arith.subf %get3A_239, %sub3A_475 : vector<16xf32>
        %mul3A_477 = arith.constant -4.961250e+00 : f32
        %mul3A_478 = vector.broadcast %mul3A_477 : f32 to vector<16xf32>
        %mul3A_479 = arith.mulf %mul3A_478, %sub3A_476 : vector<16xf32>
        %mul3A_480 = arith.mulf %mul3A_479, %sub3A_476 : vector<16xf32>
        %exp3A_481 = math.exp %mul3A_480 : vector<16xf32>
        %broadcast_in_dim3A_482 = arith.constant 23 : i32
        %broadcast_in_dim3A_483 = vector.broadcast %broadcast_in_dim3A_482 : i32 to vector<16xi32>
        tpu.vector_store_idx %arg11[%add3A_243, %broadcast_in_dim3A_483], %exp3A_481 masked %lt3A_246 : memref<250x64xf32, #tpu.memory_space<vmem>>[vector<16xi32>, vector<16xi32>], vector<16xf32>, vector<16xi1>
        %sub3A_484 = arith.constant 7.61904764 : f32
        %sub3A_485 = vector.broadcast %sub3A_484 : f32 to vector<16xf32>
        %sub3A_486 = arith.subf %get3A_239, %sub3A_485 : vector<16xf32>
        %mul3A_487 = arith.constant -4.961250e+00 : f32
        %mul3A_488 = vector.broadcast %mul3A_487 : f32 to vector<16xf32>
        %mul3A_489 = arith.mulf %mul3A_488, %sub3A_486 : vector<16xf32>
        %mul3A_490 = arith.mulf %mul3A_489, %sub3A_486 : vector<16xf32>
        %exp3A_491 = math.exp %mul3A_490 : vector<16xf32>
        %broadcast_in_dim3A_492 = arith.constant 24 : i32
        %broadcast_in_dim3A_493 = vector.broadcast %broadcast_in_dim3A_492 : i32 to vector<16xi32>
        tpu.vector_store_idx %arg11[%add3A_243, %broadcast_in_dim3A_493], %exp3A_491 masked %lt3A_246 : memref<250x64xf32, #tpu.memory_space<vmem>>[vector<16xi32>, vector<16xi32>], vector<16xf32>, vector<16xi1>
        %sub3A_494 = arith.constant 7.9365077 : f32
        %sub3A_495 = vector.broadcast %sub3A_494 : f32 to vector<16xf32>
        %sub3A_496 = arith.subf %get3A_239, %sub3A_495 : vector<16xf32>
        %mul3A_497 = arith.constant -4.961250e+00 : f32
        %mul3A_498 = vector.broadcast %mul3A_497 : f32 to vector<16xf32>
        %mul3A_499 = arith.mulf %mul3A_498, %sub3A_496 : vector<16xf32>
        %mul3A_500 = arith.mulf %mul3A_499, %sub3A_496 : vector<16xf32>
        %exp3A_501 = math.exp %mul3A_500 : vector<16xf32>
        %broadcast_in_dim3A_502 = arith.constant 25 : i32
        %broadcast_in_dim3A_503 = vector.broadcast %broadcast_in_dim3A_502 : i32 to vector<16xi32>
        tpu.vector_store_idx %arg11[%add3A_243, %broadcast_in_dim3A_503], %exp3A_501 masked %lt3A_246 : memref<250x64xf32, #tpu.memory_space<vmem>>[vector<16xi32>, vector<16xi32>], vector<16xf32>, vector<16xi1>
        %sub3A_504 = arith.constant 8.25396823 : f32
        %sub3A_505 = vector.broadcast %sub3A_504 : f32 to vector<16xf32>
        %sub3A_506 = arith.subf %get3A_239, %sub3A_505 : vector<16xf32>
        %mul3A_507 = arith.constant -4.961250e+00 : f32
        %mul3A_508 = vector.broadcast %mul3A_507 : f32 to vector<16xf32>
        %mul3A_509 = arith.mulf %mul3A_508, %sub3A_506 : vector<16xf32>
        %mul3A_510 = arith.mulf %mul3A_509, %sub3A_506 : vector<16xf32>
        %exp3A_511 = math.exp %mul3A_510 : vector<16xf32>
        %broadcast_in_dim3A_512 = arith.constant 26 : i32
        %broadcast_in_dim3A_513 = vector.broadcast %broadcast_in_dim3A_512 : i32 to vector<16xi32>
        tpu.vector_store_idx %arg11[%add3A_243, %broadcast_in_dim3A_513], %exp3A_511 masked %lt3A_246 : memref<250x64xf32, #tpu.memory_space<vmem>>[vector<16xi32>, vector<16xi32>], vector<16xf32>, vector<16xi1>
        %sub3A_514 = arith.constant 8.57142829 : f32
        %sub3A_515 = vector.broadcast %sub3A_514 : f32 to vector<16xf32>
        %sub3A_516 = arith.subf %get3A_239, %sub3A_515 : vector<16xf32>
        %mul3A_517 = arith.constant -4.961250e+00 : f32
        %mul3A_518 = vector.broadcast %mul3A_517 : f32 to vector<16xf32>
        %mul3A_519 = arith.mulf %mul3A_518, %sub3A_516 : vector<16xf32>
        %mul3A_520 = arith.mulf %mul3A_519, %sub3A_516 : vector<16xf32>
        %exp3A_521 = math.exp %mul3A_520 : vector<16xf32>
        %broadcast_in_dim3A_522 = arith.constant 27 : i32
        %broadcast_in_dim3A_523 = vector.broadcast %broadcast_in_dim3A_522 : i32 to vector<16xi32>
        tpu.vector_store_idx %arg11[%add3A_243, %broadcast_in_dim3A_523], %exp3A_521 masked %lt3A_246 : memref<250x64xf32, #tpu.memory_space<vmem>>[vector<16xi32>, vector<16xi32>], vector<16xf32>, vector<16xi1>
        %sub3A_524 = arith.constant 8.88888931 : f32
        %sub3A_525 = vector.broadcast %sub3A_524 : f32 to vector<16xf32>
        %sub3A_526 = arith.subf %get3A_239, %sub3A_525 : vector<16xf32>
        %mul3A_527 = arith.constant -4.961250e+00 : f32
        %mul3A_528 = vector.broadcast %mul3A_527 : f32 to vector<16xf32>
        %mul3A_529 = arith.mulf %mul3A_528, %sub3A_526 : vector<16xf32>
        %mul3A_530 = arith.mulf %mul3A_529, %sub3A_526 : vector<16xf32>
        %exp3A_531 = math.exp %mul3A_530 : vector<16xf32>
        %broadcast_in_dim3A_532 = arith.constant 28 : i32
        %broadcast_in_dim3A_533 = vector.broadcast %broadcast_in_dim3A_532 : i32 to vector<16xi32>
        tpu.vector_store_idx %arg11[%add3A_243, %broadcast_in_dim3A_533], %exp3A_531 masked %lt3A_246 : memref<250x64xf32, #tpu.memory_space<vmem>>[vector<16xi32>, vector<16xi32>], vector<16xf32>, vector<16xi1>
        %sub3A_534 = arith.constant 9.20634937 : f32
        %sub3A_535 = vector.broadcast %sub3A_534 : f32 to vector<16xf32>
        %sub3A_536 = arith.subf %get3A_239, %sub3A_535 : vector<16xf32>
        %mul3A_537 = arith.constant -4.961250e+00 : f32
        %mul3A_538 = vector.broadcast %mul3A_537 : f32 to vector<16xf32>
        %mul3A_539 = arith.mulf %mul3A_538, %sub3A_536 : vector<16xf32>
        %mul3A_540 = arith.mulf %mul3A_539, %sub3A_536 : vector<16xf32>
        %exp3A_541 = math.exp %mul3A_540 : vector<16xf32>
        %broadcast_in_dim3A_542 = arith.constant 29 : i32
        %broadcast_in_dim3A_543 = vector.broadcast %broadcast_in_dim3A_542 : i32 to vector<16xi32>
        tpu.vector_store_idx %arg11[%add3A_243, %broadcast_in_dim3A_543], %exp3A_541 masked %lt3A_246 : memref<250x64xf32, #tpu.memory_space<vmem>>[vector<16xi32>, vector<16xi32>], vector<16xf32>, vector<16xi1>
        %sub3A_544 = arith.constant 9.52380943 : f32
        %sub3A_545 = vector.broadcast %sub3A_544 : f32 to vector<16xf32>
        %sub3A_546 = arith.subf %get3A_239, %sub3A_545 : vector<16xf32>
        %mul3A_547 = arith.constant -4.961250e+00 : f32
        %mul3A_548 = vector.broadcast %mul3A_547 : f32 to vector<16xf32>
        %mul3A_549 = arith.mulf %mul3A_548, %sub3A_546 : vector<16xf32>
        %mul3A_550 = arith.mulf %mul3A_549, %sub3A_546 : vector<16xf32>
        %exp3A_551 = math.exp %mul3A_550 : vector<16xf32>
        %broadcast_in_dim3A_552 = arith.constant 30 : i32
        %broadcast_in_dim3A_553 = vector.broadcast %broadcast_in_dim3A_552 : i32 to vector<16xi32>
        tpu.vector_store_idx %arg11[%add3A_243, %broadcast_in_dim3A_553], %exp3A_551 masked %lt3A_246 : memref<250x64xf32, #tpu.memory_space<vmem>>[vector<16xi32>, vector<16xi32>], vector<16xf32>, vector<16xi1>
        %sub3A_554 = arith.constant 9.84126949 : f32
        %sub3A_555 = vector.broadcast %sub3A_554 : f32 to vector<16xf32>
        %sub3A_556 = arith.subf %get3A_239, %sub3A_555 : vector<16xf32>
        %mul3A_557 = arith.constant -4.961250e+00 : f32
        %mul3A_558 = vector.broadcast %mul3A_557 : f32 to vector<16xf32>
        %mul3A_559 = arith.mulf %mul3A_558, %sub3A_556 : vector<16xf32>
        %mul3A_560 = arith.mulf %mul3A_559, %sub3A_556 : vector<16xf32>
        %exp3A_561 = math.exp %mul3A_560 : vector<16xf32>
        %broadcast_in_dim3A_562 = arith.constant 31 : i32
        %broadcast_in_dim3A_563 = vector.broadcast %broadcast_in_dim3A_562 : i32 to vector<16xi32>
        tpu.vector_store_idx %arg11[%add3A_243, %broadcast_in_dim3A_563], %exp3A_561 masked %lt3A_246 : memref<250x64xf32, #tpu.memory_space<vmem>>[vector<16xi32>, vector<16xi32>], vector<16xf32>, vector<16xi1>
        %sub3A_564 = arith.constant 10.1587305 : f32
        %sub3A_565 = vector.broadcast %sub3A_564 : f32 to vector<16xf32>
        %sub3A_566 = arith.subf %get3A_239, %sub3A_565 : vector<16xf32>
        %mul3A_567 = arith.constant -4.961250e+00 : f32
        %mul3A_568 = vector.broadcast %mul3A_567 : f32 to vector<16xf32>
        %mul3A_569 = arith.mulf %mul3A_568, %sub3A_566 : vector<16xf32>
        %mul3A_570 = arith.mulf %mul3A_569, %sub3A_566 : vector<16xf32>
        %exp3A_571 = math.exp %mul3A_570 : vector<16xf32>
        %broadcast_in_dim3A_572 = arith.constant 32 : i32
        %broadcast_in_dim3A_573 = vector.broadcast %broadcast_in_dim3A_572 : i32 to vector<16xi32>
        tpu.vector_store_idx %arg11[%add3A_243, %broadcast_in_dim3A_573], %exp3A_571 masked %lt3A_246 : memref<250x64xf32, #tpu.memory_space<vmem>>[vector<16xi32>, vector<16xi32>], vector<16xf32>, vector<16xi1>
        %sub3A_574 = arith.constant 10.4761906 : f32
        %sub3A_575 = vector.broadcast %sub3A_574 : f32 to vector<16xf32>
        %sub3A_576 = arith.subf %get3A_239, %sub3A_575 : vector<16xf32>
        %mul3A_577 = arith.constant -4.961250e+00 : f32
        %mul3A_578 = vector.broadcast %mul3A_577 : f32 to vector<16xf32>
        %mul3A_579 = arith.mulf %mul3A_578, %sub3A_576 : vector<16xf32>
        %mul3A_580 = arith.mulf %mul3A_579, %sub3A_576 : vector<16xf32>
        %exp3A_581 = math.exp %mul3A_580 : vector<16xf32>
        %broadcast_in_dim3A_582 = arith.constant 33 : i32
        %broadcast_in_dim3A_583 = vector.broadcast %broadcast_in_dim3A_582 : i32 to vector<16xi32>
        tpu.vector_store_idx %arg11[%add3A_243, %broadcast_in_dim3A_583], %exp3A_581 masked %lt3A_246 : memref<250x64xf32, #tpu.memory_space<vmem>>[vector<16xi32>, vector<16xi32>], vector<16xf32>, vector<16xi1>
        %sub3A_584 = arith.constant 10.7936506 : f32
        %sub3A_585 = vector.broadcast %sub3A_584 : f32 to vector<16xf32>
        %sub3A_586 = arith.subf %get3A_239, %sub3A_585 : vector<16xf32>
        %mul3A_587 = arith.constant -4.961250e+00 : f32
        %mul3A_588 = vector.broadcast %mul3A_587 : f32 to vector<16xf32>
        %mul3A_589 = arith.mulf %mul3A_588, %sub3A_586 : vector<16xf32>
        %mul3A_590 = arith.mulf %mul3A_589, %sub3A_586 : vector<16xf32>
        %exp3A_591 = math.exp %mul3A_590 : vector<16xf32>
        %broadcast_in_dim3A_592 = arith.constant 34 : i32
        %broadcast_in_dim3A_593 = vector.broadcast %broadcast_in_dim3A_592 : i32 to vector<16xi32>
        tpu.vector_store_idx %arg11[%add3A_243, %broadcast_in_dim3A_593], %exp3A_591 masked %lt3A_246 : memref<250x64xf32, #tpu.memory_space<vmem>>[vector<16xi32>, vector<16xi32>], vector<16xf32>, vector<16xi1>
        %sub3A_594 = arith.constant 11.1111107 : f32
        %sub3A_595 = vector.broadcast %sub3A_594 : f32 to vector<16xf32>
        %sub3A_596 = arith.subf %get3A_239, %sub3A_595 : vector<16xf32>
        %mul3A_597 = arith.constant -4.961250e+00 : f32
        %mul3A_598 = vector.broadcast %mul3A_597 : f32 to vector<16xf32>
        %mul3A_599 = arith.mulf %mul3A_598, %sub3A_596 : vector<16xf32>
        %mul3A_600 = arith.mulf %mul3A_599, %sub3A_596 : vector<16xf32>
        %exp3A_601 = math.exp %mul3A_600 : vector<16xf32>
        %broadcast_in_dim3A_602 = arith.constant 35 : i32
        %broadcast_in_dim3A_603 = vector.broadcast %broadcast_in_dim3A_602 : i32 to vector<16xi32>
        tpu.vector_store_idx %arg11[%add3A_243, %broadcast_in_dim3A_603], %exp3A_601 masked %lt3A_246 : memref<250x64xf32, #tpu.memory_space<vmem>>[vector<16xi32>, vector<16xi32>], vector<16xf32>, vector<16xi1>
        %sub3A_604 = arith.constant 11.4285717 : f32
        %sub3A_605 = vector.broadcast %sub3A_604 : f32 to vector<16xf32>
        %sub3A_606 = arith.subf %get3A_239, %sub3A_605 : vector<16xf32>
        %mul3A_607 = arith.constant -4.961250e+00 : f32
        %mul3A_608 = vector.broadcast %mul3A_607 : f32 to vector<16xf32>
        %mul3A_609 = arith.mulf %mul3A_608, %sub3A_606 : vector<16xf32>
        %mul3A_610 = arith.mulf %mul3A_609, %sub3A_606 : vector<16xf32>
        %exp3A_611 = math.exp %mul3A_610 : vector<16xf32>
        %broadcast_in_dim3A_612 = arith.constant 36 : i32
        %broadcast_in_dim3A_613 = vector.broadcast %broadcast_in_dim3A_612 : i32 to vector<16xi32>
        tpu.vector_store_idx %arg11[%add3A_243, %broadcast_in_dim3A_613], %exp3A_611 masked %lt3A_246 : memref<250x64xf32, #tpu.memory_space<vmem>>[vector<16xi32>, vector<16xi32>], vector<16xf32>, vector<16xi1>
        %sub3A_614 = arith.constant 11.7460318 : f32
        %sub3A_615 = vector.broadcast %sub3A_614 : f32 to vector<16xf32>
        %sub3A_616 = arith.subf %get3A_239, %sub3A_615 : vector<16xf32>
        %mul3A_617 = arith.constant -4.961250e+00 : f32
        %mul3A_618 = vector.broadcast %mul3A_617 : f32 to vector<16xf32>
        %mul3A_619 = arith.mulf %mul3A_618, %sub3A_616 : vector<16xf32>
        %mul3A_620 = arith.mulf %mul3A_619, %sub3A_616 : vector<16xf32>
        %exp3A_621 = math.exp %mul3A_620 : vector<16xf32>
        %broadcast_in_dim3A_622 = arith.constant 37 : i32
        %broadcast_in_dim3A_623 = vector.broadcast %broadcast_in_dim3A_622 : i32 to vector<16xi32>
        tpu.vector_store_idx %arg11[%add3A_243, %broadcast_in_dim3A_623], %exp3A_621 masked %lt3A_246 : memref<250x64xf32, #tpu.memory_space<vmem>>[vector<16xi32>, vector<16xi32>], vector<16xf32>, vector<16xi1>
        %sub3A_624 = arith.constant 12.0634918 : f32
        %sub3A_625 = vector.broadcast %sub3A_624 : f32 to vector<16xf32>
        %sub3A_626 = arith.subf %get3A_239, %sub3A_625 : vector<16xf32>
        %mul3A_627 = arith.constant -4.961250e+00 : f32
        %mul3A_628 = vector.broadcast %mul3A_627 : f32 to vector<16xf32>
        %mul3A_629 = arith.mulf %mul3A_628, %sub3A_626 : vector<16xf32>
        %mul3A_630 = arith.mulf %mul3A_629, %sub3A_626 : vector<16xf32>
        %exp3A_631 = math.exp %mul3A_630 : vector<16xf32>
        %broadcast_in_dim3A_632 = arith.constant 38 : i32
        %broadcast_in_dim3A_633 = vector.broadcast %broadcast_in_dim3A_632 : i32 to vector<16xi32>
        tpu.vector_store_idx %arg11[%add3A_243, %broadcast_in_dim3A_633], %exp3A_631 masked %lt3A_246 : memref<250x64xf32, #tpu.memory_space<vmem>>[vector<16xi32>, vector<16xi32>], vector<16xf32>, vector<16xi1>
        %sub3A_634 = arith.constant 12.3809528 : f32
        %sub3A_635 = vector.broadcast %sub3A_634 : f32 to vector<16xf32>
        %sub3A_636 = arith.subf %get3A_239, %sub3A_635 : vector<16xf32>
        %mul3A_637 = arith.constant -4.961250e+00 : f32
        %mul3A_638 = vector.broadcast %mul3A_637 : f32 to vector<16xf32>
        %mul3A_639 = arith.mulf %mul3A_638, %sub3A_636 : vector<16xf32>
        %mul3A_640 = arith.mulf %mul3A_639, %sub3A_636 : vector<16xf32>
        %exp3A_641 = math.exp %mul3A_640 : vector<16xf32>
        %broadcast_in_dim3A_642 = arith.constant 39 : i32
        %broadcast_in_dim3A_643 = vector.broadcast %broadcast_in_dim3A_642 : i32 to vector<16xi32>
        tpu.vector_store_idx %arg11[%add3A_243, %broadcast_in_dim3A_643], %exp3A_641 masked %lt3A_246 : memref<250x64xf32, #tpu.memory_space<vmem>>[vector<16xi32>, vector<16xi32>], vector<16xf32>, vector<16xi1>
        %sub3A_644 = arith.constant 12.6984129 : f32
        %sub3A_645 = vector.broadcast %sub3A_644 : f32 to vector<16xf32>
        %sub3A_646 = arith.subf %get3A_239, %sub3A_645 : vector<16xf32>
        %mul3A_647 = arith.constant -4.961250e+00 : f32
        %mul3A_648 = vector.broadcast %mul3A_647 : f32 to vector<16xf32>
        %mul3A_649 = arith.mulf %mul3A_648, %sub3A_646 : vector<16xf32>
        %mul3A_650 = arith.mulf %mul3A_649, %sub3A_646 : vector<16xf32>
        %exp3A_651 = math.exp %mul3A_650 : vector<16xf32>
        %broadcast_in_dim3A_652 = arith.constant 40 : i32
        %broadcast_in_dim3A_653 = vector.broadcast %broadcast_in_dim3A_652 : i32 to vector<16xi32>
        tpu.vector_store_idx %arg11[%add3A_243, %broadcast_in_dim3A_653], %exp3A_651 masked %lt3A_246 : memref<250x64xf32, #tpu.memory_space<vmem>>[vector<16xi32>, vector<16xi32>], vector<16xf32>, vector<16xi1>
        %sub3A_654 = arith.constant 13.015873 : f32
        %sub3A_655 = vector.broadcast %sub3A_654 : f32 to vector<16xf32>
        %sub3A_656 = arith.subf %get3A_239, %sub3A_655 : vector<16xf32>
        %mul3A_657 = arith.constant -4.961250e+00 : f32
        %mul3A_658 = vector.broadcast %mul3A_657 : f32 to vector<16xf32>
        %mul3A_659 = arith.mulf %mul3A_658, %sub3A_656 : vector<16xf32>
        %mul3A_660 = arith.mulf %mul3A_659, %sub3A_656 : vector<16xf32>
        %exp3A_661 = math.exp %mul3A_660 : vector<16xf32>
        %broadcast_in_dim3A_662 = arith.constant 41 : i32
        %broadcast_in_dim3A_663 = vector.broadcast %broadcast_in_dim3A_662 : i32 to vector<16xi32>
        tpu.vector_store_idx %arg11[%add3A_243, %broadcast_in_dim3A_663], %exp3A_661 masked %lt3A_246 : memref<250x64xf32, #tpu.memory_space<vmem>>[vector<16xi32>, vector<16xi32>], vector<16xf32>, vector<16xi1>
        %sub3A_664 = arith.constant 13.333333 : f32
        %sub3A_665 = vector.broadcast %sub3A_664 : f32 to vector<16xf32>
        %sub3A_666 = arith.subf %get3A_239, %sub3A_665 : vector<16xf32>
        %mul3A_667 = arith.constant -4.961250e+00 : f32
        %mul3A_668 = vector.broadcast %mul3A_667 : f32 to vector<16xf32>
        %mul3A_669 = arith.mulf %mul3A_668, %sub3A_666 : vector<16xf32>
        %mul3A_670 = arith.mulf %mul3A_669, %sub3A_666 : vector<16xf32>
        %exp3A_671 = math.exp %mul3A_670 : vector<16xf32>
        %broadcast_in_dim3A_672 = arith.constant 42 : i32
        %broadcast_in_dim3A_673 = vector.broadcast %broadcast_in_dim3A_672 : i32 to vector<16xi32>
        tpu.vector_store_idx %arg11[%add3A_243, %broadcast_in_dim3A_673], %exp3A_671 masked %lt3A_246 : memref<250x64xf32, #tpu.memory_space<vmem>>[vector<16xi32>, vector<16xi32>], vector<16xf32>, vector<16xi1>
        %sub3A_674 = arith.constant 13.650794 : f32
        %sub3A_675 = vector.broadcast %sub3A_674 : f32 to vector<16xf32>
        %sub3A_676 = arith.subf %get3A_239, %sub3A_675 : vector<16xf32>
        %mul3A_677 = arith.constant -4.961250e+00 : f32
        %mul3A_678 = vector.broadcast %mul3A_677 : f32 to vector<16xf32>
        %mul3A_679 = arith.mulf %mul3A_678, %sub3A_676 : vector<16xf32>
        %mul3A_680 = arith.mulf %mul3A_679, %sub3A_676 : vector<16xf32>
        %exp3A_681 = math.exp %mul3A_680 : vector<16xf32>
        %broadcast_in_dim3A_682 = arith.constant 43 : i32
        %broadcast_in_dim3A_683 = vector.broadcast %broadcast_in_dim3A_682 : i32 to vector<16xi32>
        tpu.vector_store_idx %arg11[%add3A_243, %broadcast_in_dim3A_683], %exp3A_681 masked %lt3A_246 : memref<250x64xf32, #tpu.memory_space<vmem>>[vector<16xi32>, vector<16xi32>], vector<16xf32>, vector<16xi1>
        %sub3A_684 = arith.constant 13.9682541 : f32
        %sub3A_685 = vector.broadcast %sub3A_684 : f32 to vector<16xf32>
        %sub3A_686 = arith.subf %get3A_239, %sub3A_685 : vector<16xf32>
        %mul3A_687 = arith.constant -4.961250e+00 : f32
        %mul3A_688 = vector.broadcast %mul3A_687 : f32 to vector<16xf32>
        %mul3A_689 = arith.mulf %mul3A_688, %sub3A_686 : vector<16xf32>
        %mul3A_690 = arith.mulf %mul3A_689, %sub3A_686 : vector<16xf32>
        %exp3A_691 = math.exp %mul3A_690 : vector<16xf32>
        %broadcast_in_dim3A_692 = arith.constant 44 : i32
        %broadcast_in_dim3A_693 = vector.broadcast %broadcast_in_dim3A_692 : i32 to vector<16xi32>
        tpu.vector_store_idx %arg11[%add3A_243, %broadcast_in_dim3A_693], %exp3A_691 masked %lt3A_246 : memref<250x64xf32, #tpu.memory_space<vmem>>[vector<16xi32>, vector<16xi32>], vector<16xf32>, vector<16xi1>
        %sub3A_694 = arith.constant 14.2857141 : f32
        %sub3A_695 = vector.broadcast %sub3A_694 : f32 to vector<16xf32>
        %sub3A_696 = arith.subf %get3A_239, %sub3A_695 : vector<16xf32>
        %mul3A_697 = arith.constant -4.961250e+00 : f32
        %mul3A_698 = vector.broadcast %mul3A_697 : f32 to vector<16xf32>
        %mul3A_699 = arith.mulf %mul3A_698, %sub3A_696 : vector<16xf32>
        %mul3A_700 = arith.mulf %mul3A_699, %sub3A_696 : vector<16xf32>
        %exp3A_701 = math.exp %mul3A_700 : vector<16xf32>
        %broadcast_in_dim3A_702 = arith.constant 45 : i32
        %broadcast_in_dim3A_703 = vector.broadcast %broadcast_in_dim3A_702 : i32 to vector<16xi32>
        tpu.vector_store_idx %arg11[%add3A_243, %broadcast_in_dim3A_703], %exp3A_701 masked %lt3A_246 : memref<250x64xf32, #tpu.memory_space<vmem>>[vector<16xi32>, vector<16xi32>], vector<16xf32>, vector<16xi1>
        %sub3A_704 = arith.constant 14.6031742 : f32
        %sub3A_705 = vector.broadcast %sub3A_704 : f32 to vector<16xf32>
        %sub3A_706 = arith.subf %get3A_239, %sub3A_705 : vector<16xf32>
        %mul3A_707 = arith.constant -4.961250e+00 : f32
        %mul3A_708 = vector.broadcast %mul3A_707 : f32 to vector<16xf32>
        %mul3A_709 = arith.mulf %mul3A_708, %sub3A_706 : vector<16xf32>
        %mul3A_710 = arith.mulf %mul3A_709, %sub3A_706 : vector<16xf32>
        %exp3A_711 = math.exp %mul3A_710 : vector<16xf32>
        %broadcast_in_dim3A_712 = arith.constant 46 : i32
        %broadcast_in_dim3A_713 = vector.broadcast %broadcast_in_dim3A_712 : i32 to vector<16xi32>
        tpu.vector_store_idx %arg11[%add3A_243, %broadcast_in_dim3A_713], %exp3A_711 masked %lt3A_246 : memref<250x64xf32, #tpu.memory_space<vmem>>[vector<16xi32>, vector<16xi32>], vector<16xf32>, vector<16xi1>
        %sub3A_714 = arith.constant 14.9206352 : f32
        %sub3A_715 = vector.broadcast %sub3A_714 : f32 to vector<16xf32>
        %sub3A_716 = arith.subf %get3A_239, %sub3A_715 : vector<16xf32>
        %mul3A_717 = arith.constant -4.961250e+00 : f32
        %mul3A_718 = vector.broadcast %mul3A_717 : f32 to vector<16xf32>
        %mul3A_719 = arith.mulf %mul3A_718, %sub3A_716 : vector<16xf32>
        %mul3A_720 = arith.mulf %mul3A_719, %sub3A_716 : vector<16xf32>
        %exp3A_721 = math.exp %mul3A_720 : vector<16xf32>
        %broadcast_in_dim3A_722 = arith.constant 47 : i32
        %broadcast_in_dim3A_723 = vector.broadcast %broadcast_in_dim3A_722 : i32 to vector<16xi32>
        tpu.vector_store_idx %arg11[%add3A_243, %broadcast_in_dim3A_723], %exp3A_721 masked %lt3A_246 : memref<250x64xf32, #tpu.memory_space<vmem>>[vector<16xi32>, vector<16xi32>], vector<16xf32>, vector<16xi1>
        %sub3A_724 = arith.constant 15.2380953 : f32
        %sub3A_725 = vector.broadcast %sub3A_724 : f32 to vector<16xf32>
        %sub3A_726 = arith.subf %get3A_239, %sub3A_725 : vector<16xf32>
        %mul3A_727 = arith.constant -4.961250e+00 : f32
        %mul3A_728 = vector.broadcast %mul3A_727 : f32 to vector<16xf32>
        %mul3A_729 = arith.mulf %mul3A_728, %sub3A_726 : vector<16xf32>
        %mul3A_730 = arith.mulf %mul3A_729, %sub3A_726 : vector<16xf32>
        %exp3A_731 = math.exp %mul3A_730 : vector<16xf32>
        %broadcast_in_dim3A_732 = arith.constant 48 : i32
        %broadcast_in_dim3A_733 = vector.broadcast %broadcast_in_dim3A_732 : i32 to vector<16xi32>
        tpu.vector_store_idx %arg11[%add3A_243, %broadcast_in_dim3A_733], %exp3A_731 masked %lt3A_246 : memref<250x64xf32, #tpu.memory_space<vmem>>[vector<16xi32>, vector<16xi32>], vector<16xf32>, vector<16xi1>
        %sub3A_734 = arith.constant 15.5555553 : f32
        %sub3A_735 = vector.broadcast %sub3A_734 : f32 to vector<16xf32>
        %sub3A_736 = arith.subf %get3A_239, %sub3A_735 : vector<16xf32>
        %mul3A_737 = arith.constant -4.961250e+00 : f32
        %mul3A_738 = vector.broadcast %mul3A_737 : f32 to vector<16xf32>
        %mul3A_739 = arith.mulf %mul3A_738, %sub3A_736 : vector<16xf32>
        %mul3A_740 = arith.mulf %mul3A_739, %sub3A_736 : vector<16xf32>
        %exp3A_741 = math.exp %mul3A_740 : vector<16xf32>
        %broadcast_in_dim3A_742 = arith.constant 49 : i32
        %broadcast_in_dim3A_743 = vector.broadcast %broadcast_in_dim3A_742 : i32 to vector<16xi32>
        tpu.vector_store_idx %arg11[%add3A_243, %broadcast_in_dim3A_743], %exp3A_741 masked %lt3A_246 : memref<250x64xf32, #tpu.memory_space<vmem>>[vector<16xi32>, vector<16xi32>], vector<16xf32>, vector<16xi1>
        %sub3A_744 = arith.constant 15.8730154 : f32
        %sub3A_745 = vector.broadcast %sub3A_744 : f32 to vector<16xf32>
        %sub3A_746 = arith.subf %get3A_239, %sub3A_745 : vector<16xf32>
        %mul3A_747 = arith.constant -4.961250e+00 : f32
        %mul3A_748 = vector.broadcast %mul3A_747 : f32 to vector<16xf32>
        %mul3A_749 = arith.mulf %mul3A_748, %sub3A_746 : vector<16xf32>
        %mul3A_750 = arith.mulf %mul3A_749, %sub3A_746 : vector<16xf32>
        %exp3A_751 = math.exp %mul3A_750 : vector<16xf32>
        %broadcast_in_dim3A_752 = arith.constant 50 : i32
        %broadcast_in_dim3A_753 = vector.broadcast %broadcast_in_dim3A_752 : i32 to vector<16xi32>
        tpu.vector_store_idx %arg11[%add3A_243, %broadcast_in_dim3A_753], %exp3A_751 masked %lt3A_246 : memref<250x64xf32, #tpu.memory_space<vmem>>[vector<16xi32>, vector<16xi32>], vector<16xf32>, vector<16xi1>
        %sub3A_754 = arith.constant 16.1904755 : f32
        %sub3A_755 = vector.broadcast %sub3A_754 : f32 to vector<16xf32>
        %sub3A_756 = arith.subf %get3A_239, %sub3A_755 : vector<16xf32>
        %mul3A_757 = arith.constant -4.961250e+00 : f32
        %mul3A_758 = vector.broadcast %mul3A_757 : f32 to vector<16xf32>
        %mul3A_759 = arith.mulf %mul3A_758, %sub3A_756 : vector<16xf32>
        %mul3A_760 = arith.mulf %mul3A_759, %sub3A_756 : vector<16xf32>
        %exp3A_761 = math.exp %mul3A_760 : vector<16xf32>
        %broadcast_in_dim3A_762 = arith.constant 51 : i32
        %broadcast_in_dim3A_763 = vector.broadcast %broadcast_in_dim3A_762 : i32 to vector<16xi32>
        tpu.vector_store_idx %arg11[%add3A_243, %broadcast_in_dim3A_763], %exp3A_761 masked %lt3A_246 : memref<250x64xf32, #tpu.memory_space<vmem>>[vector<16xi32>, vector<16xi32>], vector<16xf32>, vector<16xi1>
        %sub3A_764 = arith.constant 16.5079365 : f32
        %sub3A_765 = vector.broadcast %sub3A_764 : f32 to vector<16xf32>
        %sub3A_766 = arith.subf %get3A_239, %sub3A_765 : vector<16xf32>
        %mul3A_767 = arith.constant -4.961250e+00 : f32
        %mul3A_768 = vector.broadcast %mul3A_767 : f32 to vector<16xf32>
        %mul3A_769 = arith.mulf %mul3A_768, %sub3A_766 : vector<16xf32>
        %mul3A_770 = arith.mulf %mul3A_769, %sub3A_766 : vector<16xf32>
        %exp3A_771 = math.exp %mul3A_770 : vector<16xf32>
        %broadcast_in_dim3A_772 = arith.constant 52 : i32
        %broadcast_in_dim3A_773 = vector.broadcast %broadcast_in_dim3A_772 : i32 to vector<16xi32>
        tpu.vector_store_idx %arg11[%add3A_243, %broadcast_in_dim3A_773], %exp3A_771 masked %lt3A_246 : memref<250x64xf32, #tpu.memory_space<vmem>>[vector<16xi32>, vector<16xi32>], vector<16xf32>, vector<16xi1>
        %sub3A_774 = arith.constant 16.8253975 : f32
        %sub3A_775 = vector.broadcast %sub3A_774 : f32 to vector<16xf32>
        %sub3A_776 = arith.subf %get3A_239, %sub3A_775 : vector<16xf32>
        %mul3A_777 = arith.constant -4.961250e+00 : f32
        %mul3A_778 = vector.broadcast %mul3A_777 : f32 to vector<16xf32>
        %mul3A_779 = arith.mulf %mul3A_778, %sub3A_776 : vector<16xf32>
        %mul3A_780 = arith.mulf %mul3A_779, %sub3A_776 : vector<16xf32>
        %exp3A_781 = math.exp %mul3A_780 : vector<16xf32>
        %broadcast_in_dim3A_782 = arith.constant 53 : i32
        %broadcast_in_dim3A_783 = vector.broadcast %broadcast_in_dim3A_782 : i32 to vector<16xi32>
        tpu.vector_store_idx %arg11[%add3A_243, %broadcast_in_dim3A_783], %exp3A_781 masked %lt3A_246 : memref<250x64xf32, #tpu.memory_space<vmem>>[vector<16xi32>, vector<16xi32>], vector<16xf32>, vector<16xi1>
        %sub3A_784 = arith.constant 17.1428566 : f32
        %sub3A_785 = vector.broadcast %sub3A_784 : f32 to vector<16xf32>
        %sub3A_786 = arith.subf %get3A_239, %sub3A_785 : vector<16xf32>
        %mul3A_787 = arith.constant -4.961250e+00 : f32
        %mul3A_788 = vector.broadcast %mul3A_787 : f32 to vector<16xf32>
        %mul3A_789 = arith.mulf %mul3A_788, %sub3A_786 : vector<16xf32>
        %mul3A_790 = arith.mulf %mul3A_789, %sub3A_786 : vector<16xf32>
        %exp3A_791 = math.exp %mul3A_790 : vector<16xf32>
        %broadcast_in_dim3A_792 = arith.constant 54 : i32
        %broadcast_in_dim3A_793 = vector.broadcast %broadcast_in_dim3A_792 : i32 to vector<16xi32>
        tpu.vector_store_idx %arg11[%add3A_243, %broadcast_in_dim3A_793], %exp3A_791 masked %lt3A_246 : memref<250x64xf32, #tpu.memory_space<vmem>>[vector<16xi32>, vector<16xi32>], vector<16xf32>, vector<16xi1>
        %sub3A_794 = arith.constant 17.4603176 : f32
        %sub3A_795 = vector.broadcast %sub3A_794 : f32 to vector<16xf32>
        %sub3A_796 = arith.subf %get3A_239, %sub3A_795 : vector<16xf32>
        %mul3A_797 = arith.constant -4.961250e+00 : f32
        %mul3A_798 = vector.broadcast %mul3A_797 : f32 to vector<16xf32>
        %mul3A_799 = arith.mulf %mul3A_798, %sub3A_796 : vector<16xf32>
        %mul3A_800 = arith.mulf %mul3A_799, %sub3A_796 : vector<16xf32>
        %exp3A_801 = math.exp %mul3A_800 : vector<16xf32>
        %broadcast_in_dim3A_802 = arith.constant 55 : i32
        %broadcast_in_dim3A_803 = vector.broadcast %broadcast_in_dim3A_802 : i32 to vector<16xi32>
        tpu.vector_store_idx %arg11[%add3A_243, %broadcast_in_dim3A_803], %exp3A_801 masked %lt3A_246 : memref<250x64xf32, #tpu.memory_space<vmem>>[vector<16xi32>, vector<16xi32>], vector<16xf32>, vector<16xi1>
        %sub3A_804 = arith.constant 17.7777786 : f32
        %sub3A_805 = vector.broadcast %sub3A_804 : f32 to vector<16xf32>
        %sub3A_806 = arith.subf %get3A_239, %sub3A_805 : vector<16xf32>
        %mul3A_807 = arith.constant -4.961250e+00 : f32
        %mul3A_808 = vector.broadcast %mul3A_807 : f32 to vector<16xf32>
        %mul3A_809 = arith.mulf %mul3A_808, %sub3A_806 : vector<16xf32>
        %mul3A_810 = arith.mulf %mul3A_809, %sub3A_806 : vector<16xf32>
        %exp3A_811 = math.exp %mul3A_810 : vector<16xf32>
        %broadcast_in_dim3A_812 = arith.constant 56 : i32
        %broadcast_in_dim3A_813 = vector.broadcast %broadcast_in_dim3A_812 : i32 to vector<16xi32>
        tpu.vector_store_idx %arg11[%add3A_243, %broadcast_in_dim3A_813], %exp3A_811 masked %lt3A_246 : memref<250x64xf32, #tpu.memory_space<vmem>>[vector<16xi32>, vector<16xi32>], vector<16xf32>, vector<16xi1>
        %sub3A_814 = arith.constant 18.0952377 : f32
        %sub3A_815 = vector.broadcast %sub3A_814 : f32 to vector<16xf32>
        %sub3A_816 = arith.subf %get3A_239, %sub3A_815 : vector<16xf32>
        %mul3A_817 = arith.constant -4.961250e+00 : f32
        %mul3A_818 = vector.broadcast %mul3A_817 : f32 to vector<16xf32>
        %mul3A_819 = arith.mulf %mul3A_818, %sub3A_816 : vector<16xf32>
        %mul3A_820 = arith.mulf %mul3A_819, %sub3A_816 : vector<16xf32>
        %exp3A_821 = math.exp %mul3A_820 : vector<16xf32>
        %broadcast_in_dim3A_822 = arith.constant 57 : i32
        %broadcast_in_dim3A_823 = vector.broadcast %broadcast_in_dim3A_822 : i32 to vector<16xi32>
        tpu.vector_store_idx %arg11[%add3A_243, %broadcast_in_dim3A_823], %exp3A_821 masked %lt3A_246 : memref<250x64xf32, #tpu.memory_space<vmem>>[vector<16xi32>, vector<16xi32>], vector<16xf32>, vector<16xi1>
        %sub3A_824 = arith.constant 18.4126987 : f32
        %sub3A_825 = vector.broadcast %sub3A_824 : f32 to vector<16xf32>
        %sub3A_826 = arith.subf %get3A_239, %sub3A_825 : vector<16xf32>
        %mul3A_827 = arith.constant -4.961250e+00 : f32
        %mul3A_828 = vector.broadcast %mul3A_827 : f32 to vector<16xf32>
        %mul3A_829 = arith.mulf %mul3A_828, %sub3A_826 : vector<16xf32>
        %mul3A_830 = arith.mulf %mul3A_829, %sub3A_826 : vector<16xf32>
        %exp3A_831 = math.exp %mul3A_830 : vector<16xf32>
        %broadcast_in_dim3A_832 = arith.constant 58 : i32
        %broadcast_in_dim3A_833 = vector.broadcast %broadcast_in_dim3A_832 : i32 to vector<16xi32>
        tpu.vector_store_idx %arg11[%add3A_243, %broadcast_in_dim3A_833], %exp3A_831 masked %lt3A_246 : memref<250x64xf32, #tpu.memory_space<vmem>>[vector<16xi32>, vector<16xi32>], vector<16xf32>, vector<16xi1>
        %sub3A_834 = arith.constant 18.7301579 : f32
        %sub3A_835 = vector.broadcast %sub3A_834 : f32 to vector<16xf32>
        %sub3A_836 = arith.subf %get3A_239, %sub3A_835 : vector<16xf32>
        %mul3A_837 = arith.constant -4.961250e+00 : f32
        %mul3A_838 = vector.broadcast %mul3A_837 : f32 to vector<16xf32>
        %mul3A_839 = arith.mulf %mul3A_838, %sub3A_836 : vector<16xf32>
        %mul3A_840 = arith.mulf %mul3A_839, %sub3A_836 : vector<16xf32>
        %exp3A_841 = math.exp %mul3A_840 : vector<16xf32>
        %broadcast_in_dim3A_842 = arith.constant 59 : i32
        %broadcast_in_dim3A_843 = vector.broadcast %broadcast_in_dim3A_842 : i32 to vector<16xi32>
        tpu.vector_store_idx %arg11[%add3A_243, %broadcast_in_dim3A_843], %exp3A_841 masked %lt3A_246 : memref<250x64xf32, #tpu.memory_space<vmem>>[vector<16xi32>, vector<16xi32>], vector<16xf32>, vector<16xi1>
        %sub3A_844 = arith.constant 19.0476189 : f32
        %sub3A_845 = vector.broadcast %sub3A_844 : f32 to vector<16xf32>
        %sub3A_846 = arith.subf %get3A_239, %sub3A_845 : vector<16xf32>
        %mul3A_847 = arith.constant -4.961250e+00 : f32
        %mul3A_848 = vector.broadcast %mul3A_847 : f32 to vector<16xf32>
        %mul3A_849 = arith.mulf %mul3A_848, %sub3A_846 : vector<16xf32>
        %mul3A_850 = arith.mulf %mul3A_849, %sub3A_846 : vector<16xf32>
        %exp3A_851 = math.exp %mul3A_850 : vector<16xf32>
        %broadcast_in_dim3A_852 = arith.constant 60 : i32
        %broadcast_in_dim3A_853 = vector.broadcast %broadcast_in_dim3A_852 : i32 to vector<16xi32>
        tpu.vector_store_idx %arg11[%add3A_243, %broadcast_in_dim3A_853], %exp3A_851 masked %lt3A_246 : memref<250x64xf32, #tpu.memory_space<vmem>>[vector<16xi32>, vector<16xi32>], vector<16xf32>, vector<16xi1>
        %sub3A_854 = arith.constant 19.3650799 : f32
        %sub3A_855 = vector.broadcast %sub3A_854 : f32 to vector<16xf32>
        %sub3A_856 = arith.subf %get3A_239, %sub3A_855 : vector<16xf32>
        %mul3A_857 = arith.constant -4.961250e+00 : f32
        %mul3A_858 = vector.broadcast %mul3A_857 : f32 to vector<16xf32>
        %mul3A_859 = arith.mulf %mul3A_858, %sub3A_856 : vector<16xf32>
        %mul3A_860 = arith.mulf %mul3A_859, %sub3A_856 : vector<16xf32>
        %exp3A_861 = math.exp %mul3A_860 : vector<16xf32>
        %broadcast_in_dim3A_862 = arith.constant 61 : i32
        %broadcast_in_dim3A_863 = vector.broadcast %broadcast_in_dim3A_862 : i32 to vector<16xi32>
        tpu.vector_store_idx %arg11[%add3A_243, %broadcast_in_dim3A_863], %exp3A_861 masked %lt3A_246 : memref<250x64xf32, #tpu.memory_space<vmem>>[vector<16xi32>, vector<16xi32>], vector<16xf32>, vector<16xi1>
        %sub3A_864 = arith.constant 19.682539 : f32
        %sub3A_865 = vector.broadcast %sub3A_864 : f32 to vector<16xf32>
        %sub3A_866 = arith.subf %get3A_239, %sub3A_865 : vector<16xf32>
        %mul3A_867 = arith.constant -4.961250e+00 : f32
        %mul3A_868 = vector.broadcast %mul3A_867 : f32 to vector<16xf32>
        %mul3A_869 = arith.mulf %mul3A_868, %sub3A_866 : vector<16xf32>
        %mul3A_870 = arith.mulf %mul3A_869, %sub3A_866 : vector<16xf32>
        %exp3A_871 = math.exp %mul3A_870 : vector<16xf32>
        %broadcast_in_dim3A_872 = arith.constant 62 : i32
        %broadcast_in_dim3A_873 = vector.broadcast %broadcast_in_dim3A_872 : i32 to vector<16xi32>
        tpu.vector_store_idx %arg11[%add3A_243, %broadcast_in_dim3A_873], %exp3A_871 masked %lt3A_246 : memref<250x64xf32, #tpu.memory_space<vmem>>[vector<16xi32>, vector<16xi32>], vector<16xf32>, vector<16xi1>
        %sub3A_874 = arith.constant 2.000000e+01 : f32
        %sub3A_875 = vector.broadcast %sub3A_874 : f32 to vector<16xf32>
        %sub3A_876 = arith.subf %get3A_239, %sub3A_875 : vector<16xf32>
        %mul3A_877 = arith.constant -4.961250e+00 : f32
        %mul3A_878 = vector.broadcast %mul3A_877 : f32 to vector<16xf32>
        %mul3A_879 = arith.mulf %mul3A_878, %sub3A_876 : vector<16xf32>
        %mul3A_880 = arith.mulf %mul3A_879, %sub3A_876 : vector<16xf32>
        %exp3A_881 = math.exp %mul3A_880 : vector<16xf32>
        %broadcast_in_dim3A_882 = arith.constant 63 : i32
        %broadcast_in_dim3A_883 = vector.broadcast %broadcast_in_dim3A_882 : i32 to vector<16xi32>
        tpu.vector_store_idx %arg11[%add3A_243, %broadcast_in_dim3A_883], %exp3A_881 masked %lt3A_246 : memref<250x64xf32, #tpu.memory_space<vmem>>[vector<16xi32>, vector<16xi32>], vector<16xf32>, vector<16xi1>
        %scan3A_884 = arith.constant 0 : i32
        scf.yield %scan3A_884 : i32
      }
      %scan3A_206 = arith.constant 16 : i32
      %dma_wait3A_207 = arith.constant 0 : i32
      %dma_wait3A_208 = arith.constant 0 : i32
      %dma_wait3A_209 = arith.constant 0 : i32
      %dma_wait3A_210 = tpu.memref_slice %arg13[%dma_wait3A_208, %dma_wait3A_209] : memref<250x64xf32, #tpu.memory_space<vmem>> -> memref<125x64xf32, #tpu.memory_space<vmem>>
      %dma_wait3A_211 = arith.constant 0 : i32
      %dma_wait3A_212 = tpu.memref_slice %arg9[%dma_wait3A_207, %dma_wait3A_211] : memref<2x125xi32, #tpu.memory_space<vmem>> -> memref<1x125xi32, #tpu.memory_space<vmem>>
      %dma_wait3A_213 = tpu.memref_squeeze %dma_wait3A_212 : memref<1x125xi32, #tpu.memory_space<vmem>> -> memref<125xi32, #tpu.memory_space<vmem>>
      %dma_wait3A_214 = arith.constant 0 : i32
      %dma_wait3A_215 = arith.constant 0 : i32
      %dma_wait3A_216 = tpu.memref_slice %arg4[%dma_wait3A_214, %dma_wait3A_215] : memref<100x64xf32, #tpu.memory_space<hbm>> -> memref<100x64xf32, #tpu.memory_space<hbm>>
      tpu.wait_indirect_dma semaphore(%arg18 : memref<!tpu.dma_semaphore, #tpu.memory_space<semaphore_mem>>) src(%dma_wait3A_216 : memref<100x64xf32, #tpu.memory_space<hbm>>) dst(%dma_wait3A_210 : memref<125x64xf32, #tpu.memory_space<vmem>>)
      %dma_wait3A_217 = arith.constant 1 : i32
      %dma_wait3A_218 = arith.constant 125 : i32
      %dma_wait3A_219 = arith.constant 0 : i32
      %dma_wait3A_220 = tpu.memref_slice %arg13[%dma_wait3A_218, %dma_wait3A_219] : memref<250x64xf32, #tpu.memory_space<vmem>> -> memref<125x64xf32, #tpu.memory_space<vmem>>
      %dma_wait3A_221 = arith.constant 0 : i32
      %dma_wait3A_222 = tpu.memref_slice %arg9[%dma_wait3A_217, %dma_wait3A_221] : memref<2x125xi32, #tpu.memory_space<vmem>> -> memref<1x125xi32, #tpu.memory_space<vmem>>
      %dma_wait3A_223 = tpu.memref_squeeze %dma_wait3A_222 : memref<1x125xi32, #tpu.memory_space<vmem>> -> memref<125xi32, #tpu.memory_space<vmem>>
      %dma_wait3A_224 = arith.constant 0 : i32
      %dma_wait3A_225 = arith.constant 0 : i32
      %dma_wait3A_226 = tpu.memref_slice %arg4[%dma_wait3A_224, %dma_wait3A_225] : memref<100x64xf32, #tpu.memory_space<hbm>> -> memref<100x64xf32, #tpu.memory_space<hbm>>
      tpu.wait_indirect_dma semaphore(%arg18 : memref<!tpu.dma_semaphore, #tpu.memory_space<semaphore_mem>>) src(%dma_wait3A_226 : memref<100x64xf32, #tpu.memory_space<hbm>>) dst(%dma_wait3A_220 : memref<125x64xf32, #tpu.memory_space<vmem>>)
      %dma_start3A_227 = arith.constant 0 : i32
      %dma_start3A_228 = tpu.memref_slice %arg5[%mul3A_147, %dma_start3A_227] : memref<800000x128xf32, #tpu.memory_space<hbm>> -> memref<250x64xf32, #tpu.memory_space<hbm>>
      %dma_start3A_229 = arith.constant 0 : i32
      %dma_start3A_230 = tpu.memref_slice %arg5[%mul3A_147, %dma_start3A_229] : memref<800000x128xf32, #tpu.memory_space<hbm>> -> memref<250x64xf32, #tpu.memory_space<hbm>>
      tpu.enqueue_dma source(%arg11 : memref<250x64xf32, #tpu.memory_space<vmem>>) target(%dma_start3A_230 : memref<250x64xf32, #tpu.memory_space<hbm>>) target_semaphore(%arg17 : memref<!tpu.dma_semaphore, #tpu.memory_space<semaphore_mem>>)
      %dma_start3A_231 = arith.constant 64 : i32
      %dma_start3A_232 = tpu.memref_slice %arg5[%mul3A_147, %dma_start3A_231] : memref<800000x128xf32, #tpu.memory_space<hbm>> -> memref<250x64xf32, #tpu.memory_space<hbm>>
      %dma_start3A_233 = arith.constant 64 : i32
      %dma_start3A_234 = tpu.memref_slice %arg5[%mul3A_147, %dma_start3A_233] : memref<800000x128xf32, #tpu.memory_space<hbm>> -> memref<250x64xf32, #tpu.memory_space<hbm>>
      tpu.enqueue_dma source(%arg13 : memref<250x64xf32, #tpu.memory_space<vmem>>) target(%dma_start3A_234 : memref<250x64xf32, #tpu.memory_space<hbm>>) target_semaphore(%arg17 : memref<!tpu.dma_semaphore, #tpu.memory_space<semaphore_mem>>)
    }
    %scan3A_28 = arith.constant 50 : i32
    %add3A_29 = arith.constant 98 : i32
    %add3A_30 = arith.addi %mul3A_2, %add3A_29 : i32
    %mul3A_31 = arith.constant 250 : i32
    %mul3A_32 = arith.muli %add3A_30, %mul3A_31 : i32
    %dma_wait3A = arith.constant 0 : i32
    %dma_wait3A_33 = tpu.memref_slice %arg5[%mul3A_32, %dma_wait3A] : memref<800000x128xf32, #tpu.memory_space<hbm>> -> memref<250x64xf32, #tpu.memory_space<hbm>>
    %dma_wait3A_34 = arith.constant 0 : i32
    %dma_wait3A_35 = tpu.memref_slice %arg5[%mul3A_32, %dma_wait3A_34] : memref<800000x128xf32, #tpu.memory_space<hbm>> -> memref<250x64xf32, #tpu.memory_space<hbm>>
    tpu.wait_dma2 semaphore(%arg16 : memref<!tpu.dma_semaphore, #tpu.memory_space<semaphore_mem>>) src(%arg10 : memref<250x64xf32, #tpu.memory_space<vmem>>) dst(%dma_wait3A_35 : memref<250x64xf32, #tpu.memory_space<hbm>>)
    %dma_wait3A_36 = arith.constant 64 : i32
    %dma_wait3A_37 = tpu.memref_slice %arg5[%mul3A_32, %dma_wait3A_36] : memref<800000x128xf32, #tpu.memory_space<hbm>> -> memref<250x64xf32, #tpu.memory_space<hbm>>
    %dma_wait3A_38 = arith.constant 64 : i32
    %dma_wait3A_39 = tpu.memref_slice %arg5[%mul3A_32, %dma_wait3A_38] : memref<800000x128xf32, #tpu.memory_space<hbm>> -> memref<250x64xf32, #tpu.memory_space<hbm>>
    tpu.wait_dma2 semaphore(%arg16 : memref<!tpu.dma_semaphore, #tpu.memory_space<semaphore_mem>>) src(%arg12 : memref<250x64xf32, #tpu.memory_space<vmem>>) dst(%dma_wait3A_39 : memref<250x64xf32, #tpu.memory_space<hbm>>)
    %add3A_40 = arith.constant 99 : i32
    %add3A_41 = arith.addi %mul3A_2, %add3A_40 : i32
    %mul3A_42 = arith.constant 250 : i32
    %mul3A_43 = arith.muli %add3A_41, %mul3A_42 : i32
    %dma_wait3A_44 = arith.constant 0 : i32
    %dma_wait3A_45 = tpu.memref_slice %arg5[%mul3A_43, %dma_wait3A_44] : memref<800000x128xf32, #tpu.memory_space<hbm>> -> memref<250x64xf32, #tpu.memory_space<hbm>>
    %dma_wait3A_46 = arith.constant 0 : i32
    %dma_wait3A_47 = tpu.memref_slice %arg5[%mul3A_43, %dma_wait3A_46] : memref<800000x128xf32, #tpu.memory_space<hbm>> -> memref<250x64xf32, #tpu.memory_space<hbm>>
    tpu.wait_dma2 semaphore(%arg17 : memref<!tpu.dma_semaphore, #tpu.memory_space<semaphore_mem>>) src(%arg11 : memref<250x64xf32, #tpu.memory_space<vmem>>) dst(%dma_wait3A_47 : memref<250x64xf32, #tpu.memory_space<hbm>>)
    %dma_wait3A_48 = arith.constant 64 : i32
    %dma_wait3A_49 = tpu.memref_slice %arg5[%mul3A_43, %dma_wait3A_48] : memref<800000x128xf32, #tpu.memory_space<hbm>> -> memref<250x64xf32, #tpu.memory_space<hbm>>
    %dma_wait3A_50 = arith.constant 64 : i32
    %dma_wait3A_51 = tpu.memref_slice %arg5[%mul3A_43, %dma_wait3A_50] : memref<800000x128xf32, #tpu.memory_space<hbm>> -> memref<250x64xf32, #tpu.memory_space<hbm>>
    tpu.wait_dma2 semaphore(%arg17 : memref<!tpu.dma_semaphore, #tpu.memory_space<semaphore_mem>>) src(%arg13 : memref<250x64xf32, #tpu.memory_space<vmem>>) dst(%dma_wait3A_51 : memref<250x64xf32, #tpu.memory_space<hbm>>)
    return
  }
}

</mosaic_0001>

<sc_bundles>
// kernel: kernel.3.cloned.1.call-start
scs
__scs_entry_jumppad:
0x0: {  	(pc) =	sbr.rel $0x88, $3  }
0x1: {  	(tag) =	ssettag $0x0;
	lr =	simm.s32 $0x1  }
0x2: {  	[smem:$0x3F9E] =	sst lr;
	_ =	strace $0xD0000000  }
0x3: {  	_ = 	snop  }
0x4: {  	_ = 	snop  }
0x5: {  	_ = 	snop  }
0x6: {  	_ = 	snop  }
0x7: {  	_ = 	snop  }
__scs_overlays_trampoline_lowered:
0x8: {  	[smem:$0x3FAD] =	sst s0  }
0x9: {  	[smem:$0x3FAE] =	sst s1  }
0xa: {  	[smem:$0x3FAF] =	sst s2  }
0xb: {  	[smem:$0x3FB0] =	sst s3  }
0xc: {  	[smem:$0x3FB1] =	sst s4  }
0xd: {  	[smem:$0x3FB2] =	sst s5  }
0xe: {  	[smem:$0x3FB3] =	sst s6  }
0xf: {  	[smem:$0x3FB4] =	sst s7  }
0x10: {  	[smem:$0x3FB5] =	sst s8  }
0x11: {  	[smem:$0x3FB6] =	sst s9;
	s0 =	simm.s32 @!p0 $0x0  }
0x12: {  	s1 =	sld [smem:$0x3F9C];
	s0 =	simm.s32 @p0 $0x1  }
0x13: {  	[smem:$0x3FB7] =	sst s0;
	s0 =	simm.s32 @!p1 $0x0  }
0x14: {  	s2 =	sld [smem:$0x3F9B];
	s0 =	simm.s32 @p1 $0x1  }
0x15: {  	[smem:$0x3FB8] =	sst s0;
	s0 =	simm.s32 @!p2 $0x0  }
0x16: {  	s3 =	sld [smem:$0x3FDB];
	s0 =	simm.s32 @p2 $0x1  }
0x17: {  	s4 =	simm.s32 $0x1BF5;
	[smem:$0x3FBA] =	sst s0  }
0x18: {  	s0 =	sld [smem:$0x3F9D];
	_ =	swait.ge [sflag:s4], $0x0  }
0x19: {  	s7 =	sld [smem:$0x3F9E]  }
0x1a: {  	s8 =	sadd.s32 $0xFFFFE003, lr  }
0x1b: {  	s9 =	sadd.s32 $0xFFFFFEF7, lr;
	s5 =	simm.s32 $0xFFFFFFFF;
	p2 =	slt.u32 s8, $0xFFFFF086  }
0x1c: {  	p1 =	slt.u32 s9, $0xF7A;
	s5 =	simm.s32 @!p2 $0x0  }
0x1d: {  	s5 =	simm.s32 @p1 $0x1;
	p0 =	seq.s32 s7, s2  }
0x1e: {  	s7 =	smul.u32 @!p0 $0xF7A, s2;
	p2 =	seq.s32 @!p0 s5, $0x0  }
0x1f: {  	s9 =	smul.u32 $0xF7A, s1;
	s8 =	simm.s32 @!p0 $0x1BF5;
	p2 =	por !p2, p0  }
0x20: {  	[sflag:s8] =	ssyncset.s32 @!p0 $0xFFFFF086;
	s6 =	sadd.s32 @!p0 s3, s7;
	s7 =	simm.s32 @!p0 $0x108  }
0x21: {  	s3 =	sadd.s32 s3, s9;
	s6 =	sadd.s32 @!p0 $0x88, s6;
	s7 =	simm.s32 @p2 $0x1082  }
0x22: {  	[simem:s7], [sflag:s8] =	dma.local @!p0 [hbm:s6], $0xF7A  }
0x23: {  	s9 =	sor.u32 $0xD0000000, s2;
	s6 =	simm.s32 $0x108;
	_ =	swait.ge @!p0 [sflag:s8], $0x0  }
0x24: {  	s3 =	sadd.s32 $0x88, s3;
	s6 =	simm.s32 @!p1 $0x1082;
	[sflag:s4] =	ssyncset.s32 $0xFFFFF086  }
0x25: {  	[simem:s6], [sflag:s4] =	dma.local [hbm:s3], $0xF7A  }
0x26: {  	[smem:$0x3F9E] =	sst s1;
	(tag) =	ssettag s2;
	_ =	strace s9  }
0x27: {  	s1 =	sld [smem:$0x3FAE]  }
0x28: {  	s2 =	sld [smem:$0x3FAF]  }
0x29: {  	s4 =	sld [smem:$0x3FB1]  }
0x2a: {  	p0 =	seq.s32 s5, $0x0;
	s5 =	sld [smem:$0x3FB2]  }
0x2b: {  	s6 =	sld [smem:$0x3FB3]  }
0x2c: {  	s7 =	sld [smem:$0x3FB4]  }
0x2d: {  	s3 =	simm.s32 $0x108;
	s8 =	sld [smem:$0x3FB5]  }
0x2e: {  	s3 =	simm.s32 @!p0 $0x1082;
	s9 =	sld [smem:$0x3FB6]  }
0x2f: {  	lr =	sadd.s32 s0, s3;
	s0 =	sld [smem:$0x3FAD]  }
0x30: {  	s3 =	sld [smem:$0x3FB0]  }
0x31: {  	[smem:$0x3FB9] =	sst s10  }
0x32: {  	s10 =	sld [smem:$0x3FB7];
	_ =	sdelay $0x3  }
0x33: {  	p0 =	seq.s32 s10, $0x1;
	s10 =	sld [smem:$0x3FB9];
	_ =	sdelay $0x3  }
0x34: {  	[smem:$0x3FB9] =	sst s10  }
0x35: {  	s10 =	sld [smem:$0x3FB8];
	_ =	sdelay $0x3  }
0x36: {  	p1 =	seq.s32 s10, $0x1;
	s10 =	sld [smem:$0x3FB9];
	_ =	sdelay $0x3  }
0x37: {  	[smem:$0x3FB9] =	sst s10  }
0x38: {  	s10 =	sld [smem:$0x3FBA]  }
0x39: {  	_ = 	snop;
	(pc) =	sbr.ind lr, $3  }
0x3a: {  	_ = 	snop  }
0x3b: {  	_ = 	snop  }
0x3c: {  	p2 =	seq.s32 s10, $0x1;
	s10 =	sld [smem:$0x3FB9]  }
0x3d: {  	_ =	shalt  }
0x3e: {  	_ =	shalt  }
0x3f: {  	_ =	shalt  }
0x40: {  	_ =	shalt  }
0x41: {  	_ =	shalt  }
0x42: {  	_ =	shalt  }
0x43: {  	_ =	shalt  }
0x44: {  	_ =	shalt  }
0x45: {  	_ =	shalt  }
0x46: {  	_ =	shalt  }
0x47: {  	_ =	shalt  }
0x48: {  	_ =	shalt  }
0x49: {  	_ =	shalt  }
0x4a: {  	_ =	shalt  }
0x4b: {  	_ =	shalt  }
0x4c: {  	_ =	shalt  }
0x4d: {  	_ =	shalt  }
0x4e: {  	_ =	shalt  }
0x4f: {  	_ =	shalt  }
0x50: {  	_ =	shalt  }
0x51: {  	_ =	shalt  }
0x52: {  	_ =	shalt  }
0x53: {  	_ =	shalt  }
0x54: {  	_ =	shalt  }
0x55: {  	_ =	shalt  }
0x56: {  	_ =	shalt  }
0x57: {  	_ =	shalt  }
0x58: {  	_ =	shalt  }
0x59: {  	_ =	shalt  }
0x5a: {  	_ =	shalt  }
0x5b: {  	_ =	shalt  }
0x5c: {  	_ =	shalt  }
0x5d: {  	_ =	shalt  }
0x5e: {  	_ =	shalt  }
0x5f: {  	_ =	shalt  }
0x60: {  	_ =	shalt  }
0x61: {  	_ =	shalt  }
0x62: {  	_ =	shalt  }
0x63: {  	_ =	shalt  }
0x64: {  	_ =	shalt  }
0x65: {  	_ =	shalt  }
0x66: {  	_ =	shalt  }
0x67: {  	_ =	shalt  }
0x68: {  	_ =	shalt  }
0x69: {  	_ =	shalt  }
0x6a: {  	_ =	shalt  }
0x6b: {  	_ =	shalt  }
0x6c: {  	_ =	shalt  }
0x6d: {  	_ =	shalt  }
0x6e: {  	_ =	shalt  }
0x6f: {  	_ =	shalt  }
0x70: {  	_ =	shalt  }
0x71: {  	_ =	shalt  }
0x72: {  	_ =	shalt  }
0x73: {  	_ =	shalt  }
0x74: {  	_ =	shalt  }
0x75: {  	_ =	shalt  }
0x76: {  	_ =	shalt  }
0x77: {  	_ =	shalt  }
0x78: {  	_ =	shalt  }
0x79: {  	_ =	shalt  }
0x7a: {  	_ =	shalt  }
0x7b: {  	_ =	shalt  }
0x7c: {  	_ =	shalt  }
0x7d: {  	_ =	shalt  }
0x7e: {  	_ =	shalt  }
0x7f: {  	_ =	shalt  }
0x80: {  	_ =	shalt  }
0x81: {  	_ =	shalt  }
0x82: {  	_ =	shalt  }
0x83: {  	_ =	shalt  }
0x84: {  	_ =	shalt  }
0x85: {  	_ =	shalt  }
0x86: {  	_ =	shalt  }
0x87: {  	_ =	shalt  }
.Lfunc_end0:
.L_simem_size_0:
called_computation_lowered:
.L_overlay_start_0:
0x88: {  	s2 =	sld [smem:$0x3FD9]  }
0x89: {  	s3 =	sld [smem:$0x3FFE];
	_ =	sdelay $0x1  }
0x8a: {  	s1 =	srdreg.scid  }
0x8b: {  	s0 =	sand.u32 $0x1, s1  }
0x8c: {  	s17 =	sshll.u32 s0, $0xA;
	s2 =	sadd.s32 s3, s2  }
0x8d: {  	s2 =	sadd.s32 s2, s17  }
0x8e: {  	[smem:$0x3FC5] =	sst s2  }
0x8f: {  	_ = 	snop  }
0x90: {  	s2 =	sld [smem:$0x3FD0];
	(tm) =	ssettm $0x1  }
0x91: {  	s18 =	sld [smem:$0x3FFB];
	_ =	sdelay $0x3  }
0x92: {  	_ =	strace s18  }
0x93: {  	s3 =	sld [smem:$0x3FFC];
	_ =	sdelay $0x3  }
0x94: {  	_ =	strace s3  }
0x95: {  	s3 =	sld [smem:$0x3FFD];
	_ =	sdelay $0x3  }
0x96: {  	_ =	strace s3  }
0x97: {  	_ =	strace $0x8FFFFFFF  }
0x98: {  	s19 =	sld [smem:$0x3FDB];
	_ =	sdelay $0x1  }
0x99: {  	s4 =	simm.s32 $_scs_section_size  }
0x9a: {  	s5 =	simm.s32 $_size__tile_overlayer_lowered;
	s6 =	simm.s32 $_tile_overlayer_lowered  }
0x9b: {  	s22 =	simm.s32 $0x1BFF;
	s21 =	sshll.u32 s6, $0x1;
	s3 =	sadd.s32 s4, s19  }
0x9c: {  	s7 =	simm.s32 $0x0;
	s20 =	sshll.u32 s5, $0x1;
	s5 =	sadd.s32 s21, s3  }
0x9d: {  	[timem:s7], [sflag:s22] =	dma.local [hbm:s5], s20  }
0x9e: {  	_ =	swait.ge [sflag:s22], s20  }
0x9f: {  	s4 =	ssub.s32 $0x0, s20;
	[sflag:s22] =	ssyncset.done $0x0  }
0xa0: {  	[sflag:s22] =	ssyncadd.s32 s4;
	_ =	sdelay $0x1  }
0xa1: {  	s23 =	simm.s32 $0x1B8B  }
0xa2: {  	_ =	swait.ge [sflag:s23], $0x1  }
0xa3: {  	[sflag:s23] =	ssyncset.done $0x0  }
0xa4: {  	s25 =	simm.s32 $0x1B8E;
	s24 =	sld [smem:$0x3FFE];
	[sflag:s23] =	ssyncadd.s32 $0xFFFFFFFF  }
0xa5: {  	s26 =	simm.s32 $execute0_lowered;
	[smem:$0x3FD2] =	sst s25  }
0xa6: {  	s5 =	sshll.u32 s26, $0x1;
	_ =	strace $0x80000046;
	[dreg:$0x1] =	wrdreg $0xFFFFFFFF  }
0xa7: {  	s28 =	simm.s32 $_size_execute0_lowered;
	s3 =	sadd.s32 s3, s5;
	[dreg:$0x0] =	wrdreg $0x0  }
0xa8: {  	s5 =	sshll.u32 s28, $0x1;
	[dreg:$0x2] =	wrdreg s3  }
0xa9: {  	[dreg:$0x3] =	wrdreg s5  }
0xaa: {  	[dreg:$0x4] =	wrdreg $0xC0  }
0xab: {  	_ =	task [dreg:s7], $0x5FFFF  }
0xac: {  	[dreg:$0x1] =	wrdreg $0xFFFFFFFF  }
0xad: {  	[dreg:$0x0] =	wrdreg $0x60  }
0xae: {  	[dreg:$0x2] =	wrdreg s24  }
0xaf: {  	[dreg:$0x3] =	wrdreg s2  }
0xb0: {  	[dreg:$0x4] =	wrdreg $0x9  }
0xb1: {  	_ =	task.clear_ibuf [dreg:s7], $0x5FFFF;
	_ =	strace $0x90000046  }
0xb2: {  	s29 =	simm.s32 $0x9;
	_ =	strace $0x80000048  }
0xb3: {  	_ =	swait.ge [sflag:s29], $0x1  }
0xb4: {  	[sflag:s29] =	ssyncadd.s32 $0xFFFFFFFF  }
0xb5: {  	_ =	strace $0x90000048  }
0xb6: {  	_ =	sfence  }
0xb7: {  	s30 =	sld [smem:$0x0];
	_ =	sdelay $0x2  }
0xb8: {  	s31 =	sshll.u32 s1, $0xD;
	s1 =	sshrl.u32 s1, $0x2  }
0xb9: {  	s3 =	sand.u32 $0x4000, s31;
	s1 =	sadd.s32 s1, s30  }
0xba: {  	s0 =	sor.u32 s3, s0;
	s1 =	sshll.u32 s1, $0x11  }
0xbb: {  	s0 =	sor.u32 s1, s0  }
0xbc: {  	s0 =	sadd.s32 $0x8F2B, s0  }
0xbd: {  	[sflag:s0] =	ssyncadd.remote.s32 $0x1  }
0xbe: {  	_ =	sfence.sel $0xFFFF  }
0xbf: {  	[dreg:$0x0] =	wrdreg $0xFFFFFFFF;
	(pc) =	sbr.abs _section_cstart, $3  }
0xc0: {  	[dreg:$0x1] =	wrdreg $0xFFFFFFFF  }
0xc1: {  	_ =	task.clear_ibuf [dreg:s7], $0x2FFFF;
	_ =	strace $0x9FFFFFFF  }
0xc2: {  	(tm) =	ssettm $0x7FFFFFFF  }
0xc3: {  	_ =	shalt  }
tec
execute0_lowered:
.L_overlay_start_1:
0x0: {  	(tag) =	ssettag $0x1  }
0x1: {  	s0 =	rddreg [dreg:$0x0]  }
0x2: {  	s2 =	rddreg [dreg:$0x1]  }
0x3: {  	s4 =	simm.s32 $0x0;
	s1 =	srdreg.scid;
	s3 =	stileid.u32  }
0x4: {  	s13 =	simm.s32 $0x200;
	s14 =	simm.s32 $0x1;
	s15 =	simm.s32 $0x7D  }
0x5: {  	s16 =	simm.s32 $0x8100;
	s17 =	simm.s32 $0x280;
	s18 =	simm.s32 $0xA040  }
0x6: {  	s19 =	simm.s32 $0x100;
	s20 =	simm.s32 $0x300;
	s21 =	simm.s32 $0x400  }
0x7: {  	s22 =	simm.s32 $0x5;
	s23 =	simm.s32 $0x40;
	s24 =	simm.s32 $0x80  }
0x8: {  	s28 =	simm.s32 $0x380;
	s29 =	simm.s32 $0xDEC0;
	s30 =	simm.s32 $0x4280  }
0x9: {  	[smem:$0x7FF] =	sst s4;
	s1 =	sand.u32 $0x1, s1;
	s3 =	sshll.u32 s3, $0x1  }
0xa: {  	s4 =	sadd.s32 $0x600, s0;
	s5 =	sadd.s32 $0x19600, s0;
	s3 =	sor.u32 s1, s3  }
0xb: {  	s7 =	sadd.s32 $0x200, s0;
	s1 =	ssub.s32 $0x2, s1;
	s8 =	smul.u32 $0xC80, s3  }
0xc: {  	s10 =	sadd.s32 $0x8, s2;
	_ =	strace $0x80000047;
	s9 =	sshrl.u32 s1, $0x1  }
0xd: {  	s6 =	smul.u32 $0x64, s3;
	s25 =	ssub.s32 s1, s9;
	s26 =	sadd.s32 s4, s8  }
0xe: {  	s1 =	simm.s32 $0x0;
	s31 =	sadd.s32 s5, s8;
	[dreg:$0x3] =	wrdreg s26  }
0xf: {  	s11 =	sor.u32 $0x2, s6;
	s0 =	smax.u32 s25, $0x1;
	[dreg:$0x4] =	wrdreg s31  }
0x10: {  	v0 =	vlaneseq.u32;
	s25 =	simm.s32 $0x2;
	[dreg:$0x5] =	wrdreg s0;
	s26 =	simm.s32 $0xBF80  }
.LBB2_1:
0x11: {  	s0 =	simm.s32 $0x0;
	s3 =	rddreg [dreg:$0x3]  }
0x12: {  	[tilespmem:s0], [sflag:$0x1] =	stream.linear.gather [hbm4b:s3+s0], $0xFA, $0x38;
	[tilespmem:$0xFE00] =	vst v63  }
0x13: {  	s31 =	rddreg [dreg:$0x4];
	s3 =	simm.s32 $0x0  }
0x14: {  	[tilespmem:s13], [sflag:$0x1] =	stream.linear.gather [hbm4b:s31+s0], $0x100, $0x38;
	[tilespmem:$0xFE00] =	vst v63  }
.LBB2_2:
0x15: {  	p0 =	seq.s32 s3, $0x0  }
0x16: {  	s0 =	simm.s32 @!p0 $0x3  }
0x17: {  	_ =	swait.ge @!p0 [sflag:s0], $0x3E80  }
0x18: {  	[sflag:s0] =	ssyncset.done @!p0 $0x0  }
0x19: {  	[sflag:s0] =	ssyncadd.s32 @!p0 $0xFFFFC180  }
0x1a: {  	_ =	swait.ge @!p0 [sflag:s0], $0x3E80  }
0x1b: {  	[sflag:s0] =	ssyncset.done @!p0 $0x0  }
0x1c: {  	[sflag:s0] =	ssyncadd.s32 @!p0 $0xFFFFC180  }
0x1d: {  	_ =	swait.ge [sflag:s14], $0xFA  }
0x1e: {  	[sflag:s14] =	ssyncset.done $0x0  }
0x1f: {  	s9 =	sshll.u32 s3, $0x1;
	[sflag:s14] =	ssyncadd.s32 $0xFFFFFF06  }
0x20: {  	s12 =	sadd.s32 s9, s6;
	_ =	swait.ge [sflag:s14], $0x100  }
0x21: {  	s8 =	sadd.s32 $0x1, s12;
	[sflag:s14] =	ssyncset.done $0x0  }
0x22: {  	s0 =	sshll.u32 s8, $0x5;
	[sflag:s14] =	ssyncadd.s32 $0xFFFFFF00  }
0x23: {  	[tilespmem:s16], [sflag:$0x5] =	stream.indirect.gather [hbm4b:s7+s15], $0x40, s13, s15, $0xb8;
	[tilespmem:$0xFE00] =	vst v63  }
0x24: {  	s0 =	sand.u32 $0x1FFFFFE0, s0  }
0x25: {  	[tilespmem:s18], [sflag:$0x5] =	stream.indirect.gather [hbm4b:s7+s15], $0x40, s17, s15, $0xb8;
	[tilespmem:$0xFE00] =	vst v63  }
0x26: {  	s31 =	simm.s32 $0x0;
	s12 =	sadd.s32 s4, s0  }
0x27: {  	[tilespmem:s19], [sflag:$0x2] =	stream.linear.gather [hbm4b:s12+s31], $0xFA, $0x38;
	[tilespmem:$0xFE00] =	vst v63  }
0x28: {  	s0 =	sadd.s32 s5, s0  }
0x29: {  	[tilespmem:s20], [sflag:$0x2] =	stream.linear.gather [hbm4b:s0+s31], $0x100, $0x38;
	[tilespmem:$0xFE00] =	vst v63  }
0x2a: {  	s12 =	sadd.s32 s6, s9;
	s0 =	simm.s32 $0x0  }
.LBB2_3:
0x2b: {  	v2 =	vld [tilespmem:s31+$0x0];
	_ =	sdelay $0x4  }
0x2c: {  	v1 =	vadd.f32 $-3.174603280e-01, v2;
	v4 =	vadd.f32 $-6.349206560e-01, v2  }
0x2d: {  	v6 =	vadd.f32 $-9.523809550e-01, v2;
	v12 =	vadd.f32 $-1.904761910e+00, v2  }
0x2e: {  	v13 =	vadd.f32 $-2.222222330e+00, v2;
	v18 =	vadd.f32 $-2.857142930e+00, v2  }
0x2f: {  	v3 =	vmul.f32 $-4.961249830e+00, v2;
	v22 =	vadd.f32 $-3.809523820e+00, v2;
	v24 =	vadd.f32 $-4.126984120e+00, v2  }
0x30: {  	v30 =	vadd.f32 $-5.079365250e+00, v2;
	v35 =	vadd.f32 $-6.349206450e+00, v2;
	v5 =	vmul.f32 $-4.961249830e+00, v1  }
0x31: {  	v37 =	vadd.f32 $-6.666666510e+00, v2;
	v3 =	vmul.f32 v3, v2;
	v7 =	vmul.f32 $-4.961249830e+00, v4  }
0x32: {  	v42 =	vadd.f32 $-7.619047640e+00, v2;
	v9 =	vmul.f32 $-4.961249830e+00, v6;
	v14 =	vmul.f32 $-4.961249830e+00, v12  }
0x33: {  	v44 =	vadd.f32 $-7.936507700e+00, v2;
	v15 =	vmul.f32 $-4.961249830e+00, v13;
	v8 =	vmul.f32 $-4.961249830e+00, v18  }
0x34: {  	v49 =	vadd.f32 $-8.888889310e+00, v2;
	v25 =	vmul.f32 $-4.961249830e+00, v22;
	v27 =	vmul.f32 $-4.961249830e+00, v24  }
0x35: {  	v51 =	vadd.f32 $-9.206349370e+00, v2;
	v32 =	vmul.f32 $-4.961249830e+00, v30;
	v38 =	vmul.f32 $-4.961249830e+00, v35  }
0x36: {  	v55 =	vadd.f32 $-1.015873050e+01, v2;
	v39 =	vmul.f32 $-4.961249830e+00, v37;
	v45 =	vmul.f32 $-4.961249830e+00, v42  }
0x37: {  	v57 =	vadd.f32 $-1.047619060e+01, v2;
	v46 =	vmul.f32 $-4.961249830e+00, v44;
	v52 =	vmul.f32 $-4.961249830e+00, v49  }
0x38: {  	v53 =	vmul.f32 $-4.961249830e+00, v51;
	v58 =	vmul.f32 $-4.961249830e+00, v55  }
0x39: {  	v59 =	vmul.f32 $-4.961249830e+00, v57;
	v1 =	vmul.f32 v5, v1  }
0x3a: {  	v3 =	vmul.f32 $1.442695020e+00, v3;
	v4 =	vmul.f32 v7, v4  }
0x3b: {  	v5 =	vmul.f32 v9, v6;
	v9 =	vadd.f32 $-3.492063520e+00, v2;
	v1 =	vmul.f32 $1.442695020e+00, v1  }
0x3c: {  	v26 =	vadd.f32 $-4.444444660e+00, v2;
	(erf) = vpow2.f32 v3;
	v3 =	vmul.f32 $1.442695020e+00, v4  }
0x3d: {  	v4 =	vmul.f32 v14, v12;
	v20 =	vmul.f32 $-4.961249830e+00, v9  }
0x3e: {  	v12 =	vmul.f32 $-4.961249830e+00, v26;
	(erf) = vpow2.f32 v1  }
0x3f: {  	v31 =	vadd.f32 $-5.396825310e+00, v2;
	v1 =	vmul.f32 $1.442695020e+00, v5;
	v5 =	vmul.f32 v15, v13  }
0x40: {  	v10 =	vadd.f32 $-1.269841310e+00, v2;
	v6 =	vmul.f32 v20, v9;
	v9 =	vmul.f32 v25, v22  }
0x41: {  	v11 =	vadd.f32 $-1.587301610e+00, v2;
	v13 =	vmul.f32 v27, v24;
	v15 =	vmul.f32 $-4.961249830e+00, v31  }
0x42: {  	(erf) = vpow2.f32 v3;
	v3 =	vmul.f32 $-4.961249830e+00, v10  }
0x43: {  	(erf) = vpow2.f32 v1;
	v1 =	vmul.f32 $-4.961249830e+00, v11  }
0x44: {  	v19 =	vadd.f32 $-3.174603220e+00, v2;
	v23 =	vmul.f32 $1.442695020e+00, v6;
	v9 =	vmul.f32 $1.442695020e+00, v9  }
0x45: {  	v28 =	vmul.f32 $1.442695020e+00, v13;
	v13 =	vmul.f32 v15, v31  }
0x46: {  	v31 =	vadd.f32 $-8.253968230e+00, v2;
	v3 =	vmul.f32 v3, v10;
	v10 =	vmul.f32 $-4.961249830e+00, v19  }
0x47: {  	v1 =	vmul.f32 v1, v11;
	v13 =	vmul.f32 $1.442695020e+00, v13  }
0x48: {  	v11 =	vadd.f32 $-4.761904720e+00, v2;
	v47 =	vmul.f32 $-4.961249830e+00, v31;
	v3 =	vmul.f32 $1.442695020e+00, v3  }
0x49: {  	v7 =	vmul.f32 v10, v19;
	v10 =	vmul.f32 v12, v26  }
0x4a: {  	v1 =	vmul.f32 $1.442695020e+00, v1;
	v14 =	vmul.f32 $-4.961249830e+00, v11  }
0x4b: {  	v17 =	vadd.f32 $-2.539682630e+00, v2;
	(erf) = vpow2.f32 v3;
	v3 =	vmul.f32 $1.442695020e+00, v4  }
0x4c: {  	v16 =	vor.u32 s0, v0;
	v7 =	vmul.f32 $1.442695020e+00, v7;
	(erf) = vpow2.f32 v1  }
0x4d: {  	vm0 =	vlt.u32 v16, $0xFA;
	(erf) = vpow2.f32 v3;
	v3 =	vmul.f32 $-4.961249830e+00, v17  }
0x4e: {  	v33 =	vadd.f32 $-5.714285850e+00, v2;
	v29 =	vmul.f32 $1.442695020e+00, v10;
	v1 =	vmul.f32 $1.442695020e+00, v5  }
0x4f: {  	v24 =	vadd.f32 $-7.301587100e+00, v2;
	v5 =	vmul.f32 v8, v18;
	v3 =	vmul.f32 v3, v17  }
0x50: {  	v11 =	vmul.f32 v14, v11;
	(erf) = vpow2.f32 v1;
	v1 =	vshll.u32 v16, $0x6  }
0x51: {  	v5 =	vmul.f32 $1.442695020e+00, v5;
	v16 =	vadd.f32 $-6.031745910e+00, v2;
	v21 =	vmul.f32 $1.442695020e+00, v3  }
0x52: {  	v11 =	vmul.f32 $1.442695020e+00, v11;
	v4 =	vor.u32 $0x1, v1;
	v8 =	vor.u32 $0x3, v1  }
0x53: {  	v6 =	vor.u32 $0x6, v1;
	v34 =	vmul.f32 $-4.961249830e+00, v16;
	(erf) = vpow2.f32 v21  }
0x54: {  	v12 =	vor.u32 $0x7, v1;
	v21 =	vmul.f32 $-4.961249830e+00, v33;
	(erf) = vpow2.f32 v5  }
0x55: {  	v10 =	vor.u32 $0x9, v1;
	v15 =	vmul.f32 v34, v16;
	(erf) = vpow2.f32 v7  }
0x56: {  	v19 =	vpop (erf);
	v3 =	vor.u32 $0x2, v1;
	v14 =	vmul.f32 v21, v33;
	(erf) = vpow2.f32 v23  }
0x57: {  	v20 =	vpop (erf);
	v36 =	vmul.f32 $1.442695020e+00, v15;
	v23 =	vadd.f32 $-6.984127040e+00, v2;
	(erf) = vpow2.f32 v9  }
0x58: {  	v16 =	vor.u32 $0xB, v1;
	v9 =	vmul.f32 v32, v30;
	v14 =	vmul.f32 $1.442695020e+00, v14  }
0x59: {  	v18 =	vpop (erf);
	[tilespmem:v1+s21+$0x0] =	vst.idx.msk vm0, v19;
	v19 =	vor.u32 $0x1D, v1;
	(erf) = vpow2.f32 v28;
	v40 =	vmul.f32 $-4.961249830e+00, v23  }
0x5a: {  	v17 =	vpop (erf);
	v5 =	vor.u32 $0x5, v1;
	(erf) = vpow2.f32 v29;
	v22 =	vmul.f32 $1.442695020e+00, v9  }
0x5b: {  	v7 =	vor.u32 $0x4, v1;
	v28 =	vpop (erf);
	v29 =	vmul.f32 $-4.961249830e+00, v24;
	(erf) = vpow2.f32 v11  }
0x5c: {  	v32 =	vadd.f32 $-8.571428290e+00, v2;
	v25 =	vpop (erf);
	v21 =	vmul.f32 v40, v23;
	(erf) = vpow2.f32 v22  }
0x5d: {  	v15 =	vor.u32 $0xC, v1;
	v22 =	vmul.f32 v39, v37;
	v41 =	vmul.f32 v29, v24  }
0x5e: {  	[tilespmem:v4+s21+$0x0] =	vst.idx.msk vm0, v20;
	v4 =	vor.u32 $0x1E, v1;
	v37 =	vmul.f32 $-4.961249830e+00, v32;
	v29 =	vmul.f32 v47, v31  }
0x5f: {  	[tilespmem:v3+s21+$0x0] =	vst.idx.msk vm0, v18;
	v9 =	vor.u32 $0xA, v1;
	v26 =	vpop (erf);
	(erf) = vpow2.f32 v13;
	v21 =	vmul.f32 $1.442695020e+00, v21  }
0x60: {  	[tilespmem:v8+s21+$0x0] =	vst.idx.msk vm0, v17;
	v11 =	vor.u32 $0x8, v1;
	(erf) = vpow2.f32 v14;
	v14 =	vmul.f32 v38, v35  }
0x61: {  	v23 =	vor.u32 $0x10, v1;
	[tilespmem:v7+s21+$0x0] =	vst.idx.msk vm0, v28;
	v22 =	vmul.f32 $1.442695020e+00, v22;
	v43 =	vmul.f32 $1.442695020e+00, v41  }
0x62: {  	v40 =	vadd.f32 $-9.841269490e+00, v2;
	[tilespmem:v5+s21+$0x0] =	vst.idx.msk vm0, v25;
	v48 =	vmul.f32 v37, v32;
	v29 =	vmul.f32 $1.442695020e+00, v29  }
0x63: {  	v27 =	vpop (erf);
	v24 =	vor.u32 $0xF, v1;
	[tilespmem:v6+s21+$0x0] =	vst.idx.msk vm0, v26;
	v37 =	vmul.f32 v52, v49;
	v30 =	vmul.f32 $1.442695020e+00, v14  }
0x64: {  	v39 =	vadd.f32 $-9.523809430e+00, v2;
	v35 =	vpop (erf);
	[tilespmem:v12+s21+$0x0] =	vst.idx.msk vm0, v27;
	(erf) = vpow2.f32 v36;
	v50 =	vmul.f32 $1.442695020e+00, v48  }
0x65: {  	v31 =	vor.u32 $0x14, v1;
	v36 =	vpop (erf);
	v37 =	vmul.f32 $1.442695020e+00, v37;
	[tilespmem:v11+s21+$0x0] =	vst.idx.msk vm0, v35;
	(erf) = vpow2.f32 v30  }
0x66: {  	v13 =	vor.u32 $0xD, v1;
	v34 =	vpop (erf);
	[tilespmem:v10+s21+$0x0] =	vst.idx.msk vm0, v36;
	v30 =	vmul.f32 v46, v44;
	(erf) = vpow2.f32 v22  }
0x67: {  	v14 =	vor.u32 $0xE, v1;
	v33 =	vpop (erf);
	v46 =	vmul.f32 $-4.961249830e+00, v40;
	[tilespmem:v9+s21+$0x0] =	vst.idx.msk vm0, v34;
	(erf) = vpow2.f32 v21  }
0x68: {  	[tilespmem:v16+s21+$0x0] =	vst.idx.msk vm0, v33;
	v33 =	vadd.f32 $-1.428571410e+01, v2;
	v21 =	vmul.f32 v45, v42;
	v30 =	vmul.f32 $1.442695020e+00, v30  }
0x69: {  	v32 =	vor.u32 $0x13, v1;
	v44 =	vpop (erf);
	v45 =	vmul.f32 $-4.961249830e+00, v39;
	v40 =	vmul.f32 v46, v40  }
0x6a: {  	v35 =	vadd.f32 $-1.460317420e+01, v2;
	v41 =	vpop (erf);
	[tilespmem:v15+s21+$0x0] =	vst.idx.msk vm0, v44;
	(erf) = vpow2.f32 v43;
	v36 =	vmul.f32 $-4.961249830e+00, v33  }
0x6b: {  	[tilespmem:v13+s21+$0x0] =	vst.idx.msk vm0, v41;
	v41 =	vadd.f32 $-1.492063520e+01, v2;
	v38 =	vmul.f32 $1.442695020e+00, v21;
	v39 =	vmul.f32 v45, v39  }
0x6c: {  	v22 =	vor.u32 $0x11, v1;
	v42 =	vpop (erf);
	v56 =	vmul.f32 $1.442695020e+00, v40;
	v45 =	vmul.f32 v59, v57  }
0x6d: {  	v57 =	vadd.f32 $-1.206349180e+01, v2;
	[tilespmem:v14+s21+$0x0] =	vst.idx.msk vm0, v42;
	v42 =	vmul.f32 $-4.961249830e+00, v35;
	v44 =	vmul.f32 $-4.961249830e+00, v41  }
0x6e: {  	v59 =	vadd.f32 $-1.238095280e+01, v2;
	(erf) = vpow2.f32 v38;
	v38 =	vmul.f32 v53, v51  }
0x6f: {  	v21 =	vor.u32 $0x12, v1;
	v54 =	vmul.f32 $1.442695020e+00, v39;
	v45 =	vmul.f32 $1.442695020e+00, v45  }
0x70: {  	v40 =	vor.u32 $0x17, v1;
	v61 =	vmul.f32 $-4.961249830e+00, v57;
	v62 =	vmul.f32 $-4.961249830e+00, v59  }
0x71: {  	v43 =	vpop (erf);
	v51 =	vadd.f32 $-1.111111070e+01, v2;
	(erf) = vpow2.f32 v30;
	v13 =	vmul.f32 v44, v41  }
0x72: {  	v47 =	vpop (erf);
	[tilespmem:v24+s21+$0x0] =	vst.idx.msk vm0, v43;
	v41 =	vadd.f32 $-1.650793650e+01, v2;
	(erf) = vpow2.f32 v29;
	v38 =	vmul.f32 $1.442695020e+00, v38  }
0x73: {  	v46 =	vpop (erf);
	[tilespmem:v23+s21+$0x0] =	vst.idx.msk vm0, v47;
	v44 =	vadd.f32 $-1.682539750e+01, v2;
	v53 =	vmul.f32 $-4.961249830e+00, v51;
	v63 =	vmul.f32 v62, v59  }
0x74: {  	v48 =	vpop (erf);
	[tilespmem:v22+s21+$0x0] =	vst.idx.msk vm0, v46;
	(erf) = vpow2.f32 v50;
	v50 =	vadd.f32 $-1.079365060e+01, v2;
	v46 =	vmul.f32 $-4.961249830e+00, v41  }
0x75: {  	v39 =	vor.u32 $0x18, v1;
	[tilespmem:v21+s21+$0x0] =	vst.idx.msk vm0, v48;
	v48 =	vmul.f32 $-4.961249830e+00, v44;
	(erf) = vpow2.f32 v37  }
0x76: {  	v30 =	vor.u32 $0x16, v1;
	v37 =	vmul.f32 v58, v55;
	v52 =	vmul.f32 $-4.961249830e+00, v50  }
0x77: {  	v29 =	vor.u32 $0x15, v1;
	v51 =	vmul.f32 v53, v51;
	(erf) = vpow2.f32 v38  }
0x78: {  	v49 =	vpop (erf);
	v59 =	vmul.f32 $1.442695020e+00, v63;
	v63 =	vadd.f32 $-1.333333300e+01, v2;
	(erf) = vpow2.f32 v54  }
0x79: {  	[tilespmem:v32+s21+$0x0] =	vst.idx.msk vm0, v49;
	v49 =	vadd.f32 $-1.746031760e+01, v2;
	v54 =	vmul.f32 $1.442695020e+00, v37;
	v50 =	vmul.f32 v52, v50  }
0x7a: {  	v60 =	vmul.f32 $1.442695020e+00, v51;
	v51 =	vadd.f32 $-1.174603180e+01, v2;
	(erf) = vpow2.f32 v56;
	v52 =	vpop (erf)  }
0x7b: {  	(erf) = vpow2.f32 v54;
	v50 =	vmul.f32 $1.442695020e+00, v50;
	v54 =	vadd.f32 $-1.142857170e+01, v2;
	v53 =	vpop (erf)  }
0x7c: {  	v38 =	vor.u32 $0x19, v1;
	v58 =	vmul.f32 $-4.961249830e+00, v51;
	(erf) = vpow2.f32 v45;
	v55 =	vpop (erf)  }
0x7d: {  	v37 =	vor.u32 $0x1A, v1;
	[tilespmem:v31+s21+$0x0] =	vst.idx.msk vm0, v52;
	v56 =	vpop (erf);
	(erf) = vpow2.f32 v50;
	v50 =	vmul.f32 $-4.961249830e+00, v54  }
0x7e: {  	v51 =	vmul.f32 v58, v51;
	v58 =	vadd.f32 $-1.269841290e+01, v2;
	[tilespmem:v29+s21+$0x0] =	vst.idx.msk vm0, v53;
	v53 =	vmul.f32 $-4.961249830e+00, v49  }
0x7f: {  	[tilespmem:v30+s21+$0x0] =	vst.idx.msk vm0, v55;
	(erf) = vpow2.f32 v60;
	v60 =	vor.u32 $0x1B, v1;
	v50 =	vmul.f32 v50, v54  }
0x80: {  	v45 =	vor.u32 $0x1C, v1;
	v51 =	vmul.f32 $1.442695020e+00, v51;
	v62 =	vmul.f32 $-4.961249830e+00, v58;
	v20 =	vpop (erf);
	[tilespmem:v40+s21+$0x0] =	vst.idx.msk vm0, v56  }
0x81: {  	v25 =	vor.u32 $0x21, v1;
	v54 =	vmul.f32 v61, v57;
	v3 =	vpop (erf);
	[tilespmem:v39+s21+$0x0] =	vst.idx.msk vm0, v20;
	v50 =	vmul.f32 $1.442695020e+00, v50  }
0x82: {  	v6 =	vor.u32 $0x1F, v1;
	v18 =	vmul.f32 v62, v58;
	v58 =	vmul.f32 $-4.961249830e+00, v63;
	v8 =	vpop (erf);
	[tilespmem:v38+s21+$0x0] =	vst.idx.msk vm0, v3  }
0x83: {  	v62 =	vadd.f32 $-1.396825410e+01, v2;
	v54 =	vmul.f32 $1.442695020e+00, v54;
	v7 =	vpop (erf);
	[tilespmem:v37+s21+$0x0] =	vst.idx.msk vm0, v8;
	(erf) = vpow2.f32 v50  }
0x84: {  	v61 =	vadd.f32 $-1.301587300e+01, v2;
	v18 =	vmul.f32 $1.442695020e+00, v18;
	v10 =	vpop (erf);
	[tilespmem:v60+s21+$0x0] =	vst.idx.msk vm0, v7;
	(erf) = vpow2.f32 v51  }
0x85: {  	v57 =	vadd.f32 $-1.365079400e+01, v2;
	v34 =	vmul.f32 $-4.961249830e+00, v62;
	v9 =	vpop (erf);
	[tilespmem:v45+s21+$0x0] =	vst.idx.msk vm0, v10;
	(erf) = vpow2.f32 v54  }
0x86: {  	v26 =	vor.u32 $0x22, v1;
	v54 =	vmul.f32 $-4.961249830e+00, v61;
	[tilespmem:v19+s21+$0x0] =	vst.idx.msk vm0, v9;
	v9 =	vmul.f32 v53, v49  }
0x87: {  	v12 =	vor.u32 $0x20, v1;
	(erf) = vpow2.f32 v59;
	v59 =	vmul.f32 $-4.961249830e+00, v57  }
0x88: {  	v51 =	vadd.f32 $-1.523809530e+01, v2;
	v5 =	vmul.f32 v54, v61;
	v61 =	vmul.f32 v58, v63  }
0x89: {  	v14 =	vor.u32 $0x23, v1;
	v16 =	vpop (erf);
	(erf) = vpow2.f32 v18;
	v18 =	vmul.f32 v42, v35  }
0x8a: {  	v60 =	vadd.f32 $-1.777777860e+01, v2;
	v15 =	vpop (erf);
	[tilespmem:v4+s21+$0x0] =	vst.idx.msk vm0, v16;
	v54 =	vmul.f32 $1.442695020e+00, v13;
	v58 =	vmul.f32 $-4.961249830e+00, v51  }
0x8b: {  	v22 =	vpop (erf);
	[tilespmem:v6+s21+$0x0] =	vst.idx.msk vm0, v15;
	v17 =	vmul.f32 v59, v57;
	v57 =	vadd.f32 $-1.555555530e+01, v2;
	v5 =	vmul.f32 $1.442695020e+00, v5  }
0x8c: {  	v21 =	vpop (erf);
	[tilespmem:v12+s21+$0x0] =	vst.idx.msk vm0, v22;
	v22 =	vadd.f32 $-1.841269870e+01, v2;
	v11 =	vmul.f32 $1.442695020e+00, v61;
	v50 =	vmul.f32 $1.442695020e+00, v18  }
0x8d: {  	v24 =	vor.u32 $0x24, v1;
	v27 =	vpop (erf);
	[tilespmem:v25+s21+$0x0] =	vst.idx.msk vm0, v21;
	v21 =	vmul.f32 $-4.961249830e+00, v60;
	v63 =	vmul.f32 $1.442695020e+00, v17  }
0x8e: {  	v23 =	vor.u32 $0x25, v1;
	v61 =	vmul.f32 $-4.961249830e+00, v57;
	[tilespmem:v26+s21+$0x0] =	vst.idx.msk vm0, v27;
	v27 =	vmul.f32 $-4.961249830e+00, v22  }
0x8f: {  	v59 =	vadd.f32 $-1.587301540e+01, v2;
	(erf) = vpow2.f32 v5;
	v5 =	vmul.f32 v36, v33  }
0x90: {  	v17 =	vor.u32 $0x26, v1;
	(erf) = vpow2.f32 v11;
	v11 =	vmul.f32 v34, v62  }
0x91: {  	v62 =	vadd.f32 $-1.619047550e+01, v2;
	v12 =	vmul.f32 v27, v22;
	(erf) = vpow2.f32 v63  }
0x92: {  	v30 =	vor.u32 $0x27, v1;
	v28 =	vpop (erf);
	v63 =	vmul.f32 $-4.961249830e+00, v59;
	v11 =	vmul.f32 $1.442695020e+00, v11  }
0x93: {  	[tilespmem:v14+s21+$0x0] =	vst.idx.msk vm0, v28;
	v3 =	vpop (erf);
	v5 =	vmul.f32 $1.442695020e+00, v5;
	v35 =	vmul.f32 $-4.961249830e+00, v62  }
0x94: {  	v47 =	vadd.f32 $-1.714285660e+01, v2;
	v39 =	vpop (erf);
	[tilespmem:v24+s21+$0x0] =	vst.idx.msk vm0, v3;
	v18 =	vmul.f32 v63, v59;
	(erf) = vpow2.f32 v11  }
0x95: {  	v25 =	vadd.f32 $-1.873015790e+01, v2;
	v42 =	vpop (erf);
	[tilespmem:v23+s21+$0x0] =	vst.idx.msk vm0, v39;
	v11 =	vmul.f32 v58, v51;
	v13 =	vmul.f32 v35, v62  }
0x96: {  	v45 =	vpop (erf);
	[tilespmem:v17+s21+$0x0] =	vst.idx.msk vm0, v42;
	v51 =	vmul.f32 $-4.961249830e+00, v47;
	v62 =	vmul.f32 $1.442695020e+00, v9  }
0x97: {  	v63 =	vadd.f32 $-1.809523770e+01, v2;
	[tilespmem:v30+s21+$0x0] =	vst.idx.msk vm0, v45;
	v30 =	vmul.f32 $-4.961249830e+00, v25;
	v35 =	vmul.f32 $1.442695020e+00, v12  }
0x98: {  	(erf) = vpow2.f32 v5;
	v5 =	vmul.f32 v61, v57  }
0x99: {  	v40 =	vmul.f32 $1.442695020e+00, v18;
	v24 =	vmul.f32 $-4.961249830e+00, v63  }
0x9a: {  	v32 =	vor.u32 $0x28, v1;
	(erf) = vpow2.f32 v50;
	v11 =	vmul.f32 $1.442695020e+00, v11  }
0x9b: {  	v36 =	vor.u32 $0x29, v1;
	v43 =	vmul.f32 $1.442695020e+00, v13;
	v8 =	vmul.f32 v30, v25  }
0x9c: {  	(erf) = vpow2.f32 v54;
	v5 =	vmul.f32 $1.442695020e+00, v5  }
0x9d: {  	v38 =	vor.u32 $0x2A, v1;
	v54 =	vmul.f32 v51, v47;
	(erf) = vpow2.f32 v11  }
0x9e: {  	v52 =	vor.u32 $0x2C, v1;
	v56 =	vpop (erf);
	v11 =	vmul.f32 v46, v41;
	v37 =	vmul.f32 $1.442695020e+00, v8  }
0x9f: {  	[tilespmem:v32+s21+$0x0] =	vst.idx.msk vm0, v56;
	v50 =	vor.u32 $0x2B, v1;
	v58 =	vpop (erf);
	(erf) = vpow2.f32 v5;
	v5 =	vmul.f32 v48, v44  }
0xa0: {  	v59 =	vmul.f32 $1.442695020e+00, v54;
	[tilespmem:v36+s21+$0x0] =	vst.idx.msk vm0, v58;
	v36 =	vadd.f32 $-1.904761890e+01, v2;
	(erf) = vpow2.f32 v40  }
0xa1: {  	v41 =	vadd.f32 $-1.968253900e+01, v2;
	v61 =	vpop (erf);
	v11 =	vmul.f32 $1.442695020e+00, v11;
	(erf) = vpow2.f32 v43  }
0xa2: {  	[tilespmem:v38+s21+$0x0] =	vst.idx.msk vm0, v61;
	v38 =	vadd.f32 $-1.936507990e+01, v2;
	v5 =	vmul.f32 $1.442695020e+00, v5;
	v40 =	vmul.f32 $-4.961249830e+00, v36  }
0xa3: {  	v2 =	vadd.f32 $-2.000000000e+01, v2;
	v43 =	vmul.f32 $-4.961249830e+00, v41;
	(erf) = vpow2.f32 v11  }
0xa4: {  	v55 =	vor.u32 $0x2D, v1;
	v11 =	vmul.f32 v21, v60;
	v42 =	vmul.f32 $-4.961249830e+00, v38  }
0xa5: {  	v57 =	vor.u32 $0x2E, v1;
	v46 =	vmul.f32 $-4.961249830e+00, v2;
	(erf) = vpow2.f32 v5  }
0xa6: {  	v26 =	vor.u32 $0x2F, v1;
	v3 =	vpop (erf);
	v5 =	vmul.f32 v24, v63;
	v8 =	vmul.f32 v40, v36  }
0xa7: {  	v28 =	vor.u32 $0x30, v1;
	[tilespmem:v50+s21+$0x0] =	vst.idx.msk vm0, v3;
	v32 =	vpop (erf);
	(erf) = vpow2.f32 v59;
	v11 =	vmul.f32 $1.442695020e+00, v11  }
0xa8: {  	v31 =	vor.u32 $0x31, v1;
	v34 =	vpop (erf);
	[tilespmem:v52+s21+$0x0] =	vst.idx.msk vm0, v32;
	v4 =	vmul.f32 v42, v38;
	v2 =	vmul.f32 v46, v2  }
0xa9: {  	v33 =	vor.u32 $0x32, v1;
	(erf) = vpow2.f32 v62;
	v5 =	vmul.f32 $1.442695020e+00, v5;
	v3 =	vpop (erf);
	[tilespmem:v55+s21+$0x0] =	vst.idx.msk vm0, v34  }
0xaa: {  	v8 =	vmul.f32 $1.442695020e+00, v8;
	(erf) = vpow2.f32 v11;
	v39 =	vpop (erf);
	[tilespmem:v57+s21+$0x0] =	vst.idx.msk vm0, v3;
	v3 =	vor.u32 $0x33, v1  }
0xab: {  	v45 =	vor.u32 $0x34, v1;
	v11 =	vmul.f32 v43, v41;
	(erf) = vpow2.f32 v5;
	v44 =	vpop (erf);
	[tilespmem:v26+s21+$0x0] =	vst.idx.msk vm0, v39  }
0xac: {  	v48 =	vor.u32 $0x35, v1;
	v4 =	vmul.f32 $1.442695020e+00, v4;
	(erf) = vpow2.f32 v35;
	v47 =	vpop (erf);
	[tilespmem:v28+s21+$0x0] =	vst.idx.msk vm0, v44  }
0xad: {  	v50 =	vor.u32 $0x36, v1;
	v2 =	vmul.f32 $1.442695020e+00, v2;
	(erf) = vpow2.f32 v37;
	v49 =	vpop (erf);
	[tilespmem:v31+s21+$0x0] =	vst.idx.msk vm0, v47  }
0xae: {  	v52 =	vor.u32 $0x37, v1;
	v53 =	vmul.f32 $1.442695020e+00, v11;
	[tilespmem:v33+s21+$0x0] =	vst.idx.msk vm0, v49;
	v51 =	vpop (erf);
	(erf) = vpow2.f32 v8  }
0xaf: {  	v54 =	vor.u32 $0x38, v1;
	[tilespmem:v3+s21+$0x0] =	vst.idx.msk vm0, v51;
	v3 =	vpop (erf);
	(erf) = vpow2.f32 v4  }
0xb0: {  	v55 =	vor.u32 $0x39, v1;
	[tilespmem:v45+s21+$0x0] =	vst.idx.msk vm0, v3;
	v3 =	vpop (erf);
	(erf) = vpow2.f32 v53  }
0xb1: {  	v56 =	vor.u32 $0x3A, v1;
	[tilespmem:v48+s21+$0x0] =	vst.idx.msk vm0, v3;
	v3 =	vpop (erf);
	(erf) = vpow2.f32 v2  }
0xb2: {  	v2 =	vpop (erf);
	[tilespmem:v50+s21+$0x0] =	vst.idx.msk vm0, v3;
	v3 =	vor.u32 $0x3B, v1  }
0xb3: {  	v57 =	vpop (erf);
	[tilespmem:v52+s21+$0x0] =	vst.idx.msk vm0, v2;
	v2 =	vor.u32 $0x3C, v1  }
0xb4: {  	v59 =	vor.u32 $0x3D, v1;
	v58 =	vpop (erf);
	[tilespmem:v54+s21+$0x0] =	vst.idx.msk vm0, v57  }
0xb5: {  	v61 =	vor.u32 $0x3E, v1;
	v60 =	vpop (erf);
	[tilespmem:v55+s21+$0x0] =	vst.idx.msk vm0, v58  }
0xb6: {  	p1 =	sne.s32 s0, $0xF0;
	v1 =	vor.u32 $0x3F, v1;
	v62 =	vpop (erf);
	[tilespmem:v56+s21+$0x0] =	vst.idx.msk vm0, v60  }
.Ltmp0:
0xb7: {  	v63 =	vpop (erf);
	[tilespmem:v3+s21+$0x0] =	vst.idx.msk vm0, v62;
	(pc) =	sbr.rel @p1 .LBB2_3-.Ltmp0, $4  }
0xb8: {  	v3 =	vpop (erf);
	[tilespmem:v2+s21+$0x0] =	vst.idx.msk vm0, v63  }
0xb9: {  	v2 =	vpop (erf);
	[tilespmem:v59+s21+$0x0] =	vst.idx.msk vm0, v3  }
0xba: {  	[tilespmem:v61+s21+$0x0] =	vst.idx.msk vm0, v2;
	v2 =	vpop (erf)  }
0xbb: {  	s31 =	sadd.s32 $0x10, s31;
	s0 =	sadd.s32 $0x10, s0;
	[tilespmem:v1+s21+$0x0] =	vst.idx.msk vm0, v2  }
0xbc: {  	_ =	swait.ge [sflag:s22], $0x1F40  }
0xbd: {  	[sflag:s22] =	ssyncset.done $0x0  }
0xbe: {  	[sflag:s22] =	ssyncadd.s32 $0xFFFFE0C0  }
0xbf: {  	s0 =	smul.u32 $0xFA0, s12;
	_ =	swait.ge [sflag:s22], $0x1F40  }
0xc0: {  	[sflag:s22] =	ssyncset.done $0x0  }
0xc1: {  	s12 =	sadd.s32 s2, s0;
	[sflag:s22] =	ssyncadd.s32 $0xFFFFE0C0  }
0xc2: {  	[hbm4b:s12+s23] =	stream.strided.scatter [tilespmem:s21], [sflag:$0x3], $0x3E80, s24, s23, $0x38;
	[tilespmem:$0xFE00] =	vst v63  }
0xc3: {  	s0 =	sadd.s32 s0, s10  }
0xc4: {  	[hbm4b:s0+s23] =	stream.strided.scatter [tilespmem:s16], [sflag:$0x3], $0x3E80, s24, s23, $0x38;
	[tilespmem:$0xFE00] =	vst v63  }
0xc5: {  	s0 =	simm.s32 @!p0 $0x4  }
0xc6: {  	_ =	swait.ge @!p0 [sflag:s0], $0x3E80  }
0xc7: {  	[sflag:s0] =	ssyncset.done @!p0 $0x0  }
0xc8: {  	[sflag:s0] =	ssyncadd.s32 @!p0 $0xFFFFC180  }
0xc9: {  	_ =	swait.ge @!p0 [sflag:s0], $0x3E80  }
0xca: {  	[sflag:s0] =	ssyncset.done @!p0 $0x0  }
0xcb: {  	[sflag:s0] =	ssyncadd.s32 @!p0 $0xFFFFC180  }
0xcc: {  	_ =	swait.ge [sflag:s25], $0xFA  }
0xcd: {  	[sflag:s25] =	ssyncset.done $0x0  }
0xce: {  	[sflag:s25] =	ssyncadd.s32 $0xFFFFFF06  }
0xcf: {  	p0 =	seq.s32 s3, $0x31;
	_ =	swait.ge [sflag:s25], $0x100  }
0xd0: {  	s0 =	sadd.s32 @!p0 s9, s11;
	[sflag:s25] =	ssyncset.done $0x0  }
0xd1: {  	s0 =	sshll.u32 @!p0 s0, $0x5;
	[sflag:s25] =	ssyncadd.s32 $0xFFFFFF00  }
0xd2: {  	[tilespmem:s26], [sflag:$0x5] =	stream.indirect.gather [hbm4b:s7+s15], $0x40, s20, s15, $0xb8;
	[tilespmem:$0xFE00] =	vst v63  }
0xd3: {  	s0 =	sand.u32 @!p0 $0x1FFFFFC0, s0  }
0xd4: {  	[tilespmem:s29], [sflag:$0x5] =	stream.indirect.gather [hbm4b:s7+s15], $0x40, s28, s15, $0xb8;
	[tilespmem:$0xFE00] =	vst v63  }
0xd5: {  	s12 =	simm.s32 @!p0 $0x0;
	s9 =	sadd.s32 @!p0 s4, s0  }
0xd6: {  	[tilespmem:s12], [sflag:$0x1] =	stream.linear.gather @!p0 [hbm4b:s9+s12], $0xFA, $0x38;
	[tilespmem:$0xFE00] =	vst v63  }
0xd7: {  	s0 =	sadd.s32 @!p0 s5, s0;
	s9 =	simm.s32 @!p0 $0x200  }
0xd8: {  	[tilespmem:s9], [sflag:$0x1] =	stream.linear.gather @!p0 [hbm4b:s0+s12], $0x100, $0x38;
	[tilespmem:$0xFE00] =	vst v63  }
0xd9: {  	s9 =	simm.s32 $0x0;
	s0 =	simm.s32 $0x100  }
.LBB2_5:
0xda: {  	v2 =	vld [tilespmem:s0+$0x0];
	_ =	sdelay $0x4  }
0xdb: {  	v1 =	vadd.f32 $-3.174603280e-01, v2;
	v4 =	vadd.f32 $-6.349206560e-01, v2  }
0xdc: {  	v6 =	vadd.f32 $-9.523809550e-01, v2;
	v12 =	vadd.f32 $-1.904761910e+00, v2  }
0xdd: {  	v13 =	vadd.f32 $-2.222222330e+00, v2;
	v18 =	vadd.f32 $-2.857142930e+00, v2  }
0xde: {  	v3 =	vmul.f32 $-4.961249830e+00, v2;
	v22 =	vadd.f32 $-3.809523820e+00, v2;
	v24 =	vadd.f32 $-4.126984120e+00, v2  }
0xdf: {  	v30 =	vadd.f32 $-5.079365250e+00, v2;
	v35 =	vadd.f32 $-6.349206450e+00, v2;
	v5 =	vmul.f32 $-4.961249830e+00, v1  }
0xe0: {  	v37 =	vadd.f32 $-6.666666510e+00, v2;
	v3 =	vmul.f32 v3, v2;
	v7 =	vmul.f32 $-4.961249830e+00, v4  }
0xe1: {  	v42 =	vadd.f32 $-7.619047640e+00, v2;
	v9 =	vmul.f32 $-4.961249830e+00, v6;
	v14 =	vmul.f32 $-4.961249830e+00, v12  }
0xe2: {  	v44 =	vadd.f32 $-7.936507700e+00, v2;
	v15 =	vmul.f32 $-4.961249830e+00, v13;
	v8 =	vmul.f32 $-4.961249830e+00, v18  }
0xe3: {  	v49 =	vadd.f32 $-8.888889310e+00, v2;
	v25 =	vmul.f32 $-4.961249830e+00, v22;
	v27 =	vmul.f32 $-4.961249830e+00, v24  }
0xe4: {  	v51 =	vadd.f32 $-9.206349370e+00, v2;
	v32 =	vmul.f32 $-4.961249830e+00, v30;
	v38 =	vmul.f32 $-4.961249830e+00, v35  }
0xe5: {  	v55 =	vadd.f32 $-1.015873050e+01, v2;
	v39 =	vmul.f32 $-4.961249830e+00, v37;
	v45 =	vmul.f32 $-4.961249830e+00, v42  }
0xe6: {  	v57 =	vadd.f32 $-1.047619060e+01, v2;
	v46 =	vmul.f32 $-4.961249830e+00, v44;
	v52 =	vmul.f32 $-4.961249830e+00, v49  }
0xe7: {  	v53 =	vmul.f32 $-4.961249830e+00, v51;
	v58 =	vmul.f32 $-4.961249830e+00, v55  }
0xe8: {  	v59 =	vmul.f32 $-4.961249830e+00, v57;
	v1 =	vmul.f32 v5, v1  }
0xe9: {  	v3 =	vmul.f32 $1.442695020e+00, v3;
	v4 =	vmul.f32 v7, v4  }
0xea: {  	v5 =	vmul.f32 v9, v6;
	v9 =	vadd.f32 $-3.492063520e+00, v2;
	v1 =	vmul.f32 $1.442695020e+00, v1  }
0xeb: {  	v26 =	vadd.f32 $-4.444444660e+00, v2;
	(erf) = vpow2.f32 v3;
	v3 =	vmul.f32 $1.442695020e+00, v4  }
0xec: {  	v4 =	vmul.f32 v14, v12;
	v20 =	vmul.f32 $-4.961249830e+00, v9  }
0xed: {  	v12 =	vmul.f32 $-4.961249830e+00, v26;
	(erf) = vpow2.f32 v1  }
0xee: {  	v31 =	vadd.f32 $-5.396825310e+00, v2;
	v1 =	vmul.f32 $1.442695020e+00, v5;
	v5 =	vmul.f32 v15, v13  }
0xef: {  	v10 =	vadd.f32 $-1.269841310e+00, v2;
	v6 =	vmul.f32 v20, v9;
	v9 =	vmul.f32 v25, v22  }
0xf0: {  	v11 =	vadd.f32 $-1.587301610e+00, v2;
	v13 =	vmul.f32 v27, v24;
	v15 =	vmul.f32 $-4.961249830e+00, v31  }
0xf1: {  	(erf) = vpow2.f32 v3;
	v3 =	vmul.f32 $-4.961249830e+00, v10  }
0xf2: {  	(erf) = vpow2.f32 v1;
	v1 =	vmul.f32 $-4.961249830e+00, v11  }
0xf3: {  	v19 =	vadd.f32 $-3.174603220e+00, v2;
	v23 =	vmul.f32 $1.442695020e+00, v6;
	v9 =	vmul.f32 $1.442695020e+00, v9  }
0xf4: {  	v28 =	vmul.f32 $1.442695020e+00, v13;
	v13 =	vmul.f32 v15, v31  }
0xf5: {  	v31 =	vadd.f32 $-8.253968230e+00, v2;
	v3 =	vmul.f32 v3, v10;
	v10 =	vmul.f32 $-4.961249830e+00, v19  }
0xf6: {  	v1 =	vmul.f32 v1, v11;
	v13 =	vmul.f32 $1.442695020e+00, v13  }
0xf7: {  	v11 =	vadd.f32 $-4.761904720e+00, v2;
	v47 =	vmul.f32 $-4.961249830e+00, v31;
	v3 =	vmul.f32 $1.442695020e+00, v3  }
0xf8: {  	v7 =	vmul.f32 v10, v19;
	v10 =	vmul.f32 v12, v26  }
0xf9: {  	v1 =	vmul.f32 $1.442695020e+00, v1;
	v14 =	vmul.f32 $-4.961249830e+00, v11  }
0xfa: {  	v17 =	vadd.f32 $-2.539682630e+00, v2;
	(erf) = vpow2.f32 v3;
	v3 =	vmul.f32 $1.442695020e+00, v4  }
0xfb: {  	v16 =	vor.u32 s9, v0;
	v7 =	vmul.f32 $1.442695020e+00, v7;
	(erf) = vpow2.f32 v1  }
0xfc: {  	vm0 =	vlt.u32 v16, $0xFA;
	(erf) = vpow2.f32 v3;
	v3 =	vmul.f32 $-4.961249830e+00, v17  }
0xfd: {  	v33 =	vadd.f32 $-5.714285850e+00, v2;
	v29 =	vmul.f32 $1.442695020e+00, v10;
	v1 =	vmul.f32 $1.442695020e+00, v5  }
0xfe: {  	v24 =	vadd.f32 $-7.301587100e+00, v2;
	v5 =	vmul.f32 v8, v18;
	v3 =	vmul.f32 v3, v17  }
0xff: {  	v11 =	vmul.f32 v14, v11;
	(erf) = vpow2.f32 v1;
	v1 =	vshll.u32 v16, $0x6  }
0x100: {  	v5 =	vmul.f32 $1.442695020e+00, v5;
	v16 =	vadd.f32 $-6.031745910e+00, v2;
	v21 =	vmul.f32 $1.442695020e+00, v3  }
0x101: {  	v11 =	vmul.f32 $1.442695020e+00, v11;
	v4 =	vor.u32 $0x1, v1;
	v8 =	vor.u32 $0x3, v1  }
0x102: {  	v6 =	vor.u32 $0x6, v1;
	v34 =	vmul.f32 $-4.961249830e+00, v16;
	(erf) = vpow2.f32 v21  }
0x103: {  	v12 =	vor.u32 $0x7, v1;
	v21 =	vmul.f32 $-4.961249830e+00, v33;
	(erf) = vpow2.f32 v5  }
0x104: {  	v10 =	vor.u32 $0x9, v1;
	v15 =	vmul.f32 v34, v16;
	(erf) = vpow2.f32 v7  }
0x105: {  	v19 =	vpop (erf);
	v3 =	vor.u32 $0x2, v1;
	v14 =	vmul.f32 v21, v33;
	(erf) = vpow2.f32 v23  }
0x106: {  	v20 =	vpop (erf);
	v36 =	vmul.f32 $1.442695020e+00, v15;
	v23 =	vadd.f32 $-6.984127040e+00, v2;
	(erf) = vpow2.f32 v9  }
0x107: {  	v16 =	vor.u32 $0xB, v1;
	v9 =	vmul.f32 v32, v30;
	v14 =	vmul.f32 $1.442695020e+00, v14  }
0x108: {  	v18 =	vpop (erf);
	[tilespmem:v1+s30+$0x0] =	vst.idx.msk vm0, v19;
	v19 =	vor.u32 $0x1D, v1;
	(erf) = vpow2.f32 v28;
	v40 =	vmul.f32 $-4.961249830e+00, v23  }
0x109: {  	v17 =	vpop (erf);
	v5 =	vor.u32 $0x5, v1;
	(erf) = vpow2.f32 v29;
	v22 =	vmul.f32 $1.442695020e+00, v9  }
0x10a: {  	v7 =	vor.u32 $0x4, v1;
	v28 =	vpop (erf);
	v29 =	vmul.f32 $-4.961249830e+00, v24;
	(erf) = vpow2.f32 v11  }
0x10b: {  	v32 =	vadd.f32 $-8.571428290e+00, v2;
	v25 =	vpop (erf);
	v21 =	vmul.f32 v40, v23;
	(erf) = vpow2.f32 v22  }
0x10c: {  	v15 =	vor.u32 $0xC, v1;
	v22 =	vmul.f32 v39, v37;
	v41 =	vmul.f32 v29, v24  }
0x10d: {  	[tilespmem:v4+s30+$0x0] =	vst.idx.msk vm0, v20;
	v4 =	vor.u32 $0x1E, v1;
	v37 =	vmul.f32 $-4.961249830e+00, v32;
	v29 =	vmul.f32 v47, v31  }
0x10e: {  	[tilespmem:v3+s30+$0x0] =	vst.idx.msk vm0, v18;
	v9 =	vor.u32 $0xA, v1;
	v26 =	vpop (erf);
	(erf) = vpow2.f32 v13;
	v21 =	vmul.f32 $1.442695020e+00, v21  }
0x10f: {  	[tilespmem:v8+s30+$0x0] =	vst.idx.msk vm0, v17;
	v11 =	vor.u32 $0x8, v1;
	(erf) = vpow2.f32 v14;
	v14 =	vmul.f32 v38, v35  }
0x110: {  	v23 =	vor.u32 $0x10, v1;
	[tilespmem:v7+s30+$0x0] =	vst.idx.msk vm0, v28;
	v22 =	vmul.f32 $1.442695020e+00, v22;
	v43 =	vmul.f32 $1.442695020e+00, v41  }
0x111: {  	v40 =	vadd.f32 $-9.841269490e+00, v2;
	[tilespmem:v5+s30+$0x0] =	vst.idx.msk vm0, v25;
	v48 =	vmul.f32 v37, v32;
	v29 =	vmul.f32 $1.442695020e+00, v29  }
0x112: {  	v27 =	vpop (erf);
	v24 =	vor.u32 $0xF, v1;
	[tilespmem:v6+s30+$0x0] =	vst.idx.msk vm0, v26;
	v37 =	vmul.f32 v52, v49;
	v30 =	vmul.f32 $1.442695020e+00, v14  }
0x113: {  	v39 =	vadd.f32 $-9.523809430e+00, v2;
	v35 =	vpop (erf);
	[tilespmem:v12+s30+$0x0] =	vst.idx.msk vm0, v27;
	(erf) = vpow2.f32 v36;
	v50 =	vmul.f32 $1.442695020e+00, v48  }
0x114: {  	v31 =	vor.u32 $0x14, v1;
	v36 =	vpop (erf);
	v37 =	vmul.f32 $1.442695020e+00, v37;
	[tilespmem:v11+s30+$0x0] =	vst.idx.msk vm0, v35;
	(erf) = vpow2.f32 v30  }
0x115: {  	v13 =	vor.u32 $0xD, v1;
	v34 =	vpop (erf);
	[tilespmem:v10+s30+$0x0] =	vst.idx.msk vm0, v36;
	v30 =	vmul.f32 v46, v44;
	(erf) = vpow2.f32 v22  }
0x116: {  	v14 =	vor.u32 $0xE, v1;
	v33 =	vpop (erf);
	v46 =	vmul.f32 $-4.961249830e+00, v40;
	[tilespmem:v9+s30+$0x0] =	vst.idx.msk vm0, v34;
	(erf) = vpow2.f32 v21  }
0x117: {  	[tilespmem:v16+s30+$0x0] =	vst.idx.msk vm0, v33;
	v33 =	vadd.f32 $-1.428571410e+01, v2;
	v21 =	vmul.f32 v45, v42;
	v30 =	vmul.f32 $1.442695020e+00, v30  }
0x118: {  	v32 =	vor.u32 $0x13, v1;
	v44 =	vpop (erf);
	v45 =	vmul.f32 $-4.961249830e+00, v39;
	v40 =	vmul.f32 v46, v40  }
0x119: {  	v35 =	vadd.f32 $-1.460317420e+01, v2;
	v41 =	vpop (erf);
	[tilespmem:v15+s30+$0x0] =	vst.idx.msk vm0, v44;
	(erf) = vpow2.f32 v43;
	v36 =	vmul.f32 $-4.961249830e+00, v33  }
0x11a: {  	[tilespmem:v13+s30+$0x0] =	vst.idx.msk vm0, v41;
	v41 =	vadd.f32 $-1.492063520e+01, v2;
	v38 =	vmul.f32 $1.442695020e+00, v21;
	v39 =	vmul.f32 v45, v39  }
0x11b: {  	v22 =	vor.u32 $0x11, v1;
	v42 =	vpop (erf);
	v56 =	vmul.f32 $1.442695020e+00, v40;
	v45 =	vmul.f32 v59, v57  }
0x11c: {  	v57 =	vadd.f32 $-1.206349180e+01, v2;
	[tilespmem:v14+s30+$0x0] =	vst.idx.msk vm0, v42;
	v42 =	vmul.f32 $-4.961249830e+00, v35;
	v44 =	vmul.f32 $-4.961249830e+00, v41  }
0x11d: {  	v59 =	vadd.f32 $-1.238095280e+01, v2;
	(erf) = vpow2.f32 v38;
	v38 =	vmul.f32 v53, v51  }
0x11e: {  	v21 =	vor.u32 $0x12, v1;
	v54 =	vmul.f32 $1.442695020e+00, v39;
	v45 =	vmul.f32 $1.442695020e+00, v45  }
0x11f: {  	v40 =	vor.u32 $0x17, v1;
	v61 =	vmul.f32 $-4.961249830e+00, v57;
	v62 =	vmul.f32 $-4.961249830e+00, v59  }
0x120: {  	v43 =	vpop (erf);
	v51 =	vadd.f32 $-1.111111070e+01, v2;
	(erf) = vpow2.f32 v30;
	v13 =	vmul.f32 v44, v41  }
0x121: {  	v47 =	vpop (erf);
	[tilespmem:v24+s30+$0x0] =	vst.idx.msk vm0, v43;
	v41 =	vadd.f32 $-1.650793650e+01, v2;
	(erf) = vpow2.f32 v29;
	v38 =	vmul.f32 $1.442695020e+00, v38  }
0x122: {  	v46 =	vpop (erf);
	[tilespmem:v23+s30+$0x0] =	vst.idx.msk vm0, v47;
	v44 =	vadd.f32 $-1.682539750e+01, v2;
	v53 =	vmul.f32 $-4.961249830e+00, v51;
	v63 =	vmul.f32 v62, v59  }
0x123: {  	v48 =	vpop (erf);
	[tilespmem:v22+s30+$0x0] =	vst.idx.msk vm0, v46;
	(erf) = vpow2.f32 v50;
	v50 =	vadd.f32 $-1.079365060e+01, v2;
	v46 =	vmul.f32 $-4.961249830e+00, v41  }
0x124: {  	v39 =	vor.u32 $0x18, v1;
	[tilespmem:v21+s30+$0x0] =	vst.idx.msk vm0, v48;
	v48 =	vmul.f32 $-4.961249830e+00, v44;
	(erf) = vpow2.f32 v37  }
0x125: {  	v30 =	vor.u32 $0x16, v1;
	v37 =	vmul.f32 v58, v55;
	v52 =	vmul.f32 $-4.961249830e+00, v50  }
0x126: {  	v29 =	vor.u32 $0x15, v1;
	v51 =	vmul.f32 v53, v51;
	(erf) = vpow2.f32 v38  }
0x127: {  	v49 =	vpop (erf);
	v59 =	vmul.f32 $1.442695020e+00, v63;
	v63 =	vadd.f32 $-1.333333300e+01, v2;
	(erf) = vpow2.f32 v54  }
0x128: {  	[tilespmem:v32+s30+$0x0] =	vst.idx.msk vm0, v49;
	v49 =	vadd.f32 $-1.746031760e+01, v2;
	v54 =	vmul.f32 $1.442695020e+00, v37;
	v50 =	vmul.f32 v52, v50  }
0x129: {  	v60 =	vmul.f32 $1.442695020e+00, v51;
	v51 =	vadd.f32 $-1.174603180e+01, v2;
	(erf) = vpow2.f32 v56;
	v52 =	vpop (erf)  }
0x12a: {  	(erf) = vpow2.f32 v54;
	v50 =	vmul.f32 $1.442695020e+00, v50;
	v54 =	vadd.f32 $-1.142857170e+01, v2;
	v53 =	vpop (erf)  }
0x12b: {  	v38 =	vor.u32 $0x19, v1;
	v58 =	vmul.f32 $-4.961249830e+00, v51;
	(erf) = vpow2.f32 v45;
	v55 =	vpop (erf)  }
0x12c: {  	v37 =	vor.u32 $0x1A, v1;
	[tilespmem:v31+s30+$0x0] =	vst.idx.msk vm0, v52;
	v56 =	vpop (erf);
	(erf) = vpow2.f32 v50;
	v50 =	vmul.f32 $-4.961249830e+00, v54  }
0x12d: {  	v51 =	vmul.f32 v58, v51;
	v58 =	vadd.f32 $-1.269841290e+01, v2;
	[tilespmem:v29+s30+$0x0] =	vst.idx.msk vm0, v53;
	v53 =	vmul.f32 $-4.961249830e+00, v49  }
0x12e: {  	[tilespmem:v30+s30+$0x0] =	vst.idx.msk vm0, v55;
	(erf) = vpow2.f32 v60;
	v60 =	vor.u32 $0x1B, v1;
	v50 =	vmul.f32 v50, v54  }
0x12f: {  	v45 =	vor.u32 $0x1C, v1;
	v51 =	vmul.f32 $1.442695020e+00, v51;
	v62 =	vmul.f32 $-4.961249830e+00, v58;
	v20 =	vpop (erf);
	[tilespmem:v40+s30+$0x0] =	vst.idx.msk vm0, v56  }
0x130: {  	v25 =	vor.u32 $0x21, v1;
	v54 =	vmul.f32 v61, v57;
	v3 =	vpop (erf);
	[tilespmem:v39+s30+$0x0] =	vst.idx.msk vm0, v20;
	v50 =	vmul.f32 $1.442695020e+00, v50  }
0x131: {  	v6 =	vor.u32 $0x1F, v1;
	v18 =	vmul.f32 v62, v58;
	v58 =	vmul.f32 $-4.961249830e+00, v63;
	v8 =	vpop (erf);
	[tilespmem:v38+s30+$0x0] =	vst.idx.msk vm0, v3  }
0x132: {  	v62 =	vadd.f32 $-1.396825410e+01, v2;
	v54 =	vmul.f32 $1.442695020e+00, v54;
	v7 =	vpop (erf);
	[tilespmem:v37+s30+$0x0] =	vst.idx.msk vm0, v8;
	(erf) = vpow2.f32 v50  }
0x133: {  	v61 =	vadd.f32 $-1.301587300e+01, v2;
	v18 =	vmul.f32 $1.442695020e+00, v18;
	v10 =	vpop (erf);
	[tilespmem:v60+s30+$0x0] =	vst.idx.msk vm0, v7;
	(erf) = vpow2.f32 v51  }
0x134: {  	v57 =	vadd.f32 $-1.365079400e+01, v2;
	v34 =	vmul.f32 $-4.961249830e+00, v62;
	v9 =	vpop (erf);
	[tilespmem:v45+s30+$0x0] =	vst.idx.msk vm0, v10;
	(erf) = vpow2.f32 v54  }
0x135: {  	v26 =	vor.u32 $0x22, v1;
	v54 =	vmul.f32 $-4.961249830e+00, v61;
	[tilespmem:v19+s30+$0x0] =	vst.idx.msk vm0, v9;
	v9 =	vmul.f32 v53, v49  }
0x136: {  	v12 =	vor.u32 $0x20, v1;
	(erf) = vpow2.f32 v59;
	v59 =	vmul.f32 $-4.961249830e+00, v57  }
0x137: {  	v51 =	vadd.f32 $-1.523809530e+01, v2;
	v5 =	vmul.f32 v54, v61;
	v61 =	vmul.f32 v58, v63  }
0x138: {  	v14 =	vor.u32 $0x23, v1;
	v16 =	vpop (erf);
	(erf) = vpow2.f32 v18;
	v18 =	vmul.f32 v42, v35  }
0x139: {  	v60 =	vadd.f32 $-1.777777860e+01, v2;
	v15 =	vpop (erf);
	[tilespmem:v4+s30+$0x0] =	vst.idx.msk vm0, v16;
	v54 =	vmul.f32 $1.442695020e+00, v13;
	v58 =	vmul.f32 $-4.961249830e+00, v51  }
0x13a: {  	v22 =	vpop (erf);
	[tilespmem:v6+s30+$0x0] =	vst.idx.msk vm0, v15;
	v17 =	vmul.f32 v59, v57;
	v57 =	vadd.f32 $-1.555555530e+01, v2;
	v5 =	vmul.f32 $1.442695020e+00, v5  }
0x13b: {  	v21 =	vpop (erf);
	[tilespmem:v12+s30+$0x0] =	vst.idx.msk vm0, v22;
	v22 =	vadd.f32 $-1.841269870e+01, v2;
	v11 =	vmul.f32 $1.442695020e+00, v61;
	v50 =	vmul.f32 $1.442695020e+00, v18  }
0x13c: {  	v24 =	vor.u32 $0x24, v1;
	v27 =	vpop (erf);
	[tilespmem:v25+s30+$0x0] =	vst.idx.msk vm0, v21;
	v21 =	vmul.f32 $-4.961249830e+00, v60;
	v63 =	vmul.f32 $1.442695020e+00, v17  }
0x13d: {  	v23 =	vor.u32 $0x25, v1;
	v61 =	vmul.f32 $-4.961249830e+00, v57;
	[tilespmem:v26+s30+$0x0] =	vst.idx.msk vm0, v27;
	v27 =	vmul.f32 $-4.961249830e+00, v22  }
0x13e: {  	v59 =	vadd.f32 $-1.587301540e+01, v2;
	(erf) = vpow2.f32 v5;
	v5 =	vmul.f32 v36, v33  }
0x13f: {  	v17 =	vor.u32 $0x26, v1;
	(erf) = vpow2.f32 v11;
	v11 =	vmul.f32 v34, v62  }
0x140: {  	v62 =	vadd.f32 $-1.619047550e+01, v2;
	v12 =	vmul.f32 v27, v22;
	(erf) = vpow2.f32 v63  }
0x141: {  	v30 =	vor.u32 $0x27, v1;
	v28 =	vpop (erf);
	v63 =	vmul.f32 $-4.961249830e+00, v59;
	v11 =	vmul.f32 $1.442695020e+00, v11  }
0x142: {  	[tilespmem:v14+s30+$0x0] =	vst.idx.msk vm0, v28;
	v3 =	vpop (erf);
	v5 =	vmul.f32 $1.442695020e+00, v5;
	v35 =	vmul.f32 $-4.961249830e+00, v62  }
0x143: {  	v47 =	vadd.f32 $-1.714285660e+01, v2;
	v39 =	vpop (erf);
	[tilespmem:v24+s30+$0x0] =	vst.idx.msk vm0, v3;
	v18 =	vmul.f32 v63, v59;
	(erf) = vpow2.f32 v11  }
0x144: {  	v25 =	vadd.f32 $-1.873015790e+01, v2;
	v42 =	vpop (erf);
	[tilespmem:v23+s30+$0x0] =	vst.idx.msk vm0, v39;
	v11 =	vmul.f32 v58, v51;
	v13 =	vmul.f32 v35, v62  }
0x145: {  	v45 =	vpop (erf);
	[tilespmem:v17+s30+$0x0] =	vst.idx.msk vm0, v42;
	v51 =	vmul.f32 $-4.961249830e+00, v47;
	v62 =	vmul.f32 $1.442695020e+00, v9  }
0x146: {  	v63 =	vadd.f32 $-1.809523770e+01, v2;
	[tilespmem:v30+s30+$0x0] =	vst.idx.msk vm0, v45;
	v30 =	vmul.f32 $-4.961249830e+00, v25;
	v35 =	vmul.f32 $1.442695020e+00, v12  }
0x147: {  	(erf) = vpow2.f32 v5;
	v5 =	vmul.f32 v61, v57  }
0x148: {  	v40 =	vmul.f32 $1.442695020e+00, v18;
	v24 =	vmul.f32 $-4.961249830e+00, v63  }
0x149: {  	v32 =	vor.u32 $0x28, v1;
	(erf) = vpow2.f32 v50;
	v11 =	vmul.f32 $1.442695020e+00, v11  }
0x14a: {  	v36 =	vor.u32 $0x29, v1;
	v43 =	vmul.f32 $1.442695020e+00, v13;
	v8 =	vmul.f32 v30, v25  }
0x14b: {  	(erf) = vpow2.f32 v54;
	v5 =	vmul.f32 $1.442695020e+00, v5  }
0x14c: {  	v38 =	vor.u32 $0x2A, v1;
	v54 =	vmul.f32 v51, v47;
	(erf) = vpow2.f32 v11  }
0x14d: {  	v52 =	vor.u32 $0x2C, v1;
	v56 =	vpop (erf);
	v11 =	vmul.f32 v46, v41;
	v37 =	vmul.f32 $1.442695020e+00, v8  }
0x14e: {  	[tilespmem:v32+s30+$0x0] =	vst.idx.msk vm0, v56;
	v50 =	vor.u32 $0x2B, v1;
	v58 =	vpop (erf);
	(erf) = vpow2.f32 v5;
	v5 =	vmul.f32 v48, v44  }
0x14f: {  	v59 =	vmul.f32 $1.442695020e+00, v54;
	[tilespmem:v36+s30+$0x0] =	vst.idx.msk vm0, v58;
	v36 =	vadd.f32 $-1.904761890e+01, v2;
	(erf) = vpow2.f32 v40  }
0x150: {  	v41 =	vadd.f32 $-1.968253900e+01, v2;
	v61 =	vpop (erf);
	v11 =	vmul.f32 $1.442695020e+00, v11;
	(erf) = vpow2.f32 v43  }
0x151: {  	[tilespmem:v38+s30+$0x0] =	vst.idx.msk vm0, v61;
	v38 =	vadd.f32 $-1.936507990e+01, v2;
	v5 =	vmul.f32 $1.442695020e+00, v5;
	v40 =	vmul.f32 $-4.961249830e+00, v36  }
0x152: {  	v2 =	vadd.f32 $-2.000000000e+01, v2;
	v43 =	vmul.f32 $-4.961249830e+00, v41;
	(erf) = vpow2.f32 v11  }
0x153: {  	v55 =	vor.u32 $0x2D, v1;
	v11 =	vmul.f32 v21, v60;
	v42 =	vmul.f32 $-4.961249830e+00, v38  }
0x154: {  	v57 =	vor.u32 $0x2E, v1;
	v46 =	vmul.f32 $-4.961249830e+00, v2;
	(erf) = vpow2.f32 v5  }
0x155: {  	v26 =	vor.u32 $0x2F, v1;
	v3 =	vpop (erf);
	v5 =	vmul.f32 v24, v63;
	v8 =	vmul.f32 v40, v36  }
0x156: {  	v28 =	vor.u32 $0x30, v1;
	[tilespmem:v50+s30+$0x0] =	vst.idx.msk vm0, v3;
	v32 =	vpop (erf);
	(erf) = vpow2.f32 v59;
	v11 =	vmul.f32 $1.442695020e+00, v11  }
0x157: {  	v31 =	vor.u32 $0x31, v1;
	v34 =	vpop (erf);
	[tilespmem:v52+s30+$0x0] =	vst.idx.msk vm0, v32;
	v4 =	vmul.f32 v42, v38;
	v2 =	vmul.f32 v46, v2  }
0x158: {  	v33 =	vor.u32 $0x32, v1;
	(erf) = vpow2.f32 v62;
	v5 =	vmul.f32 $1.442695020e+00, v5;
	v3 =	vpop (erf);
	[tilespmem:v55+s30+$0x0] =	vst.idx.msk vm0, v34  }
0x159: {  	v8 =	vmul.f32 $1.442695020e+00, v8;
	(erf) = vpow2.f32 v11;
	v39 =	vpop (erf);
	[tilespmem:v57+s30+$0x0] =	vst.idx.msk vm0, v3;
	v3 =	vor.u32 $0x33, v1  }
0x15a: {  	v45 =	vor.u32 $0x34, v1;
	v11 =	vmul.f32 v43, v41;
	(erf) = vpow2.f32 v5;
	v44 =	vpop (erf);
	[tilespmem:v26+s30+$0x0] =	vst.idx.msk vm0, v39  }
0x15b: {  	v48 =	vor.u32 $0x35, v1;
	v4 =	vmul.f32 $1.442695020e+00, v4;
	(erf) = vpow2.f32 v35;
	v47 =	vpop (erf);
	[tilespmem:v28+s30+$0x0] =	vst.idx.msk vm0, v44  }
0x15c: {  	v50 =	vor.u32 $0x36, v1;
	v2 =	vmul.f32 $1.442695020e+00, v2;
	(erf) = vpow2.f32 v37;
	v49 =	vpop (erf);
	[tilespmem:v31+s30+$0x0] =	vst.idx.msk vm0, v47  }
0x15d: {  	v52 =	vor.u32 $0x37, v1;
	v53 =	vmul.f32 $1.442695020e+00, v11;
	[tilespmem:v33+s30+$0x0] =	vst.idx.msk vm0, v49;
	v51 =	vpop (erf);
	(erf) = vpow2.f32 v8  }
0x15e: {  	v54 =	vor.u32 $0x38, v1;
	[tilespmem:v3+s30+$0x0] =	vst.idx.msk vm0, v51;
	v3 =	vpop (erf);
	(erf) = vpow2.f32 v4  }
0x15f: {  	v55 =	vor.u32 $0x39, v1;
	[tilespmem:v45+s30+$0x0] =	vst.idx.msk vm0, v3;
	v3 =	vpop (erf);
	(erf) = vpow2.f32 v53  }
0x160: {  	v56 =	vor.u32 $0x3A, v1;
	[tilespmem:v48+s30+$0x0] =	vst.idx.msk vm0, v3;
	v3 =	vpop (erf);
	(erf) = vpow2.f32 v2  }
0x161: {  	v2 =	vpop (erf);
	[tilespmem:v50+s30+$0x0] =	vst.idx.msk vm0, v3;
	v3 =	vor.u32 $0x3B, v1  }
0x162: {  	v57 =	vpop (erf);
	[tilespmem:v52+s30+$0x0] =	vst.idx.msk vm0, v2;
	v2 =	vor.u32 $0x3C, v1  }
0x163: {  	v59 =	vor.u32 $0x3D, v1;
	v58 =	vpop (erf);
	[tilespmem:v54+s30+$0x0] =	vst.idx.msk vm0, v57  }
0x164: {  	v61 =	vor.u32 $0x3E, v1;
	v60 =	vpop (erf);
	[tilespmem:v55+s30+$0x0] =	vst.idx.msk vm0, v58  }
0x165: {  	p0 =	sne.s32 s9, $0xF0;
	v1 =	vor.u32 $0x3F, v1;
	v62 =	vpop (erf);
	[tilespmem:v56+s30+$0x0] =	vst.idx.msk vm0, v60  }
.Ltmp1:
0x166: {  	v63 =	vpop (erf);
	[tilespmem:v3+s30+$0x0] =	vst.idx.msk vm0, v62;
	(pc) =	sbr.rel @p0 .LBB2_5-.Ltmp1, $4  }
0x167: {  	v3 =	vpop (erf);
	[tilespmem:v2+s30+$0x0] =	vst.idx.msk vm0, v63  }
0x168: {  	v2 =	vpop (erf);
	[tilespmem:v59+s30+$0x0] =	vst.idx.msk vm0, v3  }
0x169: {  	[tilespmem:v61+s30+$0x0] =	vst.idx.msk vm0, v2;
	v2 =	vpop (erf)  }
0x16a: {  	s0 =	sadd.s32 $0x10, s0;
	s9 =	sadd.s32 $0x10, s9;
	[tilespmem:v1+s30+$0x0] =	vst.idx.msk vm0, v2  }
0x16b: {  	_ =	swait.ge [sflag:s22], $0x1F40  }
0x16c: {  	[sflag:s22] =	ssyncset.done $0x0  }
0x16d: {  	s3 =	sadd.s32 $0x1, s3;
	[sflag:s22] =	ssyncadd.s32 $0xFFFFE0C0  }
0x16e: {  	s0 =	smul.u32 $0xFA0, s8;
	p0 =	sne.s32 s3, $0x32;
	_ =	swait.ge [sflag:s22], $0x1F40  }
.Ltmp2:
0x16f: {  	[sflag:s22] =	ssyncset.done $0x0;
	(pc) =	sbr.rel @p0 .LBB2_2-.Ltmp2, $4  }
0x170: {  	s8 =	sadd.s32 s2, s0;
	[sflag:s22] =	ssyncadd.s32 $0xFFFFE0C0  }
0x171: {  	[hbm4b:s8+s23] =	stream.strided.scatter [tilespmem:s30], [sflag:$0x4], $0x3E80, s24, s23, $0x38;
	[tilespmem:$0xFE00] =	vst v63  }
0x172: {  	s0 =	sadd.s32 s0, s10  }
0x173: {  	[hbm4b:s0+s23] =	stream.strided.scatter [tilespmem:s26], [sflag:$0x4], $0x3E80, s24, s23, $0x38;
	[tilespmem:$0xFE00] =	vst v63  }
0x174: {  	s0 =	simm.s32 $0x3  }
0x175: {  	_ =	swait.ge [sflag:s0], $0x3E80  }
0x176: {  	[sflag:s0] =	ssyncset.done $0x0  }
0x177: {  	[sflag:s0] =	ssyncadd.s32 $0xFFFFC180  }
0x178: {  	_ =	swait.ge [sflag:s0], $0x3E80  }
0x179: {  	[sflag:s0] =	ssyncset.done $0x0  }
0x17a: {  	s3 =	simm.s32 $0x4;
	[sflag:s0] =	ssyncadd.s32 $0xFFFFC180  }
0x17b: {  	_ =	swait.ge [sflag:s3], $0x3E80  }
0x17c: {  	[sflag:s3] =	ssyncset.done $0x0  }
0x17d: {  	[sflag:s3] =	ssyncadd.s32 $0xFFFFC180  }
0x17e: {  	_ =	swait.ge [sflag:s3], $0x3E80  }
0x17f: {  	s1 =	sadd.s32 $0x1, s1;
	s31 =	rddreg [dreg:$0x5]  }
0x180: {  	p0 =	sne.s32 s1, s31  }
.Ltmp3:
0x181: {  	_ = 	snop;
	(pc) =	sbr.rel @p0 .LBB2_1-.Ltmp3, $3  }
0x182: {  	_ =	sdelay $0x1  }
0x183: {  	[sflag:s3] =	ssyncset.done $0x0  }
0x184: {  	[sflag:s3] =	ssyncadd.s32 $0xFFFFC180  }
0x185: {  	_ =	sfence.sel $0x180000  }
0x186: {  	[bflag:$0x0] =	sbarrier.arrive $0xFFFF  }
0x187: {  	_ =	strace $0x90000047  }
0x188: {  	s0 =	stileid.u32;
	[bflag:$0x2] =	sbarrier.arrive $0xFFFF  }
0x189: {  	p0 =	sne.s32 s0, $0x0;
	s0 =	rddreg [dreg:$0x2]  }
0x18a: {  	s0 =	sadd.s32 @!p0 $0x100000, s0  }
0x18b: {  	[sflag:s0] =	ssyncadd.tile.s32 @!p0 $0x1;
	_ =	shalt  }
.Lfunc_end2:
_tile_overlayer_lowered:
.L_overlay_start_2:
0x18c: {  	(tag) =	ssettag $0x2  }
0x18d: {  	s0 =	rddreg [dreg:$0x0];
	s2 =	stileid.u32  }
0x18e: {  	s1 =	rddreg [dreg:$0x1];
	p0 =	sne.s32 s2, $0x0  }
0x18f: {  	s3 =	rddreg [dreg:$0x2];
	[bflag:$0x3] =	sbarrier.arrive $0xFFFF;
	s2 =	simm.s32 @!p0 $0x1C06  }
0x190: {  	[timem:s3], [sflag:s2] =	dma.local @!p0 [hbm:s0], s1  }
0x191: {  	s0 =	simm.s32 @!p0 $0x6  }
0x192: {  	_ =	swait.ge @!p0 [sflag:s0], s1  }
0x193: {  	s1 =	ssub.s32 @!p0 $0x0, s1;
	[sflag:s0] =	ssyncset.done @!p0 $0x0  }
0x194: {  	[sflag:s0] =	ssyncadd.s32 @!p0 s1  }
0x195: {  	[bflag:$0x3] =	sbarrier.arrive $0xFFFF  }
0x196: {  	_ =	shalt  }

</sc_bundles>
